<compile_context>
chip_gen: v7x
topology: tpu7x:2x2x1
jax: 0.10.2.dev20260603
libtpu: 0.0.44.dev20260713+nightly
codegen_flags: <defaults>
</compile_context>

<pallas_src>
import functools

import jax
import jax.numpy as jnp
import numpy as np
from jax import lax
from jax.experimental import pallas as pl
from jax.experimental.pallas import tpu as pltpu
from jax.experimental.pallas import tpu_sc as plsc

F = 26
D = 32
DH = 16
B = 1024
VB = 1000
VW = 1152
L = 16

NC, NS = 2, 16
NW = NC * NS
NG = B // L

_II, _JJ = np.triu_indices(F, k=1)
N_UNITS = 2 * len(_II) + F
NU_PAD = ((N_UNITS + NW - 1) // NW) * NW
NU_BASE = N_UNITS // NW
NU_EXTRA = N_UNITS - NU_BASE * NW


def _build_meta() -> np.ndarray:
    m = np.zeros((NU_PAD, 16), np.int32)
    u = 0
    for i, j in zip(_II, _JJ):
        for dh in range(2):
            va, vb = i * VB, j * VB
            vaal, vbal = (va // 128) * 128, (vb // 128) * 128
            m[u, :9] = (j * D + dh * DH, vaal, va - vaal, 0,
                        i * D + dh * DH, vbal, i, j, vb - vbal)
            u += 1
    for f in range(F):
        m[u, :9] = (0, 0, 0, 1, 0, 0, f, 0, 0)
        u += 1
    m[u:, 3] = 1
    return m


_META_NP = _build_meta()


def _ffm_body(meta_hbm, xt_hbm, wl_hbm, table_hbm, part_hbm,
              meta_v, ab0, ab1, bb0, bb1, wband0, wband1,
              xca0, xcb0, xca1, xcb1, acc_v, sem0, sem1):
    wid = lax.axis_index("s") * NC + lax.axis_index("c")
    sems = (sem0, sem1)
    abufs = (ab0, ab1)
    bbufs = (bb0, bb1)
    wbands = (wband0, wband1)
    xcas = (xca0, xca1)
    xcbs = (xcb0, xcb1)

    pltpu.sync_copy(meta_hbm, meta_v)

    zero = jnp.zeros((L,), jnp.float32)

    def zbody(g, c):
        acc_v[pl.ds(pl.multiple_of(g * L, L), L)] = zero
        return c

    lax.fori_loop(0, NG, zbody, 0, unroll=False)

    def refs(u, slot):
        mrow = meta_v[pl.ds(pl.multiple_of(u * 16, 8), 16)]
        ra = pl.multiple_of(mrow[0], DH)
        va = pl.multiple_of(mrow[1], 128)
        rb = pl.multiple_of(mrow[4], DH)
        vb = pl.multiple_of(mrow[5], 128)
        ca = pl.multiple_of(mrow[6] * B, B)
        cb = pl.multiple_of(mrow[7] * B, B)
        fw = pl.multiple_of(mrow[6] * 1024, 1024)
        sem = sems[slot]
        pair_copies = (
            (table_hbm.at[pl.ds(ra, DH), pl.ds(va, VW)], abufs[slot]),
            (table_hbm.at[pl.ds(rb, DH), pl.ds(vb, VW)], bbufs[slot]),
            (xt_hbm.at[pl.ds(ca, B)], xcas[slot]),
            (xt_hbm.at[pl.ds(cb, B)], xcbs[slot]),
        )
        lin_copies = (
            (wl_hbm.at[pl.ds(fw, 1024)], wbands[slot]),
            (xt_hbm.at[pl.ds(ca, B)], xcas[slot]),
        )
        return mrow[3], pair_copies, lin_copies, sem

    def issue(u, slot):
        kind, pair_copies, lin_copies, sem = refs(u, slot)

        @pl.when(kind == 0)
        def _():
            for s, d in pair_copies:
                pltpu.async_copy(s, d, sem)

        @pl.when(kind == 1)
        def _():
            for s, d in lin_copies:
                pltpu.async_copy(s, d, sem)

    def drain(u, slot):
        kind, pair_copies, lin_copies, sem = refs(u, slot)

        @pl.when(kind == 0)
        def _():
            for s, d in pair_copies:
                pltpu.make_async_copy(s, d, sem).wait()

        @pl.when(kind == 1)
        def _():
            for s, d in lin_copies:
                pltpu.make_async_copy(s, d, sem).wait()

    dconsts = [jnp.full((L,), d, jnp.int32) for d in range(DH)]

    def compute(u, slot):
        mrow = meta_v[pl.ds(pl.multiple_of(u * 16, 8), 16)]
        kind = mrow[3]
        offa = mrow[2]
        offb = mrow[8]

        @pl.when(kind == 0)
        def _():
            ra = abufs[slot]
            rb = bbufs[slot]

            def gbody(g, c):
                xi = xcas[slot][pl.ds(pl.multiple_of(g * L, L), L)] + offa
                xj = xcbs[slot][pl.ds(pl.multiple_of(g * L, L), L)] + offb
                goff = pl.multiple_of(g * L, L)
                accg = acc_v[pl.ds(goff, L)]
                for d in range(DH):
                    av = plsc.load_gather(ra, [dconsts[d], xi])
                    bv = plsc.load_gather(rb, [dconsts[d], xj])
                    accg = accg + av * bv
                acc_v[pl.ds(goff, L)] = accg
                return c

            lax.fori_loop(0, NG, gbody, 0, unroll=False)

        @pl.when(kind == 1)
        def _():
            wb = wbands[slot]

            def gbody(g, c):
                goff = pl.multiple_of(g * L, L)
                xf = xcas[slot][pl.ds(goff, L)]
                acc_v[pl.ds(goff, L)] = (acc_v[pl.ds(goff, L)]
                                         + plsc.load_gather(wb, [xf]))
                return c

            lax.fori_loop(0, NG, gbody, 0, unroll=False)

    nu = NU_BASE + (wid < NU_EXTRA).astype(jnp.int32)

    issue(wid, 0)

    def body(s, c):
        u = wid + NW * s
        unext = u + NW

        @pl.when(jnp.logical_and(s + 1 < nu, (s + 1) % 2 == 0))
        def _():
            issue(unext, 0)

        @pl.when(jnp.logical_and(s + 1 < nu, (s + 1) % 2 == 1))
        def _():
            issue(unext, 1)

        @pl.when(s % 2 == 0)
        def _():
            drain(u, 0)
            compute(u, 0)

        @pl.when(s % 2 == 1)
        def _():
            drain(u, 1)
            compute(u, 1)

        return c

    lax.fori_loop(0, nu, body, 0, unroll=False)

    pltpu.sync_copy(acc_v, part_hbm.at[pl.ds(pl.multiple_of(wid * B, B), B)])


def _combine_body(part_hbm, bias_hbm, out_hbm, pall_v, bias_v, ob_v):
    wid = lax.axis_index("s") * NC + lax.axis_index("c")
    pltpu.sync_copy(part_hbm, pall_v)
    pltpu.sync_copy(bias_hbm, bias_v)
    bias_vec = bias_v[...]
    for r in range(2):
        row = 2 * wid + r

        def sbody(k, acc):
            return acc + pall_v[pl.ds(pl.multiple_of(k * B + row * L, 8), L)]

        s = lax.fori_loop(0, NW, sbody, bias_vec, unroll=False)
        ob_v[0, r] = 1.0 / (1.0 + jnp.exp(-s))
    pltpu.sync_copy(ob_v, out_hbm.at[pl.ds(wid, 1)])


_SC_PARAMS = pltpu.CompilerParams(
    use_tc_tiling_on_sc=True, needs_layout_passes=False)
_MESH = dict(mesh=plsc.VectorSubcoreMesh(core_axis_name="c",
                                         subcore_axis_name="s"))


@jax.jit
def _ffm_sc(meta, xt, wl_pad, bias_bcast, table2):
    part = functools.partial(
        pl.kernel,
        out_type=jax.ShapeDtypeStruct((NW * B,), jnp.float32),
        compiler_params=_SC_PARAMS,
        scratch_types=[
            pltpu.VMEM((NU_PAD * 16,), jnp.int32),
            pltpu.VMEM((DH, VW), jnp.float32),
            pltpu.VMEM((DH, VW), jnp.float32),
            pltpu.VMEM((DH, VW), jnp.float32),
            pltpu.VMEM((DH, VW), jnp.float32),
            pltpu.VMEM((1024,), jnp.float32),
            pltpu.VMEM((1024,), jnp.float32),
            pltpu.VMEM((B,), jnp.int32),
            pltpu.VMEM((B,), jnp.int32),
            pltpu.VMEM((B,), jnp.int32),
            pltpu.VMEM((B,), jnp.int32),
            pltpu.VMEM((B,), jnp.float32),
            pltpu.SemaphoreType.DMA,
            pltpu.SemaphoreType.DMA,
        ],
        **_MESH,
    )(_ffm_body)(meta, xt, wl_pad, table2)

    out = functools.partial(
        pl.kernel,
        out_type=jax.ShapeDtypeStruct((NW, 2, L), jnp.float32),
        compiler_params=_SC_PARAMS,
        scratch_types=[
            pltpu.VMEM((NW * B,), jnp.float32),
            pltpu.VMEM((L,), jnp.float32),
            pltpu.VMEM((1, 2, L), jnp.float32),
        ],
        **_MESH,
    )(_combine_body)(part, bias_bcast)
    return out


def kernel(x, W_lin, bias, ffm_tables):
    meta = jnp.asarray(_META_NP.reshape(-1))
    xt = x.T.reshape(-1)
    wl_pad = jnp.pad(W_lin.reshape(F, VB), ((0, 0), (0, 1024 - VB))).reshape(-1)
    tt = ffm_tables.transpose(0, 2, 1).reshape(F * D, W_lin.shape[0])
    out = _ffm_sc(meta, xt, wl_pad,
                  jnp.broadcast_to(bias, (L,)), tt)
    return out.reshape(-1)

# --- scband reference (transcript-rebuilt; emitter-appended) ---
"""Pipeline reference for scband-field-aware-factorization-machine-model-58213986730598 (READ-ONLY COPY).

The authoritative reference and input builder live on the scoring server;
editing this copy changes nothing except your own understanding.
"""

import jax, jax.numpy as jnp
import numpy as np

FIELD_DIMS = [1000] * 26
EMBED_DIM = 32
BATCH = 1024
NUM_FIELDS = len(FIELD_DIMS)
TOTAL = int(np.sum(FIELD_DIMS))
OFFSETS = np.concatenate([[0], np.cumsum(FIELD_DIMS)[:-1]]).astype(np.int32)


def setup_inputs(seed: int = 0) -> dict:
    key = jax.random.key(seed)
    k1, k2, k3 = jax.random.split(key, 3)
    # per-field indices in [0, field_dim); offsets applied inside reference
    x = jax.random.randint(k1, (BATCH, NUM_FIELDS), 0, 1000, dtype=jnp.int32)
    # FeaturesLinear params: fc = Embedding(TOTAL, 1), bias = zeros(1)
    W_lin = jax.random.normal(k2, (TOTAL, 1), dtype=jnp.float32) * 0.01
    bias = jnp.zeros((1,), dtype=jnp.float32)
    # FieldAwareFactorizationMachine: NUM_FIELDS embedding tables, each (TOTAL, EMBED_DIM)
    ffm_tables = jax.random.normal(k3, (NUM_FIELDS, TOTAL, EMBED_DIM), dtype=jnp.float32) * 0.01
    return {"x": x, "W_lin": W_lin, "bias": bias, "ffm_tables": ffm_tables}


def reference(x, W_lin, bias, ffm_tables):
    offsets = jnp.asarray(OFFSETS, dtype=x.dtype)
    idx = x + offsets[None, :]  # (B, F) global indices into TOTAL rows
    # FeaturesLinear: sum of per-field linear weights + bias -> (B, 1)
    linear_term = jnp.sum(jnp.take(W_lin, idx, axis=0), axis=1) + bias
    # FFM: xs[i] = emb_table_i[idx] -> gather all at once: (F_tables, B, F_fields, D)
    embedded = jnp.take(ffm_tables, idx, axis=1)
    ii, jj = np.triu_indices(NUM_FIELDS, k=1)
    # ix[p] = xs[j][:, i] * xs[i][:, j] for each pair (i, j), i < j -> (P, B, D)
    ix = embedded[jj, :, ii, :] * embedded[ii, :, jj, :]
    # sum over pairs and embed dims, keepdim -> (B, 1)
    ffm_term = jnp.sum(ix, axis=(0, 2))[:, None]
    out = jax.nn.sigmoid(jnp.squeeze(linear_term + ffm_term, axis=1))
    return out

if __name__ == "__main__":
    import jax
    _d = setup_inputs()
    print(jax.jit(kernel)(*tuple(_d.values())))

</pallas_src>

<mosaic_0001>
#map = affine_map<(d0, d1) -> (0)>
#map1 = affine_map<(d0, d1) -> (0, 0)>
module attributes {stable_mosaic.version = 14 : i64} {
  func.func @_ffm_body(%arg0: i32, %arg1: i32, %arg2: memref<11264xi32, #tpu.memory_space<hbm>>, %arg3: memref<26624xi32, #tpu.memory_space<hbm>>, %arg4: memref<26624xf32, #tpu.memory_space<hbm>>, %arg5: memref<832x26000xf32, #tpu.memory_space<hbm>>, %arg6: memref<32768xf32, #tpu.memory_space<hbm>>, %arg7: memref<11264xi32, #tpu.memory_space<vmem>>, %arg8: memref<16x1152xf32, #tpu.memory_space<vmem>>, %arg9: memref<16x1152xf32, #tpu.memory_space<vmem>>, %arg10: memref<16x1152xf32, #tpu.memory_space<vmem>>, %arg11: memref<16x1152xf32, #tpu.memory_space<vmem>>, %arg12: memref<1024xf32, #tpu.memory_space<vmem>>, %arg13: memref<1024xf32, #tpu.memory_space<vmem>>, %arg14: memref<1024xi32, #tpu.memory_space<vmem>>, %arg15: memref<1024xi32, #tpu.memory_space<vmem>>, %arg16: memref<1024xi32, #tpu.memory_space<vmem>>, %arg17: memref<1024xi32, #tpu.memory_space<vmem>>, %arg18: memref<1024xf32, #tpu.memory_space<vmem>>, %arg19: memref<!tpu.dma_semaphore, #tpu.memory_space<semaphore_mem>>, %arg20: memref<!tpu.dma_semaphore, #tpu.memory_space<semaphore_mem>>) attributes {dimension_semantics = [#tpu.dimension_semantics<core_parallel>, #tpu.dimension_semantics<subcore_parallel>], iteration_bounds = array<i64: 2, 16>, scalar_prefetch = 0 : i64, scratch_operands = 14 : i64, tpu.core_type = #tpu.core_type<sc_vector_subcore>, window_params = [{transform_indices = #map}, {transform_indices = #map}, {transform_indices = #map}, {transform_indices = #map1}, {transform_indices = #map}]} {
    %mul3A = arith.constant 2 : i32
    %mul3A_0 = arith.muli %arg1, %mul3A : i32
    %add3A = arith.addi %mul3A_0, %arg0 : i32
    "tpu.region"() ({
      %run_scoped3A = tpu.sem_alloc : memref<!tpu.dma_semaphore, #tpu.memory_space<semaphore_mem>>
      tpu.enqueue_dma source(%arg2 : memref<11264xi32, #tpu.memory_space<hbm>>) target(%arg7 : memref<11264xi32, #tpu.memory_space<vmem>>) target_semaphore(%run_scoped3A : memref<!tpu.dma_semaphore, #tpu.memory_space<semaphore_mem>>)
      tpu.wait_dma2 semaphore(%run_scoped3A : memref<!tpu.dma_semaphore, #tpu.memory_space<semaphore_mem>>) src(%arg2 : memref<11264xi32, #tpu.memory_space<hbm>>) dst(%arg7 : memref<11264xi32, #tpu.memory_space<vmem>>)
      tpu.yield
    }) : () -> ()
    %broadcast_in_dim3A = arith.constant 0.000000e+00 : f32
    %broadcast_in_dim3A_1 = vector.broadcast %broadcast_in_dim3A : f32 to vector<16xf32>
    %scan3A = arith.constant 0 : i32
    %scan3A_2 = arith.constant 0 : i32
    %scan3A_3 = arith.constant 64 : i32
    %scan3A_4 = arith.addi %scan3A_2, %scan3A_3 : i32
    %scan3A_5 = arith.constant 1 : i32
    scf.for %scan3A_92 = %scan3A_2 to %scan3A_4 step %scan3A_5  : i32 {
      %mul3A_93 = arith.constant 16 : i32
      %mul3A_94 = arith.muli %scan3A_92, %mul3A_93 : i32
      %multiple_of3A_95 = tpu.assume_multiple %mul3A_94, 16 : i32
      %swap3A = arith.index_cast %multiple_of3A_95 : i32 to index
      %swap3A_96 = tpu.vector_load %arg18[%swap3A] {strides = array<i32>} : memref<1024xf32, #tpu.memory_space<vmem>>, vector<16xf32>,
      tpu.vector_store %arg18[%swap3A], %broadcast_in_dim3A_1 {strides = array<i32>} : memref<1024xf32, #tpu.memory_space<vmem>>, vector<16xf32>,
    }
    %scan3A_6 = arith.constant 64 : i32
    %broadcast_in_dim3A_7 = arith.constant 0 : i32
    %broadcast_in_dim3A_8 = vector.broadcast %broadcast_in_dim3A_7 : i32 to vector<16xi32>
    %broadcast_in_dim3A_9 = arith.constant 1 : i32
    %broadcast_in_dim3A_10 = vector.broadcast %broadcast_in_dim3A_9 : i32 to vector<16xi32>
    %broadcast_in_dim3A_11 = arith.constant 2 : i32
    %broadcast_in_dim3A_12 = vector.broadcast %broadcast_in_dim3A_11 : i32 to vector<16xi32>
    %broadcast_in_dim3A_13 = arith.constant 3 : i32
    %broadcast_in_dim3A_14 = vector.broadcast %broadcast_in_dim3A_13 : i32 to vector<16xi32>
    %broadcast_in_dim3A_15 = arith.constant 4 : i32
    %broadcast_in_dim3A_16 = vector.broadcast %broadcast_in_dim3A_15 : i32 to vector<16xi32>
    %broadcast_in_dim3A_17 = arith.constant 5 : i32
    %broadcast_in_dim3A_18 = vector.broadcast %broadcast_in_dim3A_17 : i32 to vector<16xi32>
    %broadcast_in_dim3A_19 = arith.constant 6 : i32
    %broadcast_in_dim3A_20 = vector.broadcast %broadcast_in_dim3A_19 : i32 to vector<16xi32>
    %broadcast_in_dim3A_21 = arith.constant 7 : i32
    %broadcast_in_dim3A_22 = vector.broadcast %broadcast_in_dim3A_21 : i32 to vector<16xi32>
    %broadcast_in_dim3A_23 = arith.constant 8 : i32
    %broadcast_in_dim3A_24 = vector.broadcast %broadcast_in_dim3A_23 : i32 to vector<16xi32>
    %broadcast_in_dim3A_25 = arith.constant 9 : i32
    %broadcast_in_dim3A_26 = vector.broadcast %broadcast_in_dim3A_25 : i32 to vector<16xi32>
    %broadcast_in_dim3A_27 = arith.constant 10 : i32
    %broadcast_in_dim3A_28 = vector.broadcast %broadcast_in_dim3A_27 : i32 to vector<16xi32>
    %broadcast_in_dim3A_29 = arith.constant 11 : i32
    %broadcast_in_dim3A_30 = vector.broadcast %broadcast_in_dim3A_29 : i32 to vector<16xi32>
    %broadcast_in_dim3A_31 = arith.constant 12 : i32
    %broadcast_in_dim3A_32 = vector.broadcast %broadcast_in_dim3A_31 : i32 to vector<16xi32>
    %broadcast_in_dim3A_33 = arith.constant 13 : i32
    %broadcast_in_dim3A_34 = vector.broadcast %broadcast_in_dim3A_33 : i32 to vector<16xi32>
    %broadcast_in_dim3A_35 = arith.constant 14 : i32
    %broadcast_in_dim3A_36 = vector.broadcast %broadcast_in_dim3A_35 : i32 to vector<16xi32>
    %broadcast_in_dim3A_37 = arith.constant 15 : i32
    %broadcast_in_dim3A_38 = vector.broadcast %broadcast_in_dim3A_37 : i32 to vector<16xi32>
    %lt3A = arith.constant 4 : i32
    %lt3A_39 = arith.cmpi slt, %add3A, %lt3A : i32
    %convert_element_type3A = arith.extui %lt3A_39 : i1 to i32
    %add3A_40 = arith.constant 21 : i32
    %add3A_41 = arith.addi %add3A_40, %convert_element_type3A : i32
    %mul3A_42 = arith.constant 16 : i32
    %mul3A_43 = arith.muli %add3A, %mul3A_42 : i32
    %multiple_of3A = tpu.assume_multiple %mul3A_43, 8 : i32
    %get3A = arith.index_cast %multiple_of3A : i32 to index
    %get3A_44 = tpu.vector_load %arg7[%get3A] {strides = array<i32>} : memref<11264xi32, #tpu.memory_space<vmem>>, vector<16xi32>,
    %slice3A = vector.extract_strided_slice %get3A_44 {offsets = [0], sizes = [1], strides = [1]} : vector<16xi32> to vector<1xi32>
    %squeeze3A = vector.extract %slice3A[0] : i32 from vector<1xi32>
    %multiple_of3A_45 = tpu.assume_multiple %squeeze3A, 16 : i32
    %slice3A_46 = vector.extract_strided_slice %get3A_44 {offsets = [1], sizes = [1], strides = [1]} : vector<16xi32> to vector<1xi32>
    %squeeze3A_47 = vector.extract %slice3A_46[0] : i32 from vector<1xi32>
    %multiple_of3A_48 = tpu.assume_multiple %squeeze3A_47, 128 : i32
    %slice3A_49 = vector.extract_strided_slice %get3A_44 {offsets = [4], sizes = [1], strides = [1]} : vector<16xi32> to vector<1xi32>
    %squeeze3A_50 = vector.extract %slice3A_49[0] : i32 from vector<1xi32>
    %multiple_of3A_51 = tpu.assume_multiple %squeeze3A_50, 16 : i32
    %slice3A_52 = vector.extract_strided_slice %get3A_44 {offsets = [5], sizes = [1], strides = [1]} : vector<16xi32> to vector<1xi32>
    %squeeze3A_53 = vector.extract %slice3A_52[0] : i32 from vector<1xi32>
    %multiple_of3A_54 = tpu.assume_multiple %squeeze3A_53, 128 : i32
    %slice3A_55 = vector.extract_strided_slice %get3A_44 {offsets = [6], sizes = [1], strides = [1]} : vector<16xi32> to vector<1xi32>
    %squeeze3A_56 = vector.extract %slice3A_55[0] : i32 from vector<1xi32>
    %mul3A_57 = arith.constant 1024 : i32
    %mul3A_58 = arith.muli %squeeze3A_56, %mul3A_57 : i32
    %multiple_of3A_59 = tpu.assume_multiple %mul3A_58, 1024 : i32
    %slice3A_60 = vector.extract_strided_slice %get3A_44 {offsets = [7], sizes = [1], strides = [1]} : vector<16xi32> to vector<1xi32>
    %squeeze3A_61 = vector.extract %slice3A_60[0] : i32 from vector<1xi32>
    %mul3A_62 = arith.constant 1024 : i32
    %mul3A_63 = arith.muli %squeeze3A_61, %mul3A_62 : i32
    %multiple_of3A_64 = tpu.assume_multiple %mul3A_63, 1024 : i32
    %slice3A_65 = vector.extract_strided_slice %get3A_44 {offsets = [6], sizes = [1], strides = [1]} : vector<16xi32> to vector<1xi32>
    %squeeze3A_66 = vector.extract %slice3A_65[0] : i32 from vector<1xi32>
    %mul3A_67 = arith.constant 1024 : i32
    %mul3A_68 = arith.muli %squeeze3A_66, %mul3A_67 : i32
    %multiple_of3A_69 = tpu.assume_multiple %mul3A_68, 1024 : i32
    %slice3A_70 = vector.extract_strided_slice %get3A_44 {offsets = [3], sizes = [1], strides = [1]} : vector<16xi32> to vector<1xi32>
    %squeeze3A_71 = vector.extract %slice3A_70[0] : i32 from vector<1xi32>
    %eq3A = arith.constant 0 : i32
    %eq3A_72 = arith.cmpi eq, %squeeze3A_71, %eq3A : i32
    %convert_element_type3A_73 = arith.extui %eq3A_72 : i1 to i32
    %cond3A = arith.constant 0 : i32
    %cond3A_74 = arith.cmpi ne, %convert_element_type3A_73, %cond3A : i32
    scf.if %cond3A_74 {
      %dma_start3A = tpu.memref_slice %arg5[%multiple_of3A_45, %multiple_of3A_48] : memref<832x26000xf32, #tpu.memory_space<hbm>> -> memref<16x1152xf32, #tpu.memory_space<hbm>>
      %dma_start3A_92 = tpu.memref_slice %arg5[%multiple_of3A_45, %multiple_of3A_48] : memref<832x26000xf32, #tpu.memory_space<hbm>> -> memref<16x1152xf32, #tpu.memory_space<hbm>>
      tpu.enqueue_dma source(%dma_start3A_92 : memref<16x1152xf32, #tpu.memory_space<hbm>>) target(%arg8 : memref<16x1152xf32, #tpu.memory_space<vmem>>) target_semaphore(%arg19 : memref<!tpu.dma_semaphore, #tpu.memory_space<semaphore_mem>>)
      %dma_start3A_93 = tpu.memref_slice %arg5[%multiple_of3A_51, %multiple_of3A_54] : memref<832x26000xf32, #tpu.memory_space<hbm>> -> memref<16x1152xf32, #tpu.memory_space<hbm>>
      %dma_start3A_94 = tpu.memref_slice %arg5[%multiple_of3A_51, %multiple_of3A_54] : memref<832x26000xf32, #tpu.memory_space<hbm>> -> memref<16x1152xf32, #tpu.memory_space<hbm>>
      tpu.enqueue_dma source(%dma_start3A_94 : memref<16x1152xf32, #tpu.memory_space<hbm>>) target(%arg10 : memref<16x1152xf32, #tpu.memory_space<vmem>>) target_semaphore(%arg19 : memref<!tpu.dma_semaphore, #tpu.memory_space<semaphore_mem>>)
      %dma_start3A_95 = tpu.memref_slice %arg3[%multiple_of3A_59] : memref<26624xi32, #tpu.memory_space<hbm>> -> memref<1024xi32, #tpu.memory_space<hbm>>
      %dma_start3A_96 = tpu.memref_slice %arg3[%multiple_of3A_59] : memref<26624xi32, #tpu.memory_space<hbm>> -> memref<1024xi32, #tpu.memory_space<hbm>>
      tpu.enqueue_dma source(%dma_start3A_96 : memref<1024xi32, #tpu.memory_space<hbm>>) target(%arg14 : memref<1024xi32, #tpu.memory_space<vmem>>) target_semaphore(%arg19 : memref<!tpu.dma_semaphore, #tpu.memory_space<semaphore_mem>>)
      %dma_start3A_97 = tpu.memref_slice %arg3[%multiple_of3A_64] : memref<26624xi32, #tpu.memory_space<hbm>> -> memref<1024xi32, #tpu.memory_space<hbm>>
      %dma_start3A_98 = tpu.memref_slice %arg3[%multiple_of3A_64] : memref<26624xi32, #tpu.memory_space<hbm>> -> memref<1024xi32, #tpu.memory_space<hbm>>
      tpu.enqueue_dma source(%dma_start3A_98 : memref<1024xi32, #tpu.memory_space<hbm>>) target(%arg15 : memref<1024xi32, #tpu.memory_space<vmem>>) target_semaphore(%arg19 : memref<!tpu.dma_semaphore, #tpu.memory_space<semaphore_mem>>)
    } else {
    }
    %eq3A_75 = arith.constant 1 : i32
    %eq3A_76 = arith.cmpi eq, %squeeze3A_71, %eq3A_75 : i32
    %convert_element_type3A_77 = arith.extui %eq3A_76 : i1 to i32
    %cond3A_78 = arith.constant 0 : i32
    %cond3A_79 = arith.cmpi ne, %convert_element_type3A_77, %cond3A_78 : i32
    scf.if %cond3A_79 {
      %dma_start3A = tpu.memref_slice %arg4[%multiple_of3A_69] : memref<26624xf32, #tpu.memory_space<hbm>> -> memref<1024xf32, #tpu.memory_space<hbm>>
      %dma_start3A_92 = tpu.memref_slice %arg4[%multiple_of3A_69] : memref<26624xf32, #tpu.memory_space<hbm>> -> memref<1024xf32, #tpu.memory_space<hbm>>
      tpu.enqueue_dma source(%dma_start3A_92 : memref<1024xf32, #tpu.memory_space<hbm>>) target(%arg12 : memref<1024xf32, #tpu.memory_space<vmem>>) target_semaphore(%arg19 : memref<!tpu.dma_semaphore, #tpu.memory_space<semaphore_mem>>)
      %dma_start3A_93 = tpu.memref_slice %arg3[%multiple_of3A_59] : memref<26624xi32, #tpu.memory_space<hbm>> -> memref<1024xi32, #tpu.memory_space<hbm>>
      %dma_start3A_94 = tpu.memref_slice %arg3[%multiple_of3A_59] : memref<26624xi32, #tpu.memory_space<hbm>> -> memref<1024xi32, #tpu.memory_space<hbm>>
      tpu.enqueue_dma source(%dma_start3A_94 : memref<1024xi32, #tpu.memory_space<hbm>>) target(%arg14 : memref<1024xi32, #tpu.memory_space<vmem>>) target_semaphore(%arg19 : memref<!tpu.dma_semaphore, #tpu.memory_space<semaphore_mem>>)
    } else {
    }
    %while3A = arith.constant 0 : i32
    %while3A_80 = arith.constant 0 : i32
    %while3A_81 = arith.subi %add3A_41, %while3A_80 : i32
    %while3A_82 = arith.addi %while3A_80, %while3A_81 : i32
    %while3A_83 = arith.constant 1 : i32
    %while3A_84 = arith.divsi %while3A_81, %while3A_83 : i32
    %while3A_85 = arith.muli %while3A_84, %while3A_83 : i32
    %while3A_86 = arith.addi %while3A_80, %while3A_85 : i32
    %while3A_87 = arith.constant 1 : i32
    scf.for %while3A_92 = %while3A_80 to %while3A_86 step %while3A_87  : i32 {
      %mul3A_93 = arith.constant 32 : i32
      %mul3A_94 = arith.muli %mul3A_93, %while3A_92 : i32
      %add3A_95 = arith.addi %add3A, %mul3A_94 : i32
      %add3A_96 = arith.constant 32 : i32
      %add3A_97 = arith.addi %add3A_95, %add3A_96 : i32
      %add3A_98 = arith.constant 1 : i32
      %add3A_99 = arith.addi %while3A_92, %add3A_98 : i32
      %lt3A_100 = arith.cmpi slt, %add3A_99, %add3A_41 : i32
      %add3A_101 = arith.constant 1 : i32
      %add3A_102 = arith.addi %while3A_92, %add3A_101 : i32
      %jit3A = arith.constant 2 : i32
      %eq3A_103 = arith.constant 0 : i32
      %eq3A_104 = arith.cmpi eq, %jit3A, %eq3A_103 : i32
      %jit3A_105 = arith.constant 1 : i32
      %select_n3A = arith.select %eq3A_104, %jit3A_105, %jit3A : i32
      %rem3A = arith.remsi %add3A_102, %select_n3A : i32
      %ne3A = arith.constant 0 : i32
      %ne3A_106 = arith.cmpi ne, %rem3A, %ne3A : i32
      %lt3A_107 = arith.constant 0 : i32
      %lt3A_108 = arith.cmpi slt, %rem3A, %lt3A_107 : i32
      %lt3A_109 = arith.constant 0 : i32
      %lt3A_110 = arith.cmpi slt, %select_n3A, %lt3A_109 : i32
      %ne3A_111 = arith.xori %lt3A_108, %lt3A_110 : i1
      %and3A = arith.andi %ne3A_111, %ne3A_106 : i1
      %add3A_112 = arith.addi %rem3A, %select_n3A : i32
      %select_n3A_113 = arith.select %and3A, %add3A_112, %rem3A : i32
      %eq3A_114 = arith.constant 0 : i32
      %eq3A_115 = arith.cmpi eq, %select_n3A_113, %eq3A_114 : i32
      %and3A_116 = arith.andi %lt3A_100, %eq3A_115 : i1
      %convert_element_type3A_117 = arith.extui %and3A_116 : i1 to i32
      %cond3A_118 = arith.constant 0 : i32
      %cond3A_119 = arith.cmpi ne, %convert_element_type3A_117, %cond3A_118 : i32
      scf.if %cond3A_119 {
        %mul3A_189 = arith.constant 16 : i32
        %mul3A_190 = arith.muli %add3A_97, %mul3A_189 : i32
        %multiple_of3A_191 = tpu.assume_multiple %mul3A_190, 8 : i32
        %get3A_192 = arith.index_cast %multiple_of3A_191 : i32 to index
        %get3A_193 = tpu.vector_load %arg7[%get3A_192] {strides = array<i32>} : memref<11264xi32, #tpu.memory_space<vmem>>, vector<16xi32>,
        %slice3A_194 = vector.extract_strided_slice %get3A_193 {offsets = [0], sizes = [1], strides = [1]} : vector<16xi32> to vector<1xi32>
        %squeeze3A_195 = vector.extract %slice3A_194[0] : i32 from vector<1xi32>
        %multiple_of3A_196 = tpu.assume_multiple %squeeze3A_195, 16 : i32
        %slice3A_197 = vector.extract_strided_slice %get3A_193 {offsets = [1], sizes = [1], strides = [1]} : vector<16xi32> to vector<1xi32>
        %squeeze3A_198 = vector.extract %slice3A_197[0] : i32 from vector<1xi32>
        %multiple_of3A_199 = tpu.assume_multiple %squeeze3A_198, 128 : i32
        %slice3A_200 = vector.extract_strided_slice %get3A_193 {offsets = [4], sizes = [1], strides = [1]} : vector<16xi32> to vector<1xi32>
        %squeeze3A_201 = vector.extract %slice3A_200[0] : i32 from vector<1xi32>
        %multiple_of3A_202 = tpu.assume_multiple %squeeze3A_201, 16 : i32
        %slice3A_203 = vector.extract_strided_slice %get3A_193 {offsets = [5], sizes = [1], strides = [1]} : vector<16xi32> to vector<1xi32>
        %squeeze3A_204 = vector.extract %slice3A_203[0] : i32 from vector<1xi32>
        %multiple_of3A_205 = tpu.assume_multiple %squeeze3A_204, 128 : i32
        %slice3A_206 = vector.extract_strided_slice %get3A_193 {offsets = [6], sizes = [1], strides = [1]} : vector<16xi32> to vector<1xi32>
        %squeeze3A_207 = vector.extract %slice3A_206[0] : i32 from vector<1xi32>
        %mul3A_208 = arith.constant 1024 : i32
        %mul3A_209 = arith.muli %squeeze3A_207, %mul3A_208 : i32
        %multiple_of3A_210 = tpu.assume_multiple %mul3A_209, 1024 : i32
        %slice3A_211 = vector.extract_strided_slice %get3A_193 {offsets = [7], sizes = [1], strides = [1]} : vector<16xi32> to vector<1xi32>
        %squeeze3A_212 = vector.extract %slice3A_211[0] : i32 from vector<1xi32>
        %mul3A_213 = arith.constant 1024 : i32
        %mul3A_214 = arith.muli %squeeze3A_212, %mul3A_213 : i32
        %multiple_of3A_215 = tpu.assume_multiple %mul3A_214, 1024 : i32
        %slice3A_216 = vector.extract_strided_slice %get3A_193 {offsets = [6], sizes = [1], strides = [1]} : vector<16xi32> to vector<1xi32>
        %squeeze3A_217 = vector.extract %slice3A_216[0] : i32 from vector<1xi32>
        %mul3A_218 = arith.constant 1024 : i32
        %mul3A_219 = arith.muli %squeeze3A_217, %mul3A_218 : i32
        %multiple_of3A_220 = tpu.assume_multiple %mul3A_219, 1024 : i32
        %slice3A_221 = vector.extract_strided_slice %get3A_193 {offsets = [3], sizes = [1], strides = [1]} : vector<16xi32> to vector<1xi32>
        %squeeze3A_222 = vector.extract %slice3A_221[0] : i32 from vector<1xi32>
        %eq3A_223 = arith.constant 0 : i32
        %eq3A_224 = arith.cmpi eq, %squeeze3A_222, %eq3A_223 : i32
        %convert_element_type3A_225 = arith.extui %eq3A_224 : i1 to i32
        %cond3A_226 = arith.constant 0 : i32
        %cond3A_227 = arith.cmpi ne, %convert_element_type3A_225, %cond3A_226 : i32
        scf.if %cond3A_227 {
          %dma_start3A = tpu.memref_slice %arg5[%multiple_of3A_196, %multiple_of3A_199] : memref<832x26000xf32, #tpu.memory_space<hbm>> -> memref<16x1152xf32, #tpu.memory_space<hbm>>
          %dma_start3A_233 = tpu.memref_slice %arg5[%multiple_of3A_196, %multiple_of3A_199] : memref<832x26000xf32, #tpu.memory_space<hbm>> -> memref<16x1152xf32, #tpu.memory_space<hbm>>
          tpu.enqueue_dma source(%dma_start3A_233 : memref<16x1152xf32, #tpu.memory_space<hbm>>) target(%arg8 : memref<16x1152xf32, #tpu.memory_space<vmem>>) target_semaphore(%arg19 : memref<!tpu.dma_semaphore, #tpu.memory_space<semaphore_mem>>)
          %dma_start3A_234 = tpu.memref_slice %arg5[%multiple_of3A_202, %multiple_of3A_205] : memref<832x26000xf32, #tpu.memory_space<hbm>> -> memref<16x1152xf32, #tpu.memory_space<hbm>>
          %dma_start3A_235 = tpu.memref_slice %arg5[%multiple_of3A_202, %multiple_of3A_205] : memref<832x26000xf32, #tpu.memory_space<hbm>> -> memref<16x1152xf32, #tpu.memory_space<hbm>>
          tpu.enqueue_dma source(%dma_start3A_235 : memref<16x1152xf32, #tpu.memory_space<hbm>>) target(%arg10 : memref<16x1152xf32, #tpu.memory_space<vmem>>) target_semaphore(%arg19 : memref<!tpu.dma_semaphore, #tpu.memory_space<semaphore_mem>>)
          %dma_start3A_236 = tpu.memref_slice %arg3[%multiple_of3A_210] : memref<26624xi32, #tpu.memory_space<hbm>> -> memref<1024xi32, #tpu.memory_space<hbm>>
          %dma_start3A_237 = tpu.memref_slice %arg3[%multiple_of3A_210] : memref<26624xi32, #tpu.memory_space<hbm>> -> memref<1024xi32, #tpu.memory_space<hbm>>
          tpu.enqueue_dma source(%dma_start3A_237 : memref<1024xi32, #tpu.memory_space<hbm>>) target(%arg14 : memref<1024xi32, #tpu.memory_space<vmem>>) target_semaphore(%arg19 : memref<!tpu.dma_semaphore, #tpu.memory_space<semaphore_mem>>)
          %dma_start3A_238 = tpu.memref_slice %arg3[%multiple_of3A_215] : memref<26624xi32, #tpu.memory_space<hbm>> -> memref<1024xi32, #tpu.memory_space<hbm>>
          %dma_start3A_239 = tpu.memref_slice %arg3[%multiple_of3A_215] : memref<26624xi32, #tpu.memory_space<hbm>> -> memref<1024xi32, #tpu.memory_space<hbm>>
          tpu.enqueue_dma source(%dma_start3A_239 : memref<1024xi32, #tpu.memory_space<hbm>>) target(%arg15 : memref<1024xi32, #tpu.memory_space<vmem>>) target_semaphore(%arg19 : memref<!tpu.dma_semaphore, #tpu.memory_space<semaphore_mem>>)
        } else {
        }
        %eq3A_228 = arith.constant 1 : i32
        %eq3A_229 = arith.cmpi eq, %squeeze3A_222, %eq3A_228 : i32
        %convert_element_type3A_230 = arith.extui %eq3A_229 : i1 to i32
        %cond3A_231 = arith.constant 0 : i32
        %cond3A_232 = arith.cmpi ne, %convert_element_type3A_230, %cond3A_231 : i32
        scf.if %cond3A_232 {
          %dma_start3A = tpu.memref_slice %arg4[%multiple_of3A_220] : memref<26624xf32, #tpu.memory_space<hbm>> -> memref<1024xf32, #tpu.memory_space<hbm>>
          %dma_start3A_233 = tpu.memref_slice %arg4[%multiple_of3A_220] : memref<26624xf32, #tpu.memory_space<hbm>> -> memref<1024xf32, #tpu.memory_space<hbm>>
          tpu.enqueue_dma source(%dma_start3A_233 : memref<1024xf32, #tpu.memory_space<hbm>>) target(%arg12 : memref<1024xf32, #tpu.memory_space<vmem>>) target_semaphore(%arg19 : memref<!tpu.dma_semaphore, #tpu.memory_space<semaphore_mem>>)
          %dma_start3A_234 = tpu.memref_slice %arg3[%multiple_of3A_210] : memref<26624xi32, #tpu.memory_space<hbm>> -> memref<1024xi32, #tpu.memory_space<hbm>>
          %dma_start3A_235 = tpu.memref_slice %arg3[%multiple_of3A_210] : memref<26624xi32, #tpu.memory_space<hbm>> -> memref<1024xi32, #tpu.memory_space<hbm>>
          tpu.enqueue_dma source(%dma_start3A_235 : memref<1024xi32, #tpu.memory_space<hbm>>) target(%arg14 : memref<1024xi32, #tpu.memory_space<vmem>>) target_semaphore(%arg19 : memref<!tpu.dma_semaphore, #tpu.memory_space<semaphore_mem>>)
        } else {
        }
      } else {
      }
      %add3A_120 = arith.constant 1 : i32
      %add3A_121 = arith.addi %while3A_92, %add3A_120 : i32
      %lt3A_122 = arith.cmpi slt, %add3A_121, %add3A_41 : i32
      %add3A_123 = arith.constant 1 : i32
      %add3A_124 = arith.addi %while3A_92, %add3A_123 : i32
      %jit3A_125 = arith.constant 2 : i32
      %eq3A_126 = arith.constant 0 : i32
      %eq3A_127 = arith.cmpi eq, %jit3A_125, %eq3A_126 : i32
      %jit3A_128 = arith.constant 1 : i32
      %select_n3A_129 = arith.select %eq3A_127, %jit3A_128, %jit3A_125 : i32
      %rem3A_130 = arith.remsi %add3A_124, %select_n3A_129 : i32
      %ne3A_131 = arith.constant 0 : i32
      %ne3A_132 = arith.cmpi ne, %rem3A_130, %ne3A_131 : i32
      %lt3A_133 = arith.constant 0 : i32
      %lt3A_134 = arith.cmpi slt, %rem3A_130, %lt3A_133 : i32
      %lt3A_135 = arith.constant 0 : i32
      %lt3A_136 = arith.cmpi slt, %select_n3A_129, %lt3A_135 : i32
      %ne3A_137 = arith.xori %lt3A_134, %lt3A_136 : i1
      %and3A_138 = arith.andi %ne3A_137, %ne3A_132 : i1
      %add3A_139 = arith.addi %rem3A_130, %select_n3A_129 : i32
      %select_n3A_140 = arith.select %and3A_138, %add3A_139, %rem3A_130 : i32
      %eq3A_141 = arith.constant 1 : i32
      %eq3A_142 = arith.cmpi eq, %select_n3A_140, %eq3A_141 : i32
      %and3A_143 = arith.andi %lt3A_122, %eq3A_142 : i1
      %convert_element_type3A_144 = arith.extui %and3A_143 : i1 to i32
      %cond3A_145 = arith.constant 0 : i32
      %cond3A_146 = arith.cmpi ne, %convert_element_type3A_144, %cond3A_145 : i32
      scf.if %cond3A_146 {
        %mul3A_189 = arith.constant 16 : i32
        %mul3A_190 = arith.muli %add3A_97, %mul3A_189 : i32
        %multiple_of3A_191 = tpu.assume_multiple %mul3A_190, 8 : i32
        %get3A_192 = arith.index_cast %multiple_of3A_191 : i32 to index
        %get3A_193 = tpu.vector_load %arg7[%get3A_192] {strides = array<i32>} : memref<11264xi32, #tpu.memory_space<vmem>>, vector<16xi32>,
        %slice3A_194 = vector.extract_strided_slice %get3A_193 {offsets = [0], sizes = [1], strides = [1]} : vector<16xi32> to vector<1xi32>
        %squeeze3A_195 = vector.extract %slice3A_194[0] : i32 from vector<1xi32>
        %multiple_of3A_196 = tpu.assume_multiple %squeeze3A_195, 16 : i32
        %slice3A_197 = vector.extract_strided_slice %get3A_193 {offsets = [1], sizes = [1], strides = [1]} : vector<16xi32> to vector<1xi32>
        %squeeze3A_198 = vector.extract %slice3A_197[0] : i32 from vector<1xi32>
        %multiple_of3A_199 = tpu.assume_multiple %squeeze3A_198, 128 : i32
        %slice3A_200 = vector.extract_strided_slice %get3A_193 {offsets = [4], sizes = [1], strides = [1]} : vector<16xi32> to vector<1xi32>
        %squeeze3A_201 = vector.extract %slice3A_200[0] : i32 from vector<1xi32>
        %multiple_of3A_202 = tpu.assume_multiple %squeeze3A_201, 16 : i32
        %slice3A_203 = vector.extract_strided_slice %get3A_193 {offsets = [5], sizes = [1], strides = [1]} : vector<16xi32> to vector<1xi32>
        %squeeze3A_204 = vector.extract %slice3A_203[0] : i32 from vector<1xi32>
        %multiple_of3A_205 = tpu.assume_multiple %squeeze3A_204, 128 : i32
        %slice3A_206 = vector.extract_strided_slice %get3A_193 {offsets = [6], sizes = [1], strides = [1]} : vector<16xi32> to vector<1xi32>
        %squeeze3A_207 = vector.extract %slice3A_206[0] : i32 from vector<1xi32>
        %mul3A_208 = arith.constant 1024 : i32
        %mul3A_209 = arith.muli %squeeze3A_207, %mul3A_208 : i32
        %multiple_of3A_210 = tpu.assume_multiple %mul3A_209, 1024 : i32
        %slice3A_211 = vector.extract_strided_slice %get3A_193 {offsets = [7], sizes = [1], strides = [1]} : vector<16xi32> to vector<1xi32>
        %squeeze3A_212 = vector.extract %slice3A_211[0] : i32 from vector<1xi32>
        %mul3A_213 = arith.constant 1024 : i32
        %mul3A_214 = arith.muli %squeeze3A_212, %mul3A_213 : i32
        %multiple_of3A_215 = tpu.assume_multiple %mul3A_214, 1024 : i32
        %slice3A_216 = vector.extract_strided_slice %get3A_193 {offsets = [6], sizes = [1], strides = [1]} : vector<16xi32> to vector<1xi32>
        %squeeze3A_217 = vector.extract %slice3A_216[0] : i32 from vector<1xi32>
        %mul3A_218 = arith.constant 1024 : i32
        %mul3A_219 = arith.muli %squeeze3A_217, %mul3A_218 : i32
        %multiple_of3A_220 = tpu.assume_multiple %mul3A_219, 1024 : i32
        %slice3A_221 = vector.extract_strided_slice %get3A_193 {offsets = [3], sizes = [1], strides = [1]} : vector<16xi32> to vector<1xi32>
        %squeeze3A_222 = vector.extract %slice3A_221[0] : i32 from vector<1xi32>
        %eq3A_223 = arith.constant 0 : i32
        %eq3A_224 = arith.cmpi eq, %squeeze3A_222, %eq3A_223 : i32
        %convert_element_type3A_225 = arith.extui %eq3A_224 : i1 to i32
        %cond3A_226 = arith.constant 0 : i32
        %cond3A_227 = arith.cmpi ne, %convert_element_type3A_225, %cond3A_226 : i32
        scf.if %cond3A_227 {
          %dma_start3A = tpu.memref_slice %arg5[%multiple_of3A_196, %multiple_of3A_199] : memref<832x26000xf32, #tpu.memory_space<hbm>> -> memref<16x1152xf32, #tpu.memory_space<hbm>>
          %dma_start3A_233 = tpu.memref_slice %arg5[%multiple_of3A_196, %multiple_of3A_199] : memref<832x26000xf32, #tpu.memory_space<hbm>> -> memref<16x1152xf32, #tpu.memory_space<hbm>>
          tpu.enqueue_dma source(%dma_start3A_233 : memref<16x1152xf32, #tpu.memory_space<hbm>>) target(%arg9 : memref<16x1152xf32, #tpu.memory_space<vmem>>) target_semaphore(%arg20 : memref<!tpu.dma_semaphore, #tpu.memory_space<semaphore_mem>>)
          %dma_start3A_234 = tpu.memref_slice %arg5[%multiple_of3A_202, %multiple_of3A_205] : memref<832x26000xf32, #tpu.memory_space<hbm>> -> memref<16x1152xf32, #tpu.memory_space<hbm>>
          %dma_start3A_235 = tpu.memref_slice %arg5[%multiple_of3A_202, %multiple_of3A_205] : memref<832x26000xf32, #tpu.memory_space<hbm>> -> memref<16x1152xf32, #tpu.memory_space<hbm>>
          tpu.enqueue_dma source(%dma_start3A_235 : memref<16x1152xf32, #tpu.memory_space<hbm>>) target(%arg11 : memref<16x1152xf32, #tpu.memory_space<vmem>>) target_semaphore(%arg20 : memref<!tpu.dma_semaphore, #tpu.memory_space<semaphore_mem>>)
          %dma_start3A_236 = tpu.memref_slice %arg3[%multiple_of3A_210] : memref<26624xi32, #tpu.memory_space<hbm>> -> memref<1024xi32, #tpu.memory_space<hbm>>
          %dma_start3A_237 = tpu.memref_slice %arg3[%multiple_of3A_210] : memref<26624xi32, #tpu.memory_space<hbm>> -> memref<1024xi32, #tpu.memory_space<hbm>>
          tpu.enqueue_dma source(%dma_start3A_237 : memref<1024xi32, #tpu.memory_space<hbm>>) target(%arg16 : memref<1024xi32, #tpu.memory_space<vmem>>) target_semaphore(%arg20 : memref<!tpu.dma_semaphore, #tpu.memory_space<semaphore_mem>>)
          %dma_start3A_238 = tpu.memref_slice %arg3[%multiple_of3A_215] : memref<26624xi32, #tpu.memory_space<hbm>> -> memref<1024xi32, #tpu.memory_space<hbm>>
          %dma_start3A_239 = tpu.memref_slice %arg3[%multiple_of3A_215] : memref<26624xi32, #tpu.memory_space<hbm>> -> memref<1024xi32, #tpu.memory_space<hbm>>
          tpu.enqueue_dma source(%dma_start3A_239 : memref<1024xi32, #tpu.memory_space<hbm>>) target(%arg17 : memref<1024xi32, #tpu.memory_space<vmem>>) target_semaphore(%arg20 : memref<!tpu.dma_semaphore, #tpu.memory_space<semaphore_mem>>)
        } else {
        }
        %eq3A_228 = arith.constant 1 : i32
        %eq3A_229 = arith.cmpi eq, %squeeze3A_222, %eq3A_228 : i32
        %convert_element_type3A_230 = arith.extui %eq3A_229 : i1 to i32
        %cond3A_231 = arith.constant 0 : i32
        %cond3A_232 = arith.cmpi ne, %convert_element_type3A_230, %cond3A_231 : i32
        scf.if %cond3A_232 {
          %dma_start3A = tpu.memref_slice %arg4[%multiple_of3A_220] : memref<26624xf32, #tpu.memory_space<hbm>> -> memref<1024xf32, #tpu.memory_space<hbm>>
          %dma_start3A_233 = tpu.memref_slice %arg4[%multiple_of3A_220] : memref<26624xf32, #tpu.memory_space<hbm>> -> memref<1024xf32, #tpu.memory_space<hbm>>
          tpu.enqueue_dma source(%dma_start3A_233 : memref<1024xf32, #tpu.memory_space<hbm>>) target(%arg13 : memref<1024xf32, #tpu.memory_space<vmem>>) target_semaphore(%arg20 : memref<!tpu.dma_semaphore, #tpu.memory_space<semaphore_mem>>)
          %dma_start3A_234 = tpu.memref_slice %arg3[%multiple_of3A_210] : memref<26624xi32, #tpu.memory_space<hbm>> -> memref<1024xi32, #tpu.memory_space<hbm>>
          %dma_start3A_235 = tpu.memref_slice %arg3[%multiple_of3A_210] : memref<26624xi32, #tpu.memory_space<hbm>> -> memref<1024xi32, #tpu.memory_space<hbm>>
          tpu.enqueue_dma source(%dma_start3A_235 : memref<1024xi32, #tpu.memory_space<hbm>>) target(%arg16 : memref<1024xi32, #tpu.memory_space<vmem>>) target_semaphore(%arg20 : memref<!tpu.dma_semaphore, #tpu.memory_space<semaphore_mem>>)
        } else {
        }
      } else {
      }
      %jit3A_147 = arith.constant 2 : i32
      %eq3A_148 = arith.constant 0 : i32
      %eq3A_149 = arith.cmpi eq, %jit3A_147, %eq3A_148 : i32
      %jit3A_150 = arith.constant 1 : i32
      %select_n3A_151 = arith.select %eq3A_149, %jit3A_150, %jit3A_147 : i32
      %rem3A_152 = arith.remsi %while3A_92, %select_n3A_151 : i32
      %ne3A_153 = arith.constant 0 : i32
      %ne3A_154 = arith.cmpi ne, %rem3A_152, %ne3A_153 : i32
      %lt3A_155 = arith.constant 0 : i32
      %lt3A_156 = arith.cmpi slt, %rem3A_152, %lt3A_155 : i32
      %lt3A_157 = arith.constant 0 : i32
      %lt3A_158 = arith.cmpi slt, %select_n3A_151, %lt3A_157 : i32
      %ne3A_159 = arith.xori %lt3A_156, %lt3A_158 : i1
      %and3A_160 = arith.andi %ne3A_159, %ne3A_154 : i1
      %add3A_161 = arith.addi %rem3A_152, %select_n3A_151 : i32
      %select_n3A_162 = arith.select %and3A_160, %add3A_161, %rem3A_152 : i32
      %eq3A_163 = arith.constant 0 : i32
      %eq3A_164 = arith.cmpi eq, %select_n3A_162, %eq3A_163 : i32
      %convert_element_type3A_165 = arith.extui %eq3A_164 : i1 to i32
      %cond3A_166 = arith.constant 0 : i32
      %cond3A_167 = arith.cmpi ne, %convert_element_type3A_165, %cond3A_166 : i32
      scf.if %cond3A_167 {
        %mul3A_189 = arith.constant 16 : i32
        %mul3A_190 = arith.muli %add3A_95, %mul3A_189 : i32
        %multiple_of3A_191 = tpu.assume_multiple %mul3A_190, 8 : i32
        %get3A_192 = arith.index_cast %multiple_of3A_191 : i32 to index
        %get3A_193 = tpu.vector_load %arg7[%get3A_192] {strides = array<i32>} : memref<11264xi32, #tpu.memory_space<vmem>>, vector<16xi32>,
        %slice3A_194 = vector.extract_strided_slice %get3A_193 {offsets = [0], sizes = [1], strides = [1]} : vector<16xi32> to vector<1xi32>
        %squeeze3A_195 = vector.extract %slice3A_194[0] : i32 from vector<1xi32>
        %multiple_of3A_196 = tpu.assume_multiple %squeeze3A_195, 16 : i32
        %slice3A_197 = vector.extract_strided_slice %get3A_193 {offsets = [1], sizes = [1], strides = [1]} : vector<16xi32> to vector<1xi32>
        %squeeze3A_198 = vector.extract %slice3A_197[0] : i32 from vector<1xi32>
        %multiple_of3A_199 = tpu.assume_multiple %squeeze3A_198, 128 : i32
        %slice3A_200 = vector.extract_strided_slice %get3A_193 {offsets = [4], sizes = [1], strides = [1]} : vector<16xi32> to vector<1xi32>
        %squeeze3A_201 = vector.extract %slice3A_200[0] : i32 from vector<1xi32>
        %multiple_of3A_202 = tpu.assume_multiple %squeeze3A_201, 16 : i32
        %slice3A_203 = vector.extract_strided_slice %get3A_193 {offsets = [5], sizes = [1], strides = [1]} : vector<16xi32> to vector<1xi32>
        %squeeze3A_204 = vector.extract %slice3A_203[0] : i32 from vector<1xi32>
        %multiple_of3A_205 = tpu.assume_multiple %squeeze3A_204, 128 : i32
        %slice3A_206 = vector.extract_strided_slice %get3A_193 {offsets = [6], sizes = [1], strides = [1]} : vector<16xi32> to vector<1xi32>
        %squeeze3A_207 = vector.extract %slice3A_206[0] : i32 from vector<1xi32>
        %mul3A_208 = arith.constant 1024 : i32
        %mul3A_209 = arith.muli %squeeze3A_207, %mul3A_208 : i32
        %multiple_of3A_210 = tpu.assume_multiple %mul3A_209, 1024 : i32
        %slice3A_211 = vector.extract_strided_slice %get3A_193 {offsets = [7], sizes = [1], strides = [1]} : vector<16xi32> to vector<1xi32>
        %squeeze3A_212 = vector.extract %slice3A_211[0] : i32 from vector<1xi32>
        %mul3A_213 = arith.constant 1024 : i32
        %mul3A_214 = arith.muli %squeeze3A_212, %mul3A_213 : i32
        %multiple_of3A_215 = tpu.assume_multiple %mul3A_214, 1024 : i32
        %slice3A_216 = vector.extract_strided_slice %get3A_193 {offsets = [6], sizes = [1], strides = [1]} : vector<16xi32> to vector<1xi32>
        %squeeze3A_217 = vector.extract %slice3A_216[0] : i32 from vector<1xi32>
        %mul3A_218 = arith.constant 1024 : i32
        %mul3A_219 = arith.muli %squeeze3A_217, %mul3A_218 : i32
        %multiple_of3A_220 = tpu.assume_multiple %mul3A_219, 1024 : i32
        %slice3A_221 = vector.extract_strided_slice %get3A_193 {offsets = [3], sizes = [1], strides = [1]} : vector<16xi32> to vector<1xi32>
        %squeeze3A_222 = vector.extract %slice3A_221[0] : i32 from vector<1xi32>
        %eq3A_223 = arith.constant 0 : i32
        %eq3A_224 = arith.cmpi eq, %squeeze3A_222, %eq3A_223 : i32
        %convert_element_type3A_225 = arith.extui %eq3A_224 : i1 to i32
        %cond3A_226 = arith.constant 0 : i32
        %cond3A_227 = arith.cmpi ne, %convert_element_type3A_225, %cond3A_226 : i32
        scf.if %cond3A_227 {
          %dma_wait3A = tpu.memref_slice %arg5[%multiple_of3A_196, %multiple_of3A_199] : memref<832x26000xf32, #tpu.memory_space<hbm>> -> memref<16x1152xf32, #tpu.memory_space<hbm>>
          %dma_wait3A_254 = tpu.memref_slice %arg5[%multiple_of3A_196, %multiple_of3A_199] : memref<832x26000xf32, #tpu.memory_space<hbm>> -> memref<16x1152xf32, #tpu.memory_space<hbm>>
          tpu.wait_dma2 semaphore(%arg19 : memref<!tpu.dma_semaphore, #tpu.memory_space<semaphore_mem>>) src(%dma_wait3A_254 : memref<16x1152xf32, #tpu.memory_space<hbm>>) dst(%arg8 : memref<16x1152xf32, #tpu.memory_space<vmem>>)
          %dma_wait3A_255 = tpu.memref_slice %arg5[%multiple_of3A_202, %multiple_of3A_205] : memref<832x26000xf32, #tpu.memory_space<hbm>> -> memref<16x1152xf32, #tpu.memory_space<hbm>>
          %dma_wait3A_256 = tpu.memref_slice %arg5[%multiple_of3A_202, %multiple_of3A_205] : memref<832x26000xf32, #tpu.memory_space<hbm>> -> memref<16x1152xf32, #tpu.memory_space<hbm>>
          tpu.wait_dma2 semaphore(%arg19 : memref<!tpu.dma_semaphore, #tpu.memory_space<semaphore_mem>>) src(%dma_wait3A_256 : memref<16x1152xf32, #tpu.memory_space<hbm>>) dst(%arg10 : memref<16x1152xf32, #tpu.memory_space<vmem>>)
          %dma_wait3A_257 = tpu.memref_slice %arg3[%multiple_of3A_210] : memref<26624xi32, #tpu.memory_space<hbm>> -> memref<1024xi32, #tpu.memory_space<hbm>>
          %dma_wait3A_258 = tpu.memref_slice %arg3[%multiple_of3A_210] : memref<26624xi32, #tpu.memory_space<hbm>> -> memref<1024xi32, #tpu.memory_space<hbm>>
          tpu.wait_dma2 semaphore(%arg19 : memref<!tpu.dma_semaphore, #tpu.memory_space<semaphore_mem>>) src(%dma_wait3A_258 : memref<1024xi32, #tpu.memory_space<hbm>>) dst(%arg14 : memref<1024xi32, #tpu.memory_space<vmem>>)
          %dma_wait3A_259 = tpu.memref_slice %arg3[%multiple_of3A_215] : memref<26624xi32, #tpu.memory_space<hbm>> -> memref<1024xi32, #tpu.memory_space<hbm>>
          %dma_wait3A_260 = tpu.memref_slice %arg3[%multiple_of3A_215] : memref<26624xi32, #tpu.memory_space<hbm>> -> memref<1024xi32, #tpu.memory_space<hbm>>
          tpu.wait_dma2 semaphore(%arg19 : memref<!tpu.dma_semaphore, #tpu.memory_space<semaphore_mem>>) src(%dma_wait3A_260 : memref<1024xi32, #tpu.memory_space<hbm>>) dst(%arg15 : memref<1024xi32, #tpu.memory_space<vmem>>)
        } else {
        }
        %eq3A_228 = arith.constant 1 : i32
        %eq3A_229 = arith.cmpi eq, %squeeze3A_222, %eq3A_228 : i32
        %convert_element_type3A_230 = arith.extui %eq3A_229 : i1 to i32
        %cond3A_231 = arith.constant 0 : i32
        %cond3A_232 = arith.cmpi ne, %convert_element_type3A_230, %cond3A_231 : i32
        scf.if %cond3A_232 {
          %dma_wait3A = tpu.memref_slice %arg4[%multiple_of3A_220] : memref<26624xf32, #tpu.memory_space<hbm>> -> memref<1024xf32, #tpu.memory_space<hbm>>
          %dma_wait3A_254 = tpu.memref_slice %arg4[%multiple_of3A_220] : memref<26624xf32, #tpu.memory_space<hbm>> -> memref<1024xf32, #tpu.memory_space<hbm>>
          tpu.wait_dma2 semaphore(%arg19 : memref<!tpu.dma_semaphore, #tpu.memory_space<semaphore_mem>>) src(%dma_wait3A_254 : memref<1024xf32, #tpu.memory_space<hbm>>) dst(%arg12 : memref<1024xf32, #tpu.memory_space<vmem>>)
          %dma_wait3A_255 = tpu.memref_slice %arg3[%multiple_of3A_210] : memref<26624xi32, #tpu.memory_space<hbm>> -> memref<1024xi32, #tpu.memory_space<hbm>>
          %dma_wait3A_256 = tpu.memref_slice %arg3[%multiple_of3A_210] : memref<26624xi32, #tpu.memory_space<hbm>> -> memref<1024xi32, #tpu.memory_space<hbm>>
          tpu.wait_dma2 semaphore(%arg19 : memref<!tpu.dma_semaphore, #tpu.memory_space<semaphore_mem>>) src(%dma_wait3A_256 : memref<1024xi32, #tpu.memory_space<hbm>>) dst(%arg14 : memref<1024xi32, #tpu.memory_space<vmem>>)
        } else {
        }
        %mul3A_233 = arith.constant 16 : i32
        %mul3A_234 = arith.muli %add3A_95, %mul3A_233 : i32
        %multiple_of3A_235 = tpu.assume_multiple %mul3A_234, 8 : i32
        %get3A_236 = arith.index_cast %multiple_of3A_235 : i32 to index
        %get3A_237 = tpu.vector_load %arg7[%get3A_236] {strides = array<i32>} : memref<11264xi32, #tpu.memory_space<vmem>>, vector<16xi32>,
        %slice3A_238 = vector.extract_strided_slice %get3A_237 {offsets = [3], sizes = [1], strides = [1]} : vector<16xi32> to vector<1xi32>
        %squeeze3A_239 = vector.extract %slice3A_238[0] : i32 from vector<1xi32>
        %slice3A_240 = vector.extract_strided_slice %get3A_237 {offsets = [2], sizes = [1], strides = [1]} : vector<16xi32> to vector<1xi32>
        %squeeze3A_241 = vector.extract %slice3A_240[0] : i32 from vector<1xi32>
        %slice3A_242 = vector.extract_strided_slice %get3A_237 {offsets = [8], sizes = [1], strides = [1]} : vector<16xi32> to vector<1xi32>
        %squeeze3A_243 = vector.extract %slice3A_242[0] : i32 from vector<1xi32>
        %eq3A_244 = arith.constant 0 : i32
        %eq3A_245 = arith.cmpi eq, %squeeze3A_239, %eq3A_244 : i32
        %convert_element_type3A_246 = arith.extui %eq3A_245 : i1 to i32
        %cond3A_247 = arith.constant 0 : i32
        %cond3A_248 = arith.cmpi ne, %convert_element_type3A_246, %cond3A_247 : i32
        scf.if %cond3A_248 {
          %scan3A_254 = arith.constant 0 : i32
          %scan3A_255 = arith.constant 0 : i32
          %scan3A_256 = arith.constant 64 : i32
          %scan3A_257 = arith.addi %scan3A_255, %scan3A_256 : i32
          %scan3A_258 = arith.constant 1 : i32
          scf.for %scan3A_260 = %scan3A_255 to %scan3A_257 step %scan3A_258  : i32 {
            %mul3A_261 = arith.constant 16 : i32
            %mul3A_262 = arith.muli %scan3A_260, %mul3A_261 : i32
            %multiple_of3A_263 = tpu.assume_multiple %mul3A_262, 16 : i32
            %get3A_264 = arith.index_cast %multiple_of3A_263 : i32 to index
            %get3A_265 = tpu.vector_load %arg14[%get3A_264] {strides = array<i32>} : memref<1024xi32, #tpu.memory_space<vmem>>, vector<16xi32>,
            %add3A_266 = vector.broadcast %squeeze3A_241 : i32 to vector<16xi32>
            %add3A_267 = arith.addi %get3A_265, %add3A_266 : vector<16xi32>
            %mul3A_268 = arith.constant 16 : i32
            %mul3A_269 = arith.muli %scan3A_260, %mul3A_268 : i32
            %multiple_of3A_270 = tpu.assume_multiple %mul3A_269, 16 : i32
            %get3A_271 = arith.index_cast %multiple_of3A_270 : i32 to index
            %get3A_272 = tpu.vector_load %arg15[%get3A_271] {strides = array<i32>} : memref<1024xi32, #tpu.memory_space<vmem>>, vector<16xi32>,
            %add3A_273 = vector.broadcast %squeeze3A_243 : i32 to vector<16xi32>
            %add3A_274 = arith.addi %get3A_272, %add3A_273 : vector<16xi32>
            %mul3A_275 = arith.constant 16 : i32
            %mul3A_276 = arith.muli %scan3A_260, %mul3A_275 : i32
            %multiple_of3A_277 = tpu.assume_multiple %mul3A_276, 16 : i32
            %get3A_278 = arith.index_cast %multiple_of3A_277 : i32 to index
            %get3A_279 = tpu.vector_load %arg18[%get3A_278] {strides = array<i32>} : memref<1024xf32, #tpu.memory_space<vmem>>, vector<16xf32>,
            %gather3A = tpu.vector_load_idx %arg8[%broadcast_in_dim3A_8, %add3A_267] : memref<16x1152xf32, #tpu.memory_space<vmem>>[vector<16xi32>, vector<16xi32>], vector<16xf32>,
            %gather3A_280 = tpu.vector_load_idx %arg10[%broadcast_in_dim3A_8, %add3A_274] : memref<16x1152xf32, #tpu.memory_space<vmem>>[vector<16xi32>, vector<16xi32>], vector<16xf32>,
            %mul3A_281 = arith.mulf %gather3A, %gather3A_280 : vector<16xf32>
            %add3A_282 = arith.addf %get3A_279, %mul3A_281 : vector<16xf32>
            %gather3A_283 = tpu.vector_load_idx %arg8[%broadcast_in_dim3A_10, %add3A_267] : memref<16x1152xf32, #tpu.memory_space<vmem>>[vector<16xi32>, vector<16xi32>], vector<16xf32>,
            %gather3A_284 = tpu.vector_load_idx %arg10[%broadcast_in_dim3A_10, %add3A_274] : memref<16x1152xf32, #tpu.memory_space<vmem>>[vector<16xi32>, vector<16xi32>], vector<16xf32>,
            %mul3A_285 = arith.mulf %gather3A_283, %gather3A_284 : vector<16xf32>
            %add3A_286 = arith.addf %add3A_282, %mul3A_285 : vector<16xf32>
            %gather3A_287 = tpu.vector_load_idx %arg8[%broadcast_in_dim3A_12, %add3A_267] : memref<16x1152xf32, #tpu.memory_space<vmem>>[vector<16xi32>, vector<16xi32>], vector<16xf32>,
            %gather3A_288 = tpu.vector_load_idx %arg10[%broadcast_in_dim3A_12, %add3A_274] : memref<16x1152xf32, #tpu.memory_space<vmem>>[vector<16xi32>, vector<16xi32>], vector<16xf32>,
            %mul3A_289 = arith.mulf %gather3A_287, %gather3A_288 : vector<16xf32>
            %add3A_290 = arith.addf %add3A_286, %mul3A_289 : vector<16xf32>
            %gather3A_291 = tpu.vector_load_idx %arg8[%broadcast_in_dim3A_14, %add3A_267] : memref<16x1152xf32, #tpu.memory_space<vmem>>[vector<16xi32>, vector<16xi32>], vector<16xf32>,
            %gather3A_292 = tpu.vector_load_idx %arg10[%broadcast_in_dim3A_14, %add3A_274] : memref<16x1152xf32, #tpu.memory_space<vmem>>[vector<16xi32>, vector<16xi32>], vector<16xf32>,
            %mul3A_293 = arith.mulf %gather3A_291, %gather3A_292 : vector<16xf32>
            %add3A_294 = arith.addf %add3A_290, %mul3A_293 : vector<16xf32>
            %gather3A_295 = tpu.vector_load_idx %arg8[%broadcast_in_dim3A_16, %add3A_267] : memref<16x1152xf32, #tpu.memory_space<vmem>>[vector<16xi32>, vector<16xi32>], vector<16xf32>,
            %gather3A_296 = tpu.vector_load_idx %arg10[%broadcast_in_dim3A_16, %add3A_274] : memref<16x1152xf32, #tpu.memory_space<vmem>>[vector<16xi32>, vector<16xi32>], vector<16xf32>,
            %mul3A_297 = arith.mulf %gather3A_295, %gather3A_296 : vector<16xf32>
            %add3A_298 = arith.addf %add3A_294, %mul3A_297 : vector<16xf32>
            %gather3A_299 = tpu.vector_load_idx %arg8[%broadcast_in_dim3A_18, %add3A_267] : memref<16x1152xf32, #tpu.memory_space<vmem>>[vector<16xi32>, vector<16xi32>], vector<16xf32>,
            %gather3A_300 = tpu.vector_load_idx %arg10[%broadcast_in_dim3A_18, %add3A_274] : memref<16x1152xf32, #tpu.memory_space<vmem>>[vector<16xi32>, vector<16xi32>], vector<16xf32>,
            %mul3A_301 = arith.mulf %gather3A_299, %gather3A_300 : vector<16xf32>
            %add3A_302 = arith.addf %add3A_298, %mul3A_301 : vector<16xf32>
            %gather3A_303 = tpu.vector_load_idx %arg8[%broadcast_in_dim3A_20, %add3A_267] : memref<16x1152xf32, #tpu.memory_space<vmem>>[vector<16xi32>, vector<16xi32>], vector<16xf32>,
            %gather3A_304 = tpu.vector_load_idx %arg10[%broadcast_in_dim3A_20, %add3A_274] : memref<16x1152xf32, #tpu.memory_space<vmem>>[vector<16xi32>, vector<16xi32>], vector<16xf32>,
            %mul3A_305 = arith.mulf %gather3A_303, %gather3A_304 : vector<16xf32>
            %add3A_306 = arith.addf %add3A_302, %mul3A_305 : vector<16xf32>
            %gather3A_307 = tpu.vector_load_idx %arg8[%broadcast_in_dim3A_22, %add3A_267] : memref<16x1152xf32, #tpu.memory_space<vmem>>[vector<16xi32>, vector<16xi32>], vector<16xf32>,
            %gather3A_308 = tpu.vector_load_idx %arg10[%broadcast_in_dim3A_22, %add3A_274] : memref<16x1152xf32, #tpu.memory_space<vmem>>[vector<16xi32>, vector<16xi32>], vector<16xf32>,
            %mul3A_309 = arith.mulf %gather3A_307, %gather3A_308 : vector<16xf32>
            %add3A_310 = arith.addf %add3A_306, %mul3A_309 : vector<16xf32>
            %gather3A_311 = tpu.vector_load_idx %arg8[%broadcast_in_dim3A_24, %add3A_267] : memref<16x1152xf32, #tpu.memory_space<vmem>>[vector<16xi32>, vector<16xi32>], vector<16xf32>,
            %gather3A_312 = tpu.vector_load_idx %arg10[%broadcast_in_dim3A_24, %add3A_274] : memref<16x1152xf32, #tpu.memory_space<vmem>>[vector<16xi32>, vector<16xi32>], vector<16xf32>,
            %mul3A_313 = arith.mulf %gather3A_311, %gather3A_312 : vector<16xf32>
            %add3A_314 = arith.addf %add3A_310, %mul3A_313 : vector<16xf32>
            %gather3A_315 = tpu.vector_load_idx %arg8[%broadcast_in_dim3A_26, %add3A_267] : memref<16x1152xf32, #tpu.memory_space<vmem>>[vector<16xi32>, vector<16xi32>], vector<16xf32>,
            %gather3A_316 = tpu.vector_load_idx %arg10[%broadcast_in_dim3A_26, %add3A_274] : memref<16x1152xf32, #tpu.memory_space<vmem>>[vector<16xi32>, vector<16xi32>], vector<16xf32>,
            %mul3A_317 = arith.mulf %gather3A_315, %gather3A_316 : vector<16xf32>
            %add3A_318 = arith.addf %add3A_314, %mul3A_317 : vector<16xf32>
            %gather3A_319 = tpu.vector_load_idx %arg8[%broadcast_in_dim3A_28, %add3A_267] : memref<16x1152xf32, #tpu.memory_space<vmem>>[vector<16xi32>, vector<16xi32>], vector<16xf32>,
            %gather3A_320 = tpu.vector_load_idx %arg10[%broadcast_in_dim3A_28, %add3A_274] : memref<16x1152xf32, #tpu.memory_space<vmem>>[vector<16xi32>, vector<16xi32>], vector<16xf32>,
            %mul3A_321 = arith.mulf %gather3A_319, %gather3A_320 : vector<16xf32>
            %add3A_322 = arith.addf %add3A_318, %mul3A_321 : vector<16xf32>
            %gather3A_323 = tpu.vector_load_idx %arg8[%broadcast_in_dim3A_30, %add3A_267] : memref<16x1152xf32, #tpu.memory_space<vmem>>[vector<16xi32>, vector<16xi32>], vector<16xf32>,
            %gather3A_324 = tpu.vector_load_idx %arg10[%broadcast_in_dim3A_30, %add3A_274] : memref<16x1152xf32, #tpu.memory_space<vmem>>[vector<16xi32>, vector<16xi32>], vector<16xf32>,
            %mul3A_325 = arith.mulf %gather3A_323, %gather3A_324 : vector<16xf32>
            %add3A_326 = arith.addf %add3A_322, %mul3A_325 : vector<16xf32>
            %gather3A_327 = tpu.vector_load_idx %arg8[%broadcast_in_dim3A_32, %add3A_267] : memref<16x1152xf32, #tpu.memory_space<vmem>>[vector<16xi32>, vector<16xi32>], vector<16xf32>,
            %gather3A_328 = tpu.vector_load_idx %arg10[%broadcast_in_dim3A_32, %add3A_274] : memref<16x1152xf32, #tpu.memory_space<vmem>>[vector<16xi32>, vector<16xi32>], vector<16xf32>,
            %mul3A_329 = arith.mulf %gather3A_327, %gather3A_328 : vector<16xf32>
            %add3A_330 = arith.addf %add3A_326, %mul3A_329 : vector<16xf32>
            %gather3A_331 = tpu.vector_load_idx %arg8[%broadcast_in_dim3A_34, %add3A_267] : memref<16x1152xf32, #tpu.memory_space<vmem>>[vector<16xi32>, vector<16xi32>], vector<16xf32>,
            %gather3A_332 = tpu.vector_load_idx %arg10[%broadcast_in_dim3A_34, %add3A_274] : memref<16x1152xf32, #tpu.memory_space<vmem>>[vector<16xi32>, vector<16xi32>], vector<16xf32>,
            %mul3A_333 = arith.mulf %gather3A_331, %gather3A_332 : vector<16xf32>
            %add3A_334 = arith.addf %add3A_330, %mul3A_333 : vector<16xf32>
            %gather3A_335 = tpu.vector_load_idx %arg8[%broadcast_in_dim3A_36, %add3A_267] : memref<16x1152xf32, #tpu.memory_space<vmem>>[vector<16xi32>, vector<16xi32>], vector<16xf32>,
            %gather3A_336 = tpu.vector_load_idx %arg10[%broadcast_in_dim3A_36, %add3A_274] : memref<16x1152xf32, #tpu.memory_space<vmem>>[vector<16xi32>, vector<16xi32>], vector<16xf32>,
            %mul3A_337 = arith.mulf %gather3A_335, %gather3A_336 : vector<16xf32>
            %add3A_338 = arith.addf %add3A_334, %mul3A_337 : vector<16xf32>
            %gather3A_339 = tpu.vector_load_idx %arg8[%broadcast_in_dim3A_38, %add3A_267] : memref<16x1152xf32, #tpu.memory_space<vmem>>[vector<16xi32>, vector<16xi32>], vector<16xf32>,
            %gather3A_340 = tpu.vector_load_idx %arg10[%broadcast_in_dim3A_38, %add3A_274] : memref<16x1152xf32, #tpu.memory_space<vmem>>[vector<16xi32>, vector<16xi32>], vector<16xf32>,
            %mul3A_341 = arith.mulf %gather3A_339, %gather3A_340 : vector<16xf32>
            %add3A_342 = arith.addf %add3A_338, %mul3A_341 : vector<16xf32>
            %swap3A = arith.index_cast %multiple_of3A_277 : i32 to index
            %swap3A_343 = tpu.vector_load %arg18[%swap3A] {strides = array<i32>} : memref<1024xf32, #tpu.memory_space<vmem>>, vector<16xf32>,
            tpu.vector_store %arg18[%swap3A], %add3A_342 {strides = array<i32>} : memref<1024xf32, #tpu.memory_space<vmem>>, vector<16xf32>,
          }
          %scan3A_259 = arith.constant 64 : i32
        } else {
        }
        %eq3A_249 = arith.constant 1 : i32
        %eq3A_250 = arith.cmpi eq, %squeeze3A_239, %eq3A_249 : i32
        %convert_element_type3A_251 = arith.extui %eq3A_250 : i1 to i32
        %cond3A_252 = arith.constant 0 : i32
        %cond3A_253 = arith.cmpi ne, %convert_element_type3A_251, %cond3A_252 : i32
        scf.if %cond3A_253 {
          %scan3A_254 = arith.constant 0 : i32
          %scan3A_255 = arith.constant 0 : i32
          %scan3A_256 = arith.constant 64 : i32
          %scan3A_257 = arith.addi %scan3A_255, %scan3A_256 : i32
          %scan3A_258 = arith.constant 1 : i32
          scf.for %scan3A_260 = %scan3A_255 to %scan3A_257 step %scan3A_258  : i32 {
            %mul3A_261 = arith.constant 16 : i32
            %mul3A_262 = arith.muli %scan3A_260, %mul3A_261 : i32
            %multiple_of3A_263 = tpu.assume_multiple %mul3A_262, 16 : i32
            %get3A_264 = arith.index_cast %multiple_of3A_263 : i32 to index
            %get3A_265 = tpu.vector_load %arg14[%get3A_264] {strides = array<i32>} : memref<1024xi32, #tpu.memory_space<vmem>>, vector<16xi32>,
            %get3A_266 = arith.index_cast %multiple_of3A_263 : i32 to index
            %get3A_267 = tpu.vector_load %arg18[%get3A_266] {strides = array<i32>} : memref<1024xf32, #tpu.memory_space<vmem>>, vector<16xf32>,
            %gather3A = tpu.vector_load_idx %arg12[%get3A_265] : memref<1024xf32, #tpu.memory_space<vmem>>[vector<16xi32>], vector<16xf32>,
            %add3A_268 = arith.addf %get3A_267, %gather3A : vector<16xf32>
            %swap3A = arith.index_cast %multiple_of3A_263 : i32 to index
            %swap3A_269 = tpu.vector_load %arg18[%swap3A] {strides = array<i32>} : memref<1024xf32, #tpu.memory_space<vmem>>, vector<16xf32>,
            tpu.vector_store %arg18[%swap3A], %add3A_268 {strides = array<i32>} : memref<1024xf32, #tpu.memory_space<vmem>>, vector<16xf32>,
          }
          %scan3A_259 = arith.constant 64 : i32
        } else {
        }
      } else {
      }
      %jit3A_168 = arith.constant 2 : i32
      %eq3A_169 = arith.constant 0 : i32
      %eq3A_170 = arith.cmpi eq, %jit3A_168, %eq3A_169 : i32
      %jit3A_171 = arith.constant 1 : i32
      %select_n3A_172 = arith.select %eq3A_170, %jit3A_171, %jit3A_168 : i32
      %rem3A_173 = arith.remsi %while3A_92, %select_n3A_172 : i32
      %ne3A_174 = arith.constant 0 : i32
      %ne3A_175 = arith.cmpi ne, %rem3A_173, %ne3A_174 : i32
      %lt3A_176 = arith.constant 0 : i32
      %lt3A_177 = arith.cmpi slt, %rem3A_173, %lt3A_176 : i32
      %lt3A_178 = arith.constant 0 : i32
      %lt3A_179 = arith.cmpi slt, %select_n3A_172, %lt3A_178 : i32
      %ne3A_180 = arith.xori %lt3A_177, %lt3A_179 : i1
      %and3A_181 = arith.andi %ne3A_180, %ne3A_175 : i1
      %add3A_182 = arith.addi %rem3A_173, %select_n3A_172 : i32
      %select_n3A_183 = arith.select %and3A_181, %add3A_182, %rem3A_173 : i32
      %eq3A_184 = arith.constant 1 : i32
      %eq3A_185 = arith.cmpi eq, %select_n3A_183, %eq3A_184 : i32
      %convert_element_type3A_186 = arith.extui %eq3A_185 : i1 to i32
      %cond3A_187 = arith.constant 0 : i32
      %cond3A_188 = arith.cmpi ne, %convert_element_type3A_186, %cond3A_187 : i32
      scf.if %cond3A_188 {
        %mul3A_189 = arith.constant 16 : i32
        %mul3A_190 = arith.muli %add3A_95, %mul3A_189 : i32
        %multiple_of3A_191 = tpu.assume_multiple %mul3A_190, 8 : i32
        %get3A_192 = arith.index_cast %multiple_of3A_191 : i32 to index
        %get3A_193 = tpu.vector_load %arg7[%get3A_192] {strides = array<i32>} : memref<11264xi32, #tpu.memory_space<vmem>>, vector<16xi32>,
        %slice3A_194 = vector.extract_strided_slice %get3A_193 {offsets = [0], sizes = [1], strides = [1]} : vector<16xi32> to vector<1xi32>
        %squeeze3A_195 = vector.extract %slice3A_194[0] : i32 from vector<1xi32>
        %multiple_of3A_196 = tpu.assume_multiple %squeeze3A_195, 16 : i32
        %slice3A_197 = vector.extract_strided_slice %get3A_193 {offsets = [1], sizes = [1], strides = [1]} : vector<16xi32> to vector<1xi32>
        %squeeze3A_198 = vector.extract %slice3A_197[0] : i32 from vector<1xi32>
        %multiple_of3A_199 = tpu.assume_multiple %squeeze3A_198, 128 : i32
        %slice3A_200 = vector.extract_strided_slice %get3A_193 {offsets = [4], sizes = [1], strides = [1]} : vector<16xi32> to vector<1xi32>
        %squeeze3A_201 = vector.extract %slice3A_200[0] : i32 from vector<1xi32>
        %multiple_of3A_202 = tpu.assume_multiple %squeeze3A_201, 16 : i32
        %slice3A_203 = vector.extract_strided_slice %get3A_193 {offsets = [5], sizes = [1], strides = [1]} : vector<16xi32> to vector<1xi32>
        %squeeze3A_204 = vector.extract %slice3A_203[0] : i32 from vector<1xi32>
        %multiple_of3A_205 = tpu.assume_multiple %squeeze3A_204, 128 : i32
        %slice3A_206 = vector.extract_strided_slice %get3A_193 {offsets = [6], sizes = [1], strides = [1]} : vector<16xi32> to vector<1xi32>
        %squeeze3A_207 = vector.extract %slice3A_206[0] : i32 from vector<1xi32>
        %mul3A_208 = arith.constant 1024 : i32
        %mul3A_209 = arith.muli %squeeze3A_207, %mul3A_208 : i32
        %multiple_of3A_210 = tpu.assume_multiple %mul3A_209, 1024 : i32
        %slice3A_211 = vector.extract_strided_slice %get3A_193 {offsets = [7], sizes = [1], strides = [1]} : vector<16xi32> to vector<1xi32>
        %squeeze3A_212 = vector.extract %slice3A_211[0] : i32 from vector<1xi32>
        %mul3A_213 = arith.constant 1024 : i32
        %mul3A_214 = arith.muli %squeeze3A_212, %mul3A_213 : i32
        %multiple_of3A_215 = tpu.assume_multiple %mul3A_214, 1024 : i32
        %slice3A_216 = vector.extract_strided_slice %get3A_193 {offsets = [6], sizes = [1], strides = [1]} : vector<16xi32> to vector<1xi32>
        %squeeze3A_217 = vector.extract %slice3A_216[0] : i32 from vector<1xi32>
        %mul3A_218 = arith.constant 1024 : i32
        %mul3A_219 = arith.muli %squeeze3A_217, %mul3A_218 : i32
        %multiple_of3A_220 = tpu.assume_multiple %mul3A_219, 1024 : i32
        %slice3A_221 = vector.extract_strided_slice %get3A_193 {offsets = [3], sizes = [1], strides = [1]} : vector<16xi32> to vector<1xi32>
        %squeeze3A_222 = vector.extract %slice3A_221[0] : i32 from vector<1xi32>
        %eq3A_223 = arith.constant 0 : i32
        %eq3A_224 = arith.cmpi eq, %squeeze3A_222, %eq3A_223 : i32
        %convert_element_type3A_225 = arith.extui %eq3A_224 : i1 to i32
        %cond3A_226 = arith.constant 0 : i32
        %cond3A_227 = arith.cmpi ne, %convert_element_type3A_225, %cond3A_226 : i32
        scf.if %cond3A_227 {
          %dma_wait3A = tpu.memref_slice %arg5[%multiple_of3A_196, %multiple_of3A_199] : memref<832x26000xf32, #tpu.memory_space<hbm>> -> memref<16x1152xf32, #tpu.memory_space<hbm>>
          %dma_wait3A_254 = tpu.memref_slice %arg5[%multiple_of3A_196, %multiple_of3A_199] : memref<832x26000xf32, #tpu.memory_space<hbm>> -> memref<16x1152xf32, #tpu.memory_space<hbm>>
          tpu.wait_dma2 semaphore(%arg20 : memref<!tpu.dma_semaphore, #tpu.memory_space<semaphore_mem>>) src(%dma_wait3A_254 : memref<16x1152xf32, #tpu.memory_space<hbm>>) dst(%arg9 : memref<16x1152xf32, #tpu.memory_space<vmem>>)
          %dma_wait3A_255 = tpu.memref_slice %arg5[%multiple_of3A_202, %multiple_of3A_205] : memref<832x26000xf32, #tpu.memory_space<hbm>> -> memref<16x1152xf32, #tpu.memory_space<hbm>>
          %dma_wait3A_256 = tpu.memref_slice %arg5[%multiple_of3A_202, %multiple_of3A_205] : memref<832x26000xf32, #tpu.memory_space<hbm>> -> memref<16x1152xf32, #tpu.memory_space<hbm>>
          tpu.wait_dma2 semaphore(%arg20 : memref<!tpu.dma_semaphore, #tpu.memory_space<semaphore_mem>>) src(%dma_wait3A_256 : memref<16x1152xf32, #tpu.memory_space<hbm>>) dst(%arg11 : memref<16x1152xf32, #tpu.memory_space<vmem>>)
          %dma_wait3A_257 = tpu.memref_slice %arg3[%multiple_of3A_210] : memref<26624xi32, #tpu.memory_space<hbm>> -> memref<1024xi32, #tpu.memory_space<hbm>>
          %dma_wait3A_258 = tpu.memref_slice %arg3[%multiple_of3A_210] : memref<26624xi32, #tpu.memory_space<hbm>> -> memref<1024xi32, #tpu.memory_space<hbm>>
          tpu.wait_dma2 semaphore(%arg20 : memref<!tpu.dma_semaphore, #tpu.memory_space<semaphore_mem>>) src(%dma_wait3A_258 : memref<1024xi32, #tpu.memory_space<hbm>>) dst(%arg16 : memref<1024xi32, #tpu.memory_space<vmem>>)
          %dma_wait3A_259 = tpu.memref_slice %arg3[%multiple_of3A_215] : memref<26624xi32, #tpu.memory_space<hbm>> -> memref<1024xi32, #tpu.memory_space<hbm>>
          %dma_wait3A_260 = tpu.memref_slice %arg3[%multiple_of3A_215] : memref<26624xi32, #tpu.memory_space<hbm>> -> memref<1024xi32, #tpu.memory_space<hbm>>
          tpu.wait_dma2 semaphore(%arg20 : memref<!tpu.dma_semaphore, #tpu.memory_space<semaphore_mem>>) src(%dma_wait3A_260 : memref<1024xi32, #tpu.memory_space<hbm>>) dst(%arg17 : memref<1024xi32, #tpu.memory_space<vmem>>)
        } else {
        }
        %eq3A_228 = arith.constant 1 : i32
        %eq3A_229 = arith.cmpi eq, %squeeze3A_222, %eq3A_228 : i32
        %convert_element_type3A_230 = arith.extui %eq3A_229 : i1 to i32
        %cond3A_231 = arith.constant 0 : i32
        %cond3A_232 = arith.cmpi ne, %convert_element_type3A_230, %cond3A_231 : i32
        scf.if %cond3A_232 {
          %dma_wait3A = tpu.memref_slice %arg4[%multiple_of3A_220] : memref<26624xf32, #tpu.memory_space<hbm>> -> memref<1024xf32, #tpu.memory_space<hbm>>
          %dma_wait3A_254 = tpu.memref_slice %arg4[%multiple_of3A_220] : memref<26624xf32, #tpu.memory_space<hbm>> -> memref<1024xf32, #tpu.memory_space<hbm>>
          tpu.wait_dma2 semaphore(%arg20 : memref<!tpu.dma_semaphore, #tpu.memory_space<semaphore_mem>>) src(%dma_wait3A_254 : memref<1024xf32, #tpu.memory_space<hbm>>) dst(%arg13 : memref<1024xf32, #tpu.memory_space<vmem>>)
          %dma_wait3A_255 = tpu.memref_slice %arg3[%multiple_of3A_210] : memref<26624xi32, #tpu.memory_space<hbm>> -> memref<1024xi32, #tpu.memory_space<hbm>>
          %dma_wait3A_256 = tpu.memref_slice %arg3[%multiple_of3A_210] : memref<26624xi32, #tpu.memory_space<hbm>> -> memref<1024xi32, #tpu.memory_space<hbm>>
          tpu.wait_dma2 semaphore(%arg20 : memref<!tpu.dma_semaphore, #tpu.memory_space<semaphore_mem>>) src(%dma_wait3A_256 : memref<1024xi32, #tpu.memory_space<hbm>>) dst(%arg16 : memref<1024xi32, #tpu.memory_space<vmem>>)
        } else {
        }
        %mul3A_233 = arith.constant 16 : i32
        %mul3A_234 = arith.muli %add3A_95, %mul3A_233 : i32
        %multiple_of3A_235 = tpu.assume_multiple %mul3A_234, 8 : i32
        %get3A_236 = arith.index_cast %multiple_of3A_235 : i32 to index
        %get3A_237 = tpu.vector_load %arg7[%get3A_236] {strides = array<i32>} : memref<11264xi32, #tpu.memory_space<vmem>>, vector<16xi32>,
        %slice3A_238 = vector.extract_strided_slice %get3A_237 {offsets = [3], sizes = [1], strides = [1]} : vector<16xi32> to vector<1xi32>
        %squeeze3A_239 = vector.extract %slice3A_238[0] : i32 from vector<1xi32>
        %slice3A_240 = vector.extract_strided_slice %get3A_237 {offsets = [2], sizes = [1], strides = [1]} : vector<16xi32> to vector<1xi32>
        %squeeze3A_241 = vector.extract %slice3A_240[0] : i32 from vector<1xi32>
        %slice3A_242 = vector.extract_strided_slice %get3A_237 {offsets = [8], sizes = [1], strides = [1]} : vector<16xi32> to vector<1xi32>
        %squeeze3A_243 = vector.extract %slice3A_242[0] : i32 from vector<1xi32>
        %eq3A_244 = arith.constant 0 : i32
        %eq3A_245 = arith.cmpi eq, %squeeze3A_239, %eq3A_244 : i32
        %convert_element_type3A_246 = arith.extui %eq3A_245 : i1 to i32
        %cond3A_247 = arith.constant 0 : i32
        %cond3A_248 = arith.cmpi ne, %convert_element_type3A_246, %cond3A_247 : i32
        scf.if %cond3A_248 {
          %scan3A_254 = arith.constant 0 : i32
          %scan3A_255 = arith.constant 0 : i32
          %scan3A_256 = arith.constant 64 : i32
          %scan3A_257 = arith.addi %scan3A_255, %scan3A_256 : i32
          %scan3A_258 = arith.constant 1 : i32
          scf.for %scan3A_260 = %scan3A_255 to %scan3A_257 step %scan3A_258  : i32 {
            %mul3A_261 = arith.constant 16 : i32
            %mul3A_262 = arith.muli %scan3A_260, %mul3A_261 : i32
            %multiple_of3A_263 = tpu.assume_multiple %mul3A_262, 16 : i32
            %get3A_264 = arith.index_cast %multiple_of3A_263 : i32 to index
            %get3A_265 = tpu.vector_load %arg16[%get3A_264] {strides = array<i32>} : memref<1024xi32, #tpu.memory_space<vmem>>, vector<16xi32>,
            %add3A_266 = vector.broadcast %squeeze3A_241 : i32 to vector<16xi32>
            %add3A_267 = arith.addi %get3A_265, %add3A_266 : vector<16xi32>
            %mul3A_268 = arith.constant 16 : i32
            %mul3A_269 = arith.muli %scan3A_260, %mul3A_268 : i32
            %multiple_of3A_270 = tpu.assume_multiple %mul3A_269, 16 : i32
            %get3A_271 = arith.index_cast %multiple_of3A_270 : i32 to index
            %get3A_272 = tpu.vector_load %arg17[%get3A_271] {strides = array<i32>} : memref<1024xi32, #tpu.memory_space<vmem>>, vector<16xi32>,
            %add3A_273 = vector.broadcast %squeeze3A_243 : i32 to vector<16xi32>
            %add3A_274 = arith.addi %get3A_272, %add3A_273 : vector<16xi32>
            %mul3A_275 = arith.constant 16 : i32
            %mul3A_276 = arith.muli %scan3A_260, %mul3A_275 : i32
            %multiple_of3A_277 = tpu.assume_multiple %mul3A_276, 16 : i32
            %get3A_278 = arith.index_cast %multiple_of3A_277 : i32 to index
            %get3A_279 = tpu.vector_load %arg18[%get3A_278] {strides = array<i32>} : memref<1024xf32, #tpu.memory_space<vmem>>, vector<16xf32>,
            %gather3A = tpu.vector_load_idx %arg9[%broadcast_in_dim3A_8, %add3A_267] : memref<16x1152xf32, #tpu.memory_space<vmem>>[vector<16xi32>, vector<16xi32>], vector<16xf32>,
            %gather3A_280 = tpu.vector_load_idx %arg11[%broadcast_in_dim3A_8, %add3A_274] : memref<16x1152xf32, #tpu.memory_space<vmem>>[vector<16xi32>, vector<16xi32>], vector<16xf32>,
            %mul3A_281 = arith.mulf %gather3A, %gather3A_280 : vector<16xf32>
            %add3A_282 = arith.addf %get3A_279, %mul3A_281 : vector<16xf32>
            %gather3A_283 = tpu.vector_load_idx %arg9[%broadcast_in_dim3A_10, %add3A_267] : memref<16x1152xf32, #tpu.memory_space<vmem>>[vector<16xi32>, vector<16xi32>], vector<16xf32>,
            %gather3A_284 = tpu.vector_load_idx %arg11[%broadcast_in_dim3A_10, %add3A_274] : memref<16x1152xf32, #tpu.memory_space<vmem>>[vector<16xi32>, vector<16xi32>], vector<16xf32>,
            %mul3A_285 = arith.mulf %gather3A_283, %gather3A_284 : vector<16xf32>
            %add3A_286 = arith.addf %add3A_282, %mul3A_285 : vector<16xf32>
            %gather3A_287 = tpu.vector_load_idx %arg9[%broadcast_in_dim3A_12, %add3A_267] : memref<16x1152xf32, #tpu.memory_space<vmem>>[vector<16xi32>, vector<16xi32>], vector<16xf32>,
            %gather3A_288 = tpu.vector_load_idx %arg11[%broadcast_in_dim3A_12, %add3A_274] : memref<16x1152xf32, #tpu.memory_space<vmem>>[vector<16xi32>, vector<16xi32>], vector<16xf32>,
            %mul3A_289 = arith.mulf %gather3A_287, %gather3A_288 : vector<16xf32>
            %add3A_290 = arith.addf %add3A_286, %mul3A_289 : vector<16xf32>
            %gather3A_291 = tpu.vector_load_idx %arg9[%broadcast_in_dim3A_14, %add3A_267] : memref<16x1152xf32, #tpu.memory_space<vmem>>[vector<16xi32>, vector<16xi32>], vector<16xf32>,
            %gather3A_292 = tpu.vector_load_idx %arg11[%broadcast_in_dim3A_14, %add3A_274] : memref<16x1152xf32, #tpu.memory_space<vmem>>[vector<16xi32>, vector<16xi32>], vector<16xf32>,
            %mul3A_293 = arith.mulf %gather3A_291, %gather3A_292 : vector<16xf32>
            %add3A_294 = arith.addf %add3A_290, %mul3A_293 : vector<16xf32>
            %gather3A_295 = tpu.vector_load_idx %arg9[%broadcast_in_dim3A_16, %add3A_267] : memref<16x1152xf32, #tpu.memory_space<vmem>>[vector<16xi32>, vector<16xi32>], vector<16xf32>,
            %gather3A_296 = tpu.vector_load_idx %arg11[%broadcast_in_dim3A_16, %add3A_274] : memref<16x1152xf32, #tpu.memory_space<vmem>>[vector<16xi32>, vector<16xi32>], vector<16xf32>,
            %mul3A_297 = arith.mulf %gather3A_295, %gather3A_296 : vector<16xf32>
            %add3A_298 = arith.addf %add3A_294, %mul3A_297 : vector<16xf32>
            %gather3A_299 = tpu.vector_load_idx %arg9[%broadcast_in_dim3A_18, %add3A_267] : memref<16x1152xf32, #tpu.memory_space<vmem>>[vector<16xi32>, vector<16xi32>], vector<16xf32>,
            %gather3A_300 = tpu.vector_load_idx %arg11[%broadcast_in_dim3A_18, %add3A_274] : memref<16x1152xf32, #tpu.memory_space<vmem>>[vector<16xi32>, vector<16xi32>], vector<16xf32>,
            %mul3A_301 = arith.mulf %gather3A_299, %gather3A_300 : vector<16xf32>
            %add3A_302 = arith.addf %add3A_298, %mul3A_301 : vector<16xf32>
            %gather3A_303 = tpu.vector_load_idx %arg9[%broadcast_in_dim3A_20, %add3A_267] : memref<16x1152xf32, #tpu.memory_space<vmem>>[vector<16xi32>, vector<16xi32>], vector<16xf32>,
            %gather3A_304 = tpu.vector_load_idx %arg11[%broadcast_in_dim3A_20, %add3A_274] : memref<16x1152xf32, #tpu.memory_space<vmem>>[vector<16xi32>, vector<16xi32>], vector<16xf32>,
            %mul3A_305 = arith.mulf %gather3A_303, %gather3A_304 : vector<16xf32>
            %add3A_306 = arith.addf %add3A_302, %mul3A_305 : vector<16xf32>
            %gather3A_307 = tpu.vector_load_idx %arg9[%broadcast_in_dim3A_22, %add3A_267] : memref<16x1152xf32, #tpu.memory_space<vmem>>[vector<16xi32>, vector<16xi32>], vector<16xf32>,
            %gather3A_308 = tpu.vector_load_idx %arg11[%broadcast_in_dim3A_22, %add3A_274] : memref<16x1152xf32, #tpu.memory_space<vmem>>[vector<16xi32>, vector<16xi32>], vector<16xf32>,
            %mul3A_309 = arith.mulf %gather3A_307, %gather3A_308 : vector<16xf32>
            %add3A_310 = arith.addf %add3A_306, %mul3A_309 : vector<16xf32>
            %gather3A_311 = tpu.vector_load_idx %arg9[%broadcast_in_dim3A_24, %add3A_267] : memref<16x1152xf32, #tpu.memory_space<vmem>>[vector<16xi32>, vector<16xi32>], vector<16xf32>,
            %gather3A_312 = tpu.vector_load_idx %arg11[%broadcast_in_dim3A_24, %add3A_274] : memref<16x1152xf32, #tpu.memory_space<vmem>>[vector<16xi32>, vector<16xi32>], vector<16xf32>,
            %mul3A_313 = arith.mulf %gather3A_311, %gather3A_312 : vector<16xf32>
            %add3A_314 = arith.addf %add3A_310, %mul3A_313 : vector<16xf32>
            %gather3A_315 = tpu.vector_load_idx %arg9[%broadcast_in_dim3A_26, %add3A_267] : memref<16x1152xf32, #tpu.memory_space<vmem>>[vector<16xi32>, vector<16xi32>], vector<16xf32>,
            %gather3A_316 = tpu.vector_load_idx %arg11[%broadcast_in_dim3A_26, %add3A_274] : memref<16x1152xf32, #tpu.memory_space<vmem>>[vector<16xi32>, vector<16xi32>], vector<16xf32>,
            %mul3A_317 = arith.mulf %gather3A_315, %gather3A_316 : vector<16xf32>
            %add3A_318 = arith.addf %add3A_314, %mul3A_317 : vector<16xf32>
            %gather3A_319 = tpu.vector_load_idx %arg9[%broadcast_in_dim3A_28, %add3A_267] : memref<16x1152xf32, #tpu.memory_space<vmem>>[vector<16xi32>, vector<16xi32>], vector<16xf32>,
            %gather3A_320 = tpu.vector_load_idx %arg11[%broadcast_in_dim3A_28, %add3A_274] : memref<16x1152xf32, #tpu.memory_space<vmem>>[vector<16xi32>, vector<16xi32>], vector<16xf32>,
            %mul3A_321 = arith.mulf %gather3A_319, %gather3A_320 : vector<16xf32>
            %add3A_322 = arith.addf %add3A_318, %mul3A_321 : vector<16xf32>
            %gather3A_323 = tpu.vector_load_idx %arg9[%broadcast_in_dim3A_30, %add3A_267] : memref<16x1152xf32, #tpu.memory_space<vmem>>[vector<16xi32>, vector<16xi32>], vector<16xf32>,
            %gather3A_324 = tpu.vector_load_idx %arg11[%broadcast_in_dim3A_30, %add3A_274] : memref<16x1152xf32, #tpu.memory_space<vmem>>[vector<16xi32>, vector<16xi32>], vector<16xf32>,
            %mul3A_325 = arith.mulf %gather3A_323, %gather3A_324 : vector<16xf32>
            %add3A_326 = arith.addf %add3A_322, %mul3A_325 : vector<16xf32>
            %gather3A_327 = tpu.vector_load_idx %arg9[%broadcast_in_dim3A_32, %add3A_267] : memref<16x1152xf32, #tpu.memory_space<vmem>>[vector<16xi32>, vector<16xi32>], vector<16xf32>,
            %gather3A_328 = tpu.vector_load_idx %arg11[%broadcast_in_dim3A_32, %add3A_274] : memref<16x1152xf32, #tpu.memory_space<vmem>>[vector<16xi32>, vector<16xi32>], vector<16xf32>,
            %mul3A_329 = arith.mulf %gather3A_327, %gather3A_328 : vector<16xf32>
            %add3A_330 = arith.addf %add3A_326, %mul3A_329 : vector<16xf32>
            %gather3A_331 = tpu.vector_load_idx %arg9[%broadcast_in_dim3A_34, %add3A_267] : memref<16x1152xf32, #tpu.memory_space<vmem>>[vector<16xi32>, vector<16xi32>], vector<16xf32>,
            %gather3A_332 = tpu.vector_load_idx %arg11[%broadcast_in_dim3A_34, %add3A_274] : memref<16x1152xf32, #tpu.memory_space<vmem>>[vector<16xi32>, vector<16xi32>], vector<16xf32>,
            %mul3A_333 = arith.mulf %gather3A_331, %gather3A_332 : vector<16xf32>
            %add3A_334 = arith.addf %add3A_330, %mul3A_333 : vector<16xf32>
            %gather3A_335 = tpu.vector_load_idx %arg9[%broadcast_in_dim3A_36, %add3A_267] : memref<16x1152xf32, #tpu.memory_space<vmem>>[vector<16xi32>, vector<16xi32>], vector<16xf32>,
            %gather3A_336 = tpu.vector_load_idx %arg11[%broadcast_in_dim3A_36, %add3A_274] : memref<16x1152xf32, #tpu.memory_space<vmem>>[vector<16xi32>, vector<16xi32>], vector<16xf32>,
            %mul3A_337 = arith.mulf %gather3A_335, %gather3A_336 : vector<16xf32>
            %add3A_338 = arith.addf %add3A_334, %mul3A_337 : vector<16xf32>
            %gather3A_339 = tpu.vector_load_idx %arg9[%broadcast_in_dim3A_38, %add3A_267] : memref<16x1152xf32, #tpu.memory_space<vmem>>[vector<16xi32>, vector<16xi32>], vector<16xf32>,
            %gather3A_340 = tpu.vector_load_idx %arg11[%broadcast_in_dim3A_38, %add3A_274] : memref<16x1152xf32, #tpu.memory_space<vmem>>[vector<16xi32>, vector<16xi32>], vector<16xf32>,
            %mul3A_341 = arith.mulf %gather3A_339, %gather3A_340 : vector<16xf32>
            %add3A_342 = arith.addf %add3A_338, %mul3A_341 : vector<16xf32>
            %swap3A = arith.index_cast %multiple_of3A_277 : i32 to index
            %swap3A_343 = tpu.vector_load %arg18[%swap3A] {strides = array<i32>} : memref<1024xf32, #tpu.memory_space<vmem>>, vector<16xf32>,
            tpu.vector_store %arg18[%swap3A], %add3A_342 {strides = array<i32>} : memref<1024xf32, #tpu.memory_space<vmem>>, vector<16xf32>,
          }
          %scan3A_259 = arith.constant 64 : i32
        } else {
        }
        %eq3A_249 = arith.constant 1 : i32
        %eq3A_250 = arith.cmpi eq, %squeeze3A_239, %eq3A_249 : i32
        %convert_element_type3A_251 = arith.extui %eq3A_250 : i1 to i32
        %cond3A_252 = arith.constant 0 : i32
        %cond3A_253 = arith.cmpi ne, %convert_element_type3A_251, %cond3A_252 : i32
        scf.if %cond3A_253 {
          %scan3A_254 = arith.constant 0 : i32
          %scan3A_255 = arith.constant 0 : i32
          %scan3A_256 = arith.constant 64 : i32
          %scan3A_257 = arith.addi %scan3A_255, %scan3A_256 : i32
          %scan3A_258 = arith.constant 1 : i32
          scf.for %scan3A_260 = %scan3A_255 to %scan3A_257 step %scan3A_258  : i32 {
            %mul3A_261 = arith.constant 16 : i32
            %mul3A_262 = arith.muli %scan3A_260, %mul3A_261 : i32
            %multiple_of3A_263 = tpu.assume_multiple %mul3A_262, 16 : i32
            %get3A_264 = arith.index_cast %multiple_of3A_263 : i32 to index
            %get3A_265 = tpu.vector_load %arg16[%get3A_264] {strides = array<i32>} : memref<1024xi32, #tpu.memory_space<vmem>>, vector<16xi32>,
            %get3A_266 = arith.index_cast %multiple_of3A_263 : i32 to index
            %get3A_267 = tpu.vector_load %arg18[%get3A_266] {strides = array<i32>} : memref<1024xf32, #tpu.memory_space<vmem>>, vector<16xf32>,
            %gather3A = tpu.vector_load_idx %arg13[%get3A_265] : memref<1024xf32, #tpu.memory_space<vmem>>[vector<16xi32>], vector<16xf32>,
            %add3A_268 = arith.addf %get3A_267, %gather3A : vector<16xf32>
            %swap3A = arith.index_cast %multiple_of3A_263 : i32 to index
            %swap3A_269 = tpu.vector_load %arg18[%swap3A] {strides = array<i32>} : memref<1024xf32, #tpu.memory_space<vmem>>, vector<16xf32>,
            tpu.vector_store %arg18[%swap3A], %add3A_268 {strides = array<i32>} : memref<1024xf32, #tpu.memory_space<vmem>>, vector<16xf32>,
          }
          %scan3A_259 = arith.constant 64 : i32
        } else {
        }
      } else {
      }
    }
    %while3A_88 = arith.constant 1 : i32
    scf.for %while3A_92 = %while3A_86 to %while3A_82 step %while3A_88  : i32 {
      %mul3A_93 = arith.constant 32 : i32
      %mul3A_94 = arith.muli %mul3A_93, %while3A_92 : i32
      %add3A_95 = arith.addi %add3A, %mul3A_94 : i32
      %add3A_96 = arith.constant 32 : i32
      %add3A_97 = arith.addi %add3A_95, %add3A_96 : i32
      %add3A_98 = arith.constant 1 : i32
      %add3A_99 = arith.addi %while3A_92, %add3A_98 : i32
      %lt3A_100 = arith.cmpi slt, %add3A_99, %add3A_41 : i32
      %add3A_101 = arith.constant 1 : i32
      %add3A_102 = arith.addi %while3A_92, %add3A_101 : i32
      %jit3A = arith.constant 2 : i32
      %eq3A_103 = arith.constant 0 : i32
      %eq3A_104 = arith.cmpi eq, %jit3A, %eq3A_103 : i32
      %jit3A_105 = arith.constant 1 : i32
      %select_n3A = arith.select %eq3A_104, %jit3A_105, %jit3A : i32
      %rem3A = arith.remsi %add3A_102, %select_n3A : i32
      %ne3A = arith.constant 0 : i32
      %ne3A_106 = arith.cmpi ne, %rem3A, %ne3A : i32
      %lt3A_107 = arith.constant 0 : i32
      %lt3A_108 = arith.cmpi slt, %rem3A, %lt3A_107 : i32
      %lt3A_109 = arith.constant 0 : i32
      %lt3A_110 = arith.cmpi slt, %select_n3A, %lt3A_109 : i32
      %ne3A_111 = arith.xori %lt3A_108, %lt3A_110 : i1
      %and3A = arith.andi %ne3A_111, %ne3A_106 : i1
      %add3A_112 = arith.addi %rem3A, %select_n3A : i32
      %select_n3A_113 = arith.select %and3A, %add3A_112, %rem3A : i32
      %eq3A_114 = arith.constant 0 : i32
      %eq3A_115 = arith.cmpi eq, %select_n3A_113, %eq3A_114 : i32
      %and3A_116 = arith.andi %lt3A_100, %eq3A_115 : i1
      %convert_element_type3A_117 = arith.extui %and3A_116 : i1 to i32
      %cond3A_118 = arith.constant 0 : i32
      %cond3A_119 = arith.cmpi ne, %convert_element_type3A_117, %cond3A_118 : i32
      scf.if %cond3A_119 {
        %mul3A_189 = arith.constant 16 : i32
        %mul3A_190 = arith.muli %add3A_97, %mul3A_189 : i32
        %multiple_of3A_191 = tpu.assume_multiple %mul3A_190, 8 : i32
        %get3A_192 = arith.index_cast %multiple_of3A_191 : i32 to index
        %get3A_193 = tpu.vector_load %arg7[%get3A_192] {strides = array<i32>} : memref<11264xi32, #tpu.memory_space<vmem>>, vector<16xi32>,
        %slice3A_194 = vector.extract_strided_slice %get3A_193 {offsets = [0], sizes = [1], strides = [1]} : vector<16xi32> to vector<1xi32>
        %squeeze3A_195 = vector.extract %slice3A_194[0] : i32 from vector<1xi32>
        %multiple_of3A_196 = tpu.assume_multiple %squeeze3A_195, 16 : i32
        %slice3A_197 = vector.extract_strided_slice %get3A_193 {offsets = [1], sizes = [1], strides = [1]} : vector<16xi32> to vector<1xi32>
        %squeeze3A_198 = vector.extract %slice3A_197[0] : i32 from vector<1xi32>
        %multiple_of3A_199 = tpu.assume_multiple %squeeze3A_198, 128 : i32
        %slice3A_200 = vector.extract_strided_slice %get3A_193 {offsets = [4], sizes = [1], strides = [1]} : vector<16xi32> to vector<1xi32>
        %squeeze3A_201 = vector.extract %slice3A_200[0] : i32 from vector<1xi32>
        %multiple_of3A_202 = tpu.assume_multiple %squeeze3A_201, 16 : i32
        %slice3A_203 = vector.extract_strided_slice %get3A_193 {offsets = [5], sizes = [1], strides = [1]} : vector<16xi32> to vector<1xi32>
        %squeeze3A_204 = vector.extract %slice3A_203[0] : i32 from vector<1xi32>
        %multiple_of3A_205 = tpu.assume_multiple %squeeze3A_204, 128 : i32
        %slice3A_206 = vector.extract_strided_slice %get3A_193 {offsets = [6], sizes = [1], strides = [1]} : vector<16xi32> to vector<1xi32>
        %squeeze3A_207 = vector.extract %slice3A_206[0] : i32 from vector<1xi32>
        %mul3A_208 = arith.constant 1024 : i32
        %mul3A_209 = arith.muli %squeeze3A_207, %mul3A_208 : i32
        %multiple_of3A_210 = tpu.assume_multiple %mul3A_209, 1024 : i32
        %slice3A_211 = vector.extract_strided_slice %get3A_193 {offsets = [7], sizes = [1], strides = [1]} : vector<16xi32> to vector<1xi32>
        %squeeze3A_212 = vector.extract %slice3A_211[0] : i32 from vector<1xi32>
        %mul3A_213 = arith.constant 1024 : i32
        %mul3A_214 = arith.muli %squeeze3A_212, %mul3A_213 : i32
        %multiple_of3A_215 = tpu.assume_multiple %mul3A_214, 1024 : i32
        %slice3A_216 = vector.extract_strided_slice %get3A_193 {offsets = [6], sizes = [1], strides = [1]} : vector<16xi32> to vector<1xi32>
        %squeeze3A_217 = vector.extract %slice3A_216[0] : i32 from vector<1xi32>
        %mul3A_218 = arith.constant 1024 : i32
        %mul3A_219 = arith.muli %squeeze3A_217, %mul3A_218 : i32
        %multiple_of3A_220 = tpu.assume_multiple %mul3A_219, 1024 : i32
        %slice3A_221 = vector.extract_strided_slice %get3A_193 {offsets = [3], sizes = [1], strides = [1]} : vector<16xi32> to vector<1xi32>
        %squeeze3A_222 = vector.extract %slice3A_221[0] : i32 from vector<1xi32>
        %eq3A_223 = arith.constant 0 : i32
        %eq3A_224 = arith.cmpi eq, %squeeze3A_222, %eq3A_223 : i32
        %convert_element_type3A_225 = arith.extui %eq3A_224 : i1 to i32
        %cond3A_226 = arith.constant 0 : i32
        %cond3A_227 = arith.cmpi ne, %convert_element_type3A_225, %cond3A_226 : i32
        scf.if %cond3A_227 {
          %dma_start3A = tpu.memref_slice %arg5[%multiple_of3A_196, %multiple_of3A_199] : memref<832x26000xf32, #tpu.memory_space<hbm>> -> memref<16x1152xf32, #tpu.memory_space<hbm>>
          %dma_start3A_233 = tpu.memref_slice %arg5[%multiple_of3A_196, %multiple_of3A_199] : memref<832x26000xf32, #tpu.memory_space<hbm>> -> memref<16x1152xf32, #tpu.memory_space<hbm>>
          tpu.enqueue_dma source(%dma_start3A_233 : memref<16x1152xf32, #tpu.memory_space<hbm>>) target(%arg8 : memref<16x1152xf32, #tpu.memory_space<vmem>>) target_semaphore(%arg19 : memref<!tpu.dma_semaphore, #tpu.memory_space<semaphore_mem>>)
          %dma_start3A_234 = tpu.memref_slice %arg5[%multiple_of3A_202, %multiple_of3A_205] : memref<832x26000xf32, #tpu.memory_space<hbm>> -> memref<16x1152xf32, #tpu.memory_space<hbm>>
          %dma_start3A_235 = tpu.memref_slice %arg5[%multiple_of3A_202, %multiple_of3A_205] : memref<832x26000xf32, #tpu.memory_space<hbm>> -> memref<16x1152xf32, #tpu.memory_space<hbm>>
          tpu.enqueue_dma source(%dma_start3A_235 : memref<16x1152xf32, #tpu.memory_space<hbm>>) target(%arg10 : memref<16x1152xf32, #tpu.memory_space<vmem>>) target_semaphore(%arg19 : memref<!tpu.dma_semaphore, #tpu.memory_space<semaphore_mem>>)
          %dma_start3A_236 = tpu.memref_slice %arg3[%multiple_of3A_210] : memref<26624xi32, #tpu.memory_space<hbm>> -> memref<1024xi32, #tpu.memory_space<hbm>>
          %dma_start3A_237 = tpu.memref_slice %arg3[%multiple_of3A_210] : memref<26624xi32, #tpu.memory_space<hbm>> -> memref<1024xi32, #tpu.memory_space<hbm>>
          tpu.enqueue_dma source(%dma_start3A_237 : memref<1024xi32, #tpu.memory_space<hbm>>) target(%arg14 : memref<1024xi32, #tpu.memory_space<vmem>>) target_semaphore(%arg19 : memref<!tpu.dma_semaphore, #tpu.memory_space<semaphore_mem>>)
          %dma_start3A_238 = tpu.memref_slice %arg3[%multiple_of3A_215] : memref<26624xi32, #tpu.memory_space<hbm>> -> memref<1024xi32, #tpu.memory_space<hbm>>
          %dma_start3A_239 = tpu.memref_slice %arg3[%multiple_of3A_215] : memref<26624xi32, #tpu.memory_space<hbm>> -> memref<1024xi32, #tpu.memory_space<hbm>>
          tpu.enqueue_dma source(%dma_start3A_239 : memref<1024xi32, #tpu.memory_space<hbm>>) target(%arg15 : memref<1024xi32, #tpu.memory_space<vmem>>) target_semaphore(%arg19 : memref<!tpu.dma_semaphore, #tpu.memory_space<semaphore_mem>>)
        } else {
        }
        %eq3A_228 = arith.constant 1 : i32
        %eq3A_229 = arith.cmpi eq, %squeeze3A_222, %eq3A_228 : i32
        %convert_element_type3A_230 = arith.extui %eq3A_229 : i1 to i32
        %cond3A_231 = arith.constant 0 : i32
        %cond3A_232 = arith.cmpi ne, %convert_element_type3A_230, %cond3A_231 : i32
        scf.if %cond3A_232 {
          %dma_start3A = tpu.memref_slice %arg4[%multiple_of3A_220] : memref<26624xf32, #tpu.memory_space<hbm>> -> memref<1024xf32, #tpu.memory_space<hbm>>
          %dma_start3A_233 = tpu.memref_slice %arg4[%multiple_of3A_220] : memref<26624xf32, #tpu.memory_space<hbm>> -> memref<1024xf32, #tpu.memory_space<hbm>>
          tpu.enqueue_dma source(%dma_start3A_233 : memref<1024xf32, #tpu.memory_space<hbm>>) target(%arg12 : memref<1024xf32, #tpu.memory_space<vmem>>) target_semaphore(%arg19 : memref<!tpu.dma_semaphore, #tpu.memory_space<semaphore_mem>>)
          %dma_start3A_234 = tpu.memref_slice %arg3[%multiple_of3A_210] : memref<26624xi32, #tpu.memory_space<hbm>> -> memref<1024xi32, #tpu.memory_space<hbm>>
          %dma_start3A_235 = tpu.memref_slice %arg3[%multiple_of3A_210] : memref<26624xi32, #tpu.memory_space<hbm>> -> memref<1024xi32, #tpu.memory_space<hbm>>
          tpu.enqueue_dma source(%dma_start3A_235 : memref<1024xi32, #tpu.memory_space<hbm>>) target(%arg14 : memref<1024xi32, #tpu.memory_space<vmem>>) target_semaphore(%arg19 : memref<!tpu.dma_semaphore, #tpu.memory_space<semaphore_mem>>)
        } else {
        }
      } else {
      }
      %add3A_120 = arith.constant 1 : i32
      %add3A_121 = arith.addi %while3A_92, %add3A_120 : i32
      %lt3A_122 = arith.cmpi slt, %add3A_121, %add3A_41 : i32
      %add3A_123 = arith.constant 1 : i32
      %add3A_124 = arith.addi %while3A_92, %add3A_123 : i32
      %jit3A_125 = arith.constant 2 : i32
      %eq3A_126 = arith.constant 0 : i32
      %eq3A_127 = arith.cmpi eq, %jit3A_125, %eq3A_126 : i32
      %jit3A_128 = arith.constant 1 : i32
      %select_n3A_129 = arith.select %eq3A_127, %jit3A_128, %jit3A_125 : i32
      %rem3A_130 = arith.remsi %add3A_124, %select_n3A_129 : i32
      %ne3A_131 = arith.constant 0 : i32
      %ne3A_132 = arith.cmpi ne, %rem3A_130, %ne3A_131 : i32
      %lt3A_133 = arith.constant 0 : i32
      %lt3A_134 = arith.cmpi slt, %rem3A_130, %lt3A_133 : i32
      %lt3A_135 = arith.constant 0 : i32
      %lt3A_136 = arith.cmpi slt, %select_n3A_129, %lt3A_135 : i32
      %ne3A_137 = arith.xori %lt3A_134, %lt3A_136 : i1
      %and3A_138 = arith.andi %ne3A_137, %ne3A_132 : i1
      %add3A_139 = arith.addi %rem3A_130, %select_n3A_129 : i32
      %select_n3A_140 = arith.select %and3A_138, %add3A_139, %rem3A_130 : i32
      %eq3A_141 = arith.constant 1 : i32
      %eq3A_142 = arith.cmpi eq, %select_n3A_140, %eq3A_141 : i32
      %and3A_143 = arith.andi %lt3A_122, %eq3A_142 : i1
      %convert_element_type3A_144 = arith.extui %and3A_143 : i1 to i32
      %cond3A_145 = arith.constant 0 : i32
      %cond3A_146 = arith.cmpi ne, %convert_element_type3A_144, %cond3A_145 : i32
      scf.if %cond3A_146 {
        %mul3A_189 = arith.constant 16 : i32
        %mul3A_190 = arith.muli %add3A_97, %mul3A_189 : i32
        %multiple_of3A_191 = tpu.assume_multiple %mul3A_190, 8 : i32
        %get3A_192 = arith.index_cast %multiple_of3A_191 : i32 to index
        %get3A_193 = tpu.vector_load %arg7[%get3A_192] {strides = array<i32>} : memref<11264xi32, #tpu.memory_space<vmem>>, vector<16xi32>,
        %slice3A_194 = vector.extract_strided_slice %get3A_193 {offsets = [0], sizes = [1], strides = [1]} : vector<16xi32> to vector<1xi32>
        %squeeze3A_195 = vector.extract %slice3A_194[0] : i32 from vector<1xi32>
        %multiple_of3A_196 = tpu.assume_multiple %squeeze3A_195, 16 : i32
        %slice3A_197 = vector.extract_strided_slice %get3A_193 {offsets = [1], sizes = [1], strides = [1]} : vector<16xi32> to vector<1xi32>
        %squeeze3A_198 = vector.extract %slice3A_197[0] : i32 from vector<1xi32>
        %multiple_of3A_199 = tpu.assume_multiple %squeeze3A_198, 128 : i32
        %slice3A_200 = vector.extract_strided_slice %get3A_193 {offsets = [4], sizes = [1], strides = [1]} : vector<16xi32> to vector<1xi32>
        %squeeze3A_201 = vector.extract %slice3A_200[0] : i32 from vector<1xi32>
        %multiple_of3A_202 = tpu.assume_multiple %squeeze3A_201, 16 : i32
        %slice3A_203 = vector.extract_strided_slice %get3A_193 {offsets = [5], sizes = [1], strides = [1]} : vector<16xi32> to vector<1xi32>
        %squeeze3A_204 = vector.extract %slice3A_203[0] : i32 from vector<1xi32>
        %multiple_of3A_205 = tpu.assume_multiple %squeeze3A_204, 128 : i32
        %slice3A_206 = vector.extract_strided_slice %get3A_193 {offsets = [6], sizes = [1], strides = [1]} : vector<16xi32> to vector<1xi32>
        %squeeze3A_207 = vector.extract %slice3A_206[0] : i32 from vector<1xi32>
        %mul3A_208 = arith.constant 1024 : i32
        %mul3A_209 = arith.muli %squeeze3A_207, %mul3A_208 : i32
        %multiple_of3A_210 = tpu.assume_multiple %mul3A_209, 1024 : i32
        %slice3A_211 = vector.extract_strided_slice %get3A_193 {offsets = [7], sizes = [1], strides = [1]} : vector<16xi32> to vector<1xi32>
        %squeeze3A_212 = vector.extract %slice3A_211[0] : i32 from vector<1xi32>
        %mul3A_213 = arith.constant 1024 : i32
        %mul3A_214 = arith.muli %squeeze3A_212, %mul3A_213 : i32
        %multiple_of3A_215 = tpu.assume_multiple %mul3A_214, 1024 : i32
        %slice3A_216 = vector.extract_strided_slice %get3A_193 {offsets = [6], sizes = [1], strides = [1]} : vector<16xi32> to vector<1xi32>
        %squeeze3A_217 = vector.extract %slice3A_216[0] : i32 from vector<1xi32>
        %mul3A_218 = arith.constant 1024 : i32
        %mul3A_219 = arith.muli %squeeze3A_217, %mul3A_218 : i32
        %multiple_of3A_220 = tpu.assume_multiple %mul3A_219, 1024 : i32
        %slice3A_221 = vector.extract_strided_slice %get3A_193 {offsets = [3], sizes = [1], strides = [1]} : vector<16xi32> to vector<1xi32>
        %squeeze3A_222 = vector.extract %slice3A_221[0] : i32 from vector<1xi32>
        %eq3A_223 = arith.constant 0 : i32
        %eq3A_224 = arith.cmpi eq, %squeeze3A_222, %eq3A_223 : i32
        %convert_element_type3A_225 = arith.extui %eq3A_224 : i1 to i32
        %cond3A_226 = arith.constant 0 : i32
        %cond3A_227 = arith.cmpi ne, %convert_element_type3A_225, %cond3A_226 : i32
        scf.if %cond3A_227 {
          %dma_start3A = tpu.memref_slice %arg5[%multiple_of3A_196, %multiple_of3A_199] : memref<832x26000xf32, #tpu.memory_space<hbm>> -> memref<16x1152xf32, #tpu.memory_space<hbm>>
          %dma_start3A_233 = tpu.memref_slice %arg5[%multiple_of3A_196, %multiple_of3A_199] : memref<832x26000xf32, #tpu.memory_space<hbm>> -> memref<16x1152xf32, #tpu.memory_space<hbm>>
          tpu.enqueue_dma source(%dma_start3A_233 : memref<16x1152xf32, #tpu.memory_space<hbm>>) target(%arg9 : memref<16x1152xf32, #tpu.memory_space<vmem>>) target_semaphore(%arg20 : memref<!tpu.dma_semaphore, #tpu.memory_space<semaphore_mem>>)
          %dma_start3A_234 = tpu.memref_slice %arg5[%multiple_of3A_202, %multiple_of3A_205] : memref<832x26000xf32, #tpu.memory_space<hbm>> -> memref<16x1152xf32, #tpu.memory_space<hbm>>
          %dma_start3A_235 = tpu.memref_slice %arg5[%multiple_of3A_202, %multiple_of3A_205] : memref<832x26000xf32, #tpu.memory_space<hbm>> -> memref<16x1152xf32, #tpu.memory_space<hbm>>
          tpu.enqueue_dma source(%dma_start3A_235 : memref<16x1152xf32, #tpu.memory_space<hbm>>) target(%arg11 : memref<16x1152xf32, #tpu.memory_space<vmem>>) target_semaphore(%arg20 : memref<!tpu.dma_semaphore, #tpu.memory_space<semaphore_mem>>)
          %dma_start3A_236 = tpu.memref_slice %arg3[%multiple_of3A_210] : memref<26624xi32, #tpu.memory_space<hbm>> -> memref<1024xi32, #tpu.memory_space<hbm>>
          %dma_start3A_237 = tpu.memref_slice %arg3[%multiple_of3A_210] : memref<26624xi32, #tpu.memory_space<hbm>> -> memref<1024xi32, #tpu.memory_space<hbm>>
          tpu.enqueue_dma source(%dma_start3A_237 : memref<1024xi32, #tpu.memory_space<hbm>>) target(%arg16 : memref<1024xi32, #tpu.memory_space<vmem>>) target_semaphore(%arg20 : memref<!tpu.dma_semaphore, #tpu.memory_space<semaphore_mem>>)
          %dma_start3A_238 = tpu.memref_slice %arg3[%multiple_of3A_215] : memref<26624xi32, #tpu.memory_space<hbm>> -> memref<1024xi32, #tpu.memory_space<hbm>>
          %dma_start3A_239 = tpu.memref_slice %arg3[%multiple_of3A_215] : memref<26624xi32, #tpu.memory_space<hbm>> -> memref<1024xi32, #tpu.memory_space<hbm>>
          tpu.enqueue_dma source(%dma_start3A_239 : memref<1024xi32, #tpu.memory_space<hbm>>) target(%arg17 : memref<1024xi32, #tpu.memory_space<vmem>>) target_semaphore(%arg20 : memref<!tpu.dma_semaphore, #tpu.memory_space<semaphore_mem>>)
        } else {
        }
        %eq3A_228 = arith.constant 1 : i32
        %eq3A_229 = arith.cmpi eq, %squeeze3A_222, %eq3A_228 : i32
        %convert_element_type3A_230 = arith.extui %eq3A_229 : i1 to i32
        %cond3A_231 = arith.constant 0 : i32
        %cond3A_232 = arith.cmpi ne, %convert_element_type3A_230, %cond3A_231 : i32
        scf.if %cond3A_232 {
          %dma_start3A = tpu.memref_slice %arg4[%multiple_of3A_220] : memref<26624xf32, #tpu.memory_space<hbm>> -> memref<1024xf32, #tpu.memory_space<hbm>>
          %dma_start3A_233 = tpu.memref_slice %arg4[%multiple_of3A_220] : memref<26624xf32, #tpu.memory_space<hbm>> -> memref<1024xf32, #tpu.memory_space<hbm>>
          tpu.enqueue_dma source(%dma_start3A_233 : memref<1024xf32, #tpu.memory_space<hbm>>) target(%arg13 : memref<1024xf32, #tpu.memory_space<vmem>>) target_semaphore(%arg20 : memref<!tpu.dma_semaphore, #tpu.memory_space<semaphore_mem>>)
          %dma_start3A_234 = tpu.memref_slice %arg3[%multiple_of3A_210] : memref<26624xi32, #tpu.memory_space<hbm>> -> memref<1024xi32, #tpu.memory_space<hbm>>
          %dma_start3A_235 = tpu.memref_slice %arg3[%multiple_of3A_210] : memref<26624xi32, #tpu.memory_space<hbm>> -> memref<1024xi32, #tpu.memory_space<hbm>>
          tpu.enqueue_dma source(%dma_start3A_235 : memref<1024xi32, #tpu.memory_space<hbm>>) target(%arg16 : memref<1024xi32, #tpu.memory_space<vmem>>) target_semaphore(%arg20 : memref<!tpu.dma_semaphore, #tpu.memory_space<semaphore_mem>>)
        } else {
        }
      } else {
      }
      %jit3A_147 = arith.constant 2 : i32
      %eq3A_148 = arith.constant 0 : i32
      %eq3A_149 = arith.cmpi eq, %jit3A_147, %eq3A_148 : i32
      %jit3A_150 = arith.constant 1 : i32
      %select_n3A_151 = arith.select %eq3A_149, %jit3A_150, %jit3A_147 : i32
      %rem3A_152 = arith.remsi %while3A_92, %select_n3A_151 : i32
      %ne3A_153 = arith.constant 0 : i32
      %ne3A_154 = arith.cmpi ne, %rem3A_152, %ne3A_153 : i32
      %lt3A_155 = arith.constant 0 : i32
      %lt3A_156 = arith.cmpi slt, %rem3A_152, %lt3A_155 : i32
      %lt3A_157 = arith.constant 0 : i32
      %lt3A_158 = arith.cmpi slt, %select_n3A_151, %lt3A_157 : i32
      %ne3A_159 = arith.xori %lt3A_156, %lt3A_158 : i1
      %and3A_160 = arith.andi %ne3A_159, %ne3A_154 : i1
      %add3A_161 = arith.addi %rem3A_152, %select_n3A_151 : i32
      %select_n3A_162 = arith.select %and3A_160, %add3A_161, %rem3A_152 : i32
      %eq3A_163 = arith.constant 0 : i32
      %eq3A_164 = arith.cmpi eq, %select_n3A_162, %eq3A_163 : i32
      %convert_element_type3A_165 = arith.extui %eq3A_164 : i1 to i32
      %cond3A_166 = arith.constant 0 : i32
      %cond3A_167 = arith.cmpi ne, %convert_element_type3A_165, %cond3A_166 : i32
      scf.if %cond3A_167 {
        %mul3A_189 = arith.constant 16 : i32
        %mul3A_190 = arith.muli %add3A_95, %mul3A_189 : i32
        %multiple_of3A_191 = tpu.assume_multiple %mul3A_190, 8 : i32
        %get3A_192 = arith.index_cast %multiple_of3A_191 : i32 to index
        %get3A_193 = tpu.vector_load %arg7[%get3A_192] {strides = array<i32>} : memref<11264xi32, #tpu.memory_space<vmem>>, vector<16xi32>,
        %slice3A_194 = vector.extract_strided_slice %get3A_193 {offsets = [0], sizes = [1], strides = [1]} : vector<16xi32> to vector<1xi32>
        %squeeze3A_195 = vector.extract %slice3A_194[0] : i32 from vector<1xi32>
        %multiple_of3A_196 = tpu.assume_multiple %squeeze3A_195, 16 : i32
        %slice3A_197 = vector.extract_strided_slice %get3A_193 {offsets = [1], sizes = [1], strides = [1]} : vector<16xi32> to vector<1xi32>
        %squeeze3A_198 = vector.extract %slice3A_197[0] : i32 from vector<1xi32>
        %multiple_of3A_199 = tpu.assume_multiple %squeeze3A_198, 128 : i32
        %slice3A_200 = vector.extract_strided_slice %get3A_193 {offsets = [4], sizes = [1], strides = [1]} : vector<16xi32> to vector<1xi32>
        %squeeze3A_201 = vector.extract %slice3A_200[0] : i32 from vector<1xi32>
        %multiple_of3A_202 = tpu.assume_multiple %squeeze3A_201, 16 : i32
        %slice3A_203 = vector.extract_strided_slice %get3A_193 {offsets = [5], sizes = [1], strides = [1]} : vector<16xi32> to vector<1xi32>
        %squeeze3A_204 = vector.extract %slice3A_203[0] : i32 from vector<1xi32>
        %multiple_of3A_205 = tpu.assume_multiple %squeeze3A_204, 128 : i32
        %slice3A_206 = vector.extract_strided_slice %get3A_193 {offsets = [6], sizes = [1], strides = [1]} : vector<16xi32> to vector<1xi32>
        %squeeze3A_207 = vector.extract %slice3A_206[0] : i32 from vector<1xi32>
        %mul3A_208 = arith.constant 1024 : i32
        %mul3A_209 = arith.muli %squeeze3A_207, %mul3A_208 : i32
        %multiple_of3A_210 = tpu.assume_multiple %mul3A_209, 1024 : i32
        %slice3A_211 = vector.extract_strided_slice %get3A_193 {offsets = [7], sizes = [1], strides = [1]} : vector<16xi32> to vector<1xi32>
        %squeeze3A_212 = vector.extract %slice3A_211[0] : i32 from vector<1xi32>
        %mul3A_213 = arith.constant 1024 : i32
        %mul3A_214 = arith.muli %squeeze3A_212, %mul3A_213 : i32
        %multiple_of3A_215 = tpu.assume_multiple %mul3A_214, 1024 : i32
        %slice3A_216 = vector.extract_strided_slice %get3A_193 {offsets = [6], sizes = [1], strides = [1]} : vector<16xi32> to vector<1xi32>
        %squeeze3A_217 = vector.extract %slice3A_216[0] : i32 from vector<1xi32>
        %mul3A_218 = arith.constant 1024 : i32
        %mul3A_219 = arith.muli %squeeze3A_217, %mul3A_218 : i32
        %multiple_of3A_220 = tpu.assume_multiple %mul3A_219, 1024 : i32
        %slice3A_221 = vector.extract_strided_slice %get3A_193 {offsets = [3], sizes = [1], strides = [1]} : vector<16xi32> to vector<1xi32>
        %squeeze3A_222 = vector.extract %slice3A_221[0] : i32 from vector<1xi32>
        %eq3A_223 = arith.constant 0 : i32
        %eq3A_224 = arith.cmpi eq, %squeeze3A_222, %eq3A_223 : i32
        %convert_element_type3A_225 = arith.extui %eq3A_224 : i1 to i32
        %cond3A_226 = arith.constant 0 : i32
        %cond3A_227 = arith.cmpi ne, %convert_element_type3A_225, %cond3A_226 : i32
        scf.if %cond3A_227 {
          %dma_wait3A = tpu.memref_slice %arg5[%multiple_of3A_196, %multiple_of3A_199] : memref<832x26000xf32, #tpu.memory_space<hbm>> -> memref<16x1152xf32, #tpu.memory_space<hbm>>
          %dma_wait3A_254 = tpu.memref_slice %arg5[%multiple_of3A_196, %multiple_of3A_199] : memref<832x26000xf32, #tpu.memory_space<hbm>> -> memref<16x1152xf32, #tpu.memory_space<hbm>>
          tpu.wait_dma2 semaphore(%arg19 : memref<!tpu.dma_semaphore, #tpu.memory_space<semaphore_mem>>) src(%dma_wait3A_254 : memref<16x1152xf32, #tpu.memory_space<hbm>>) dst(%arg8 : memref<16x1152xf32, #tpu.memory_space<vmem>>)
          %dma_wait3A_255 = tpu.memref_slice %arg5[%multiple_of3A_202, %multiple_of3A_205] : memref<832x26000xf32, #tpu.memory_space<hbm>> -> memref<16x1152xf32, #tpu.memory_space<hbm>>
          %dma_wait3A_256 = tpu.memref_slice %arg5[%multiple_of3A_202, %multiple_of3A_205] : memref<832x26000xf32, #tpu.memory_space<hbm>> -> memref<16x1152xf32, #tpu.memory_space<hbm>>
          tpu.wait_dma2 semaphore(%arg19 : memref<!tpu.dma_semaphore, #tpu.memory_space<semaphore_mem>>) src(%dma_wait3A_256 : memref<16x1152xf32, #tpu.memory_space<hbm>>) dst(%arg10 : memref<16x1152xf32, #tpu.memory_space<vmem>>)
          %dma_wait3A_257 = tpu.memref_slice %arg3[%multiple_of3A_210] : memref<26624xi32, #tpu.memory_space<hbm>> -> memref<1024xi32, #tpu.memory_space<hbm>>
          %dma_wait3A_258 = tpu.memref_slice %arg3[%multiple_of3A_210] : memref<26624xi32, #tpu.memory_space<hbm>> -> memref<1024xi32, #tpu.memory_space<hbm>>
          tpu.wait_dma2 semaphore(%arg19 : memref<!tpu.dma_semaphore, #tpu.memory_space<semaphore_mem>>) src(%dma_wait3A_258 : memref<1024xi32, #tpu.memory_space<hbm>>) dst(%arg14 : memref<1024xi32, #tpu.memory_space<vmem>>)
          %dma_wait3A_259 = tpu.memref_slice %arg3[%multiple_of3A_215] : memref<26624xi32, #tpu.memory_space<hbm>> -> memref<1024xi32, #tpu.memory_space<hbm>>
          %dma_wait3A_260 = tpu.memref_slice %arg3[%multiple_of3A_215] : memref<26624xi32, #tpu.memory_space<hbm>> -> memref<1024xi32, #tpu.memory_space<hbm>>
          tpu.wait_dma2 semaphore(%arg19 : memref<!tpu.dma_semaphore, #tpu.memory_space<semaphore_mem>>) src(%dma_wait3A_260 : memref<1024xi32, #tpu.memory_space<hbm>>) dst(%arg15 : memref<1024xi32, #tpu.memory_space<vmem>>)
        } else {
        }
        %eq3A_228 = arith.constant 1 : i32
        %eq3A_229 = arith.cmpi eq, %squeeze3A_222, %eq3A_228 : i32
        %convert_element_type3A_230 = arith.extui %eq3A_229 : i1 to i32
        %cond3A_231 = arith.constant 0 : i32
        %cond3A_232 = arith.cmpi ne, %convert_element_type3A_230, %cond3A_231 : i32
        scf.if %cond3A_232 {
          %dma_wait3A = tpu.memref_slice %arg4[%multiple_of3A_220] : memref<26624xf32, #tpu.memory_space<hbm>> -> memref<1024xf32, #tpu.memory_space<hbm>>
          %dma_wait3A_254 = tpu.memref_slice %arg4[%multiple_of3A_220] : memref<26624xf32, #tpu.memory_space<hbm>> -> memref<1024xf32, #tpu.memory_space<hbm>>
          tpu.wait_dma2 semaphore(%arg19 : memref<!tpu.dma_semaphore, #tpu.memory_space<semaphore_mem>>) src(%dma_wait3A_254 : memref<1024xf32, #tpu.memory_space<hbm>>) dst(%arg12 : memref<1024xf32, #tpu.memory_space<vmem>>)
          %dma_wait3A_255 = tpu.memref_slice %arg3[%multiple_of3A_210] : memref<26624xi32, #tpu.memory_space<hbm>> -> memref<1024xi32, #tpu.memory_space<hbm>>
          %dma_wait3A_256 = tpu.memref_slice %arg3[%multiple_of3A_210] : memref<26624xi32, #tpu.memory_space<hbm>> -> memref<1024xi32, #tpu.memory_space<hbm>>
          tpu.wait_dma2 semaphore(%arg19 : memref<!tpu.dma_semaphore, #tpu.memory_space<semaphore_mem>>) src(%dma_wait3A_256 : memref<1024xi32, #tpu.memory_space<hbm>>) dst(%arg14 : memref<1024xi32, #tpu.memory_space<vmem>>)
        } else {
        }
        %mul3A_233 = arith.constant 16 : i32
        %mul3A_234 = arith.muli %add3A_95, %mul3A_233 : i32
        %multiple_of3A_235 = tpu.assume_multiple %mul3A_234, 8 : i32
        %get3A_236 = arith.index_cast %multiple_of3A_235 : i32 to index
        %get3A_237 = tpu.vector_load %arg7[%get3A_236] {strides = array<i32>} : memref<11264xi32, #tpu.memory_space<vmem>>, vector<16xi32>,
        %slice3A_238 = vector.extract_strided_slice %get3A_237 {offsets = [3], sizes = [1], strides = [1]} : vector<16xi32> to vector<1xi32>
        %squeeze3A_239 = vector.extract %slice3A_238[0] : i32 from vector<1xi32>
        %slice3A_240 = vector.extract_strided_slice %get3A_237 {offsets = [2], sizes = [1], strides = [1]} : vector<16xi32> to vector<1xi32>
        %squeeze3A_241 = vector.extract %slice3A_240[0] : i32 from vector<1xi32>
        %slice3A_242 = vector.extract_strided_slice %get3A_237 {offsets = [8], sizes = [1], strides = [1]} : vector<16xi32> to vector<1xi32>
        %squeeze3A_243 = vector.extract %slice3A_242[0] : i32 from vector<1xi32>
        %eq3A_244 = arith.constant 0 : i32
        %eq3A_245 = arith.cmpi eq, %squeeze3A_239, %eq3A_244 : i32
        %convert_element_type3A_246 = arith.extui %eq3A_245 : i1 to i32
        %cond3A_247 = arith.constant 0 : i32
        %cond3A_248 = arith.cmpi ne, %convert_element_type3A_246, %cond3A_247 : i32
        scf.if %cond3A_248 {
          %scan3A_254 = arith.constant 0 : i32
          %scan3A_255 = arith.constant 0 : i32
          %scan3A_256 = arith.constant 64 : i32
          %scan3A_257 = arith.addi %scan3A_255, %scan3A_256 : i32
          %scan3A_258 = arith.constant 1 : i32
          scf.for %scan3A_260 = %scan3A_255 to %scan3A_257 step %scan3A_258  : i32 {
            %mul3A_261 = arith.constant 16 : i32
            %mul3A_262 = arith.muli %scan3A_260, %mul3A_261 : i32
            %multiple_of3A_263 = tpu.assume_multiple %mul3A_262, 16 : i32
            %get3A_264 = arith.index_cast %multiple_of3A_263 : i32 to index
            %get3A_265 = tpu.vector_load %arg14[%get3A_264] {strides = array<i32>} : memref<1024xi32, #tpu.memory_space<vmem>>, vector<16xi32>,
            %add3A_266 = vector.broadcast %squeeze3A_241 : i32 to vector<16xi32>
            %add3A_267 = arith.addi %get3A_265, %add3A_266 : vector<16xi32>
            %mul3A_268 = arith.constant 16 : i32
            %mul3A_269 = arith.muli %scan3A_260, %mul3A_268 : i32
            %multiple_of3A_270 = tpu.assume_multiple %mul3A_269, 16 : i32
            %get3A_271 = arith.index_cast %multiple_of3A_270 : i32 to index
            %get3A_272 = tpu.vector_load %arg15[%get3A_271] {strides = array<i32>} : memref<1024xi32, #tpu.memory_space<vmem>>, vector<16xi32>,
            %add3A_273 = vector.broadcast %squeeze3A_243 : i32 to vector<16xi32>
            %add3A_274 = arith.addi %get3A_272, %add3A_273 : vector<16xi32>
            %mul3A_275 = arith.constant 16 : i32
            %mul3A_276 = arith.muli %scan3A_260, %mul3A_275 : i32
            %multiple_of3A_277 = tpu.assume_multiple %mul3A_276, 16 : i32
            %get3A_278 = arith.index_cast %multiple_of3A_277 : i32 to index
            %get3A_279 = tpu.vector_load %arg18[%get3A_278] {strides = array<i32>} : memref<1024xf32, #tpu.memory_space<vmem>>, vector<16xf32>,
            %gather3A = tpu.vector_load_idx %arg8[%broadcast_in_dim3A_8, %add3A_267] : memref<16x1152xf32, #tpu.memory_space<vmem>>[vector<16xi32>, vector<16xi32>], vector<16xf32>,
            %gather3A_280 = tpu.vector_load_idx %arg10[%broadcast_in_dim3A_8, %add3A_274] : memref<16x1152xf32, #tpu.memory_space<vmem>>[vector<16xi32>, vector<16xi32>], vector<16xf32>,
            %mul3A_281 = arith.mulf %gather3A, %gather3A_280 : vector<16xf32>
            %add3A_282 = arith.addf %get3A_279, %mul3A_281 : vector<16xf32>
            %gather3A_283 = tpu.vector_load_idx %arg8[%broadcast_in_dim3A_10, %add3A_267] : memref<16x1152xf32, #tpu.memory_space<vmem>>[vector<16xi32>, vector<16xi32>], vector<16xf32>,
            %gather3A_284 = tpu.vector_load_idx %arg10[%broadcast_in_dim3A_10, %add3A_274] : memref<16x1152xf32, #tpu.memory_space<vmem>>[vector<16xi32>, vector<16xi32>], vector<16xf32>,
            %mul3A_285 = arith.mulf %gather3A_283, %gather3A_284 : vector<16xf32>
            %add3A_286 = arith.addf %add3A_282, %mul3A_285 : vector<16xf32>
            %gather3A_287 = tpu.vector_load_idx %arg8[%broadcast_in_dim3A_12, %add3A_267] : memref<16x1152xf32, #tpu.memory_space<vmem>>[vector<16xi32>, vector<16xi32>], vector<16xf32>,
            %gather3A_288 = tpu.vector_load_idx %arg10[%broadcast_in_dim3A_12, %add3A_274] : memref<16x1152xf32, #tpu.memory_space<vmem>>[vector<16xi32>, vector<16xi32>], vector<16xf32>,
            %mul3A_289 = arith.mulf %gather3A_287, %gather3A_288 : vector<16xf32>
            %add3A_290 = arith.addf %add3A_286, %mul3A_289 : vector<16xf32>
            %gather3A_291 = tpu.vector_load_idx %arg8[%broadcast_in_dim3A_14, %add3A_267] : memref<16x1152xf32, #tpu.memory_space<vmem>>[vector<16xi32>, vector<16xi32>], vector<16xf32>,
            %gather3A_292 = tpu.vector_load_idx %arg10[%broadcast_in_dim3A_14, %add3A_274] : memref<16x1152xf32, #tpu.memory_space<vmem>>[vector<16xi32>, vector<16xi32>], vector<16xf32>,
            %mul3A_293 = arith.mulf %gather3A_291, %gather3A_292 : vector<16xf32>
            %add3A_294 = arith.addf %add3A_290, %mul3A_293 : vector<16xf32>
            %gather3A_295 = tpu.vector_load_idx %arg8[%broadcast_in_dim3A_16, %add3A_267] : memref<16x1152xf32, #tpu.memory_space<vmem>>[vector<16xi32>, vector<16xi32>], vector<16xf32>,
            %gather3A_296 = tpu.vector_load_idx %arg10[%broadcast_in_dim3A_16, %add3A_274] : memref<16x1152xf32, #tpu.memory_space<vmem>>[vector<16xi32>, vector<16xi32>], vector<16xf32>,
            %mul3A_297 = arith.mulf %gather3A_295, %gather3A_296 : vector<16xf32>
            %add3A_298 = arith.addf %add3A_294, %mul3A_297 : vector<16xf32>
            %gather3A_299 = tpu.vector_load_idx %arg8[%broadcast_in_dim3A_18, %add3A_267] : memref<16x1152xf32, #tpu.memory_space<vmem>>[vector<16xi32>, vector<16xi32>], vector<16xf32>,
            %gather3A_300 = tpu.vector_load_idx %arg10[%broadcast_in_dim3A_18, %add3A_274] : memref<16x1152xf32, #tpu.memory_space<vmem>>[vector<16xi32>, vector<16xi32>], vector<16xf32>,
            %mul3A_301 = arith.mulf %gather3A_299, %gather3A_300 : vector<16xf32>
            %add3A_302 = arith.addf %add3A_298, %mul3A_301 : vector<16xf32>
            %gather3A_303 = tpu.vector_load_idx %arg8[%broadcast_in_dim3A_20, %add3A_267] : memref<16x1152xf32, #tpu.memory_space<vmem>>[vector<16xi32>, vector<16xi32>], vector<16xf32>,
            %gather3A_304 = tpu.vector_load_idx %arg10[%broadcast_in_dim3A_20, %add3A_274] : memref<16x1152xf32, #tpu.memory_space<vmem>>[vector<16xi32>, vector<16xi32>], vector<16xf32>,
            %mul3A_305 = arith.mulf %gather3A_303, %gather3A_304 : vector<16xf32>
            %add3A_306 = arith.addf %add3A_302, %mul3A_305 : vector<16xf32>
            %gather3A_307 = tpu.vector_load_idx %arg8[%broadcast_in_dim3A_22, %add3A_267] : memref<16x1152xf32, #tpu.memory_space<vmem>>[vector<16xi32>, vector<16xi32>], vector<16xf32>,
            %gather3A_308 = tpu.vector_load_idx %arg10[%broadcast_in_dim3A_22, %add3A_274] : memref<16x1152xf32, #tpu.memory_space<vmem>>[vector<16xi32>, vector<16xi32>], vector<16xf32>,
            %mul3A_309 = arith.mulf %gather3A_307, %gather3A_308 : vector<16xf32>
            %add3A_310 = arith.addf %add3A_306, %mul3A_309 : vector<16xf32>
            %gather3A_311 = tpu.vector_load_idx %arg8[%broadcast_in_dim3A_24, %add3A_267] : memref<16x1152xf32, #tpu.memory_space<vmem>>[vector<16xi32>, vector<16xi32>], vector<16xf32>,
            %gather3A_312 = tpu.vector_load_idx %arg10[%broadcast_in_dim3A_24, %add3A_274] : memref<16x1152xf32, #tpu.memory_space<vmem>>[vector<16xi32>, vector<16xi32>], vector<16xf32>,
            %mul3A_313 = arith.mulf %gather3A_311, %gather3A_312 : vector<16xf32>
            %add3A_314 = arith.addf %add3A_310, %mul3A_313 : vector<16xf32>
            %gather3A_315 = tpu.vector_load_idx %arg8[%broadcast_in_dim3A_26, %add3A_267] : memref<16x1152xf32, #tpu.memory_space<vmem>>[vector<16xi32>, vector<16xi32>], vector<16xf32>,
            %gather3A_316 = tpu.vector_load_idx %arg10[%broadcast_in_dim3A_26, %add3A_274] : memref<16x1152xf32, #tpu.memory_space<vmem>>[vector<16xi32>, vector<16xi32>], vector<16xf32>,
            %mul3A_317 = arith.mulf %gather3A_315, %gather3A_316 : vector<16xf32>
            %add3A_318 = arith.addf %add3A_314, %mul3A_317 : vector<16xf32>
            %gather3A_319 = tpu.vector_load_idx %arg8[%broadcast_in_dim3A_28, %add3A_267] : memref<16x1152xf32, #tpu.memory_space<vmem>>[vector<16xi32>, vector<16xi32>], vector<16xf32>,
            %gather3A_320 = tpu.vector_load_idx %arg10[%broadcast_in_dim3A_28, %add3A_274] : memref<16x1152xf32, #tpu.memory_space<vmem>>[vector<16xi32>, vector<16xi32>], vector<16xf32>,
            %mul3A_321 = arith.mulf %gather3A_319, %gather3A_320 : vector<16xf32>
            %add3A_322 = arith.addf %add3A_318, %mul3A_321 : vector<16xf32>
            %gather3A_323 = tpu.vector_load_idx %arg8[%broadcast_in_dim3A_30, %add3A_267] : memref<16x1152xf32, #tpu.memory_space<vmem>>[vector<16xi32>, vector<16xi32>], vector<16xf32>,
            %gather3A_324 = tpu.vector_load_idx %arg10[%broadcast_in_dim3A_30, %add3A_274] : memref<16x1152xf32, #tpu.memory_space<vmem>>[vector<16xi32>, vector<16xi32>], vector<16xf32>,
            %mul3A_325 = arith.mulf %gather3A_323, %gather3A_324 : vector<16xf32>
            %add3A_326 = arith.addf %add3A_322, %mul3A_325 : vector<16xf32>
            %gather3A_327 = tpu.vector_load_idx %arg8[%broadcast_in_dim3A_32, %add3A_267] : memref<16x1152xf32, #tpu.memory_space<vmem>>[vector<16xi32>, vector<16xi32>], vector<16xf32>,
            %gather3A_328 = tpu.vector_load_idx %arg10[%broadcast_in_dim3A_32, %add3A_274] : memref<16x1152xf32, #tpu.memory_space<vmem>>[vector<16xi32>, vector<16xi32>], vector<16xf32>,
            %mul3A_329 = arith.mulf %gather3A_327, %gather3A_328 : vector<16xf32>
            %add3A_330 = arith.addf %add3A_326, %mul3A_329 : vector<16xf32>
            %gather3A_331 = tpu.vector_load_idx %arg8[%broadcast_in_dim3A_34, %add3A_267] : memref<16x1152xf32, #tpu.memory_space<vmem>>[vector<16xi32>, vector<16xi32>], vector<16xf32>,
            %gather3A_332 = tpu.vector_load_idx %arg10[%broadcast_in_dim3A_34, %add3A_274] : memref<16x1152xf32, #tpu.memory_space<vmem>>[vector<16xi32>, vector<16xi32>], vector<16xf32>,
            %mul3A_333 = arith.mulf %gather3A_331, %gather3A_332 : vector<16xf32>
            %add3A_334 = arith.addf %add3A_330, %mul3A_333 : vector<16xf32>
            %gather3A_335 = tpu.vector_load_idx %arg8[%broadcast_in_dim3A_36, %add3A_267] : memref<16x1152xf32, #tpu.memory_space<vmem>>[vector<16xi32>, vector<16xi32>], vector<16xf32>,
            %gather3A_336 = tpu.vector_load_idx %arg10[%broadcast_in_dim3A_36, %add3A_274] : memref<16x1152xf32, #tpu.memory_space<vmem>>[vector<16xi32>, vector<16xi32>], vector<16xf32>,
            %mul3A_337 = arith.mulf %gather3A_335, %gather3A_336 : vector<16xf32>
            %add3A_338 = arith.addf %add3A_334, %mul3A_337 : vector<16xf32>
            %gather3A_339 = tpu.vector_load_idx %arg8[%broadcast_in_dim3A_38, %add3A_267] : memref<16x1152xf32, #tpu.memory_space<vmem>>[vector<16xi32>, vector<16xi32>], vector<16xf32>,
            %gather3A_340 = tpu.vector_load_idx %arg10[%broadcast_in_dim3A_38, %add3A_274] : memref<16x1152xf32, #tpu.memory_space<vmem>>[vector<16xi32>, vector<16xi32>], vector<16xf32>,
            %mul3A_341 = arith.mulf %gather3A_339, %gather3A_340 : vector<16xf32>
            %add3A_342 = arith.addf %add3A_338, %mul3A_341 : vector<16xf32>
            %swap3A = arith.index_cast %multiple_of3A_277 : i32 to index
            %swap3A_343 = tpu.vector_load %arg18[%swap3A] {strides = array<i32>} : memref<1024xf32, #tpu.memory_space<vmem>>, vector<16xf32>,
            tpu.vector_store %arg18[%swap3A], %add3A_342 {strides = array<i32>} : memref<1024xf32, #tpu.memory_space<vmem>>, vector<16xf32>,
          }
          %scan3A_259 = arith.constant 64 : i32
        } else {
        }
        %eq3A_249 = arith.constant 1 : i32
        %eq3A_250 = arith.cmpi eq, %squeeze3A_239, %eq3A_249 : i32
        %convert_element_type3A_251 = arith.extui %eq3A_250 : i1 to i32
        %cond3A_252 = arith.constant 0 : i32
        %cond3A_253 = arith.cmpi ne, %convert_element_type3A_251, %cond3A_252 : i32
        scf.if %cond3A_253 {
          %scan3A_254 = arith.constant 0 : i32
          %scan3A_255 = arith.constant 0 : i32
          %scan3A_256 = arith.constant 64 : i32
          %scan3A_257 = arith.addi %scan3A_255, %scan3A_256 : i32
          %scan3A_258 = arith.constant 1 : i32
          scf.for %scan3A_260 = %scan3A_255 to %scan3A_257 step %scan3A_258  : i32 {
            %mul3A_261 = arith.constant 16 : i32
            %mul3A_262 = arith.muli %scan3A_260, %mul3A_261 : i32
            %multiple_of3A_263 = tpu.assume_multiple %mul3A_262, 16 : i32
            %get3A_264 = arith.index_cast %multiple_of3A_263 : i32 to index
            %get3A_265 = tpu.vector_load %arg14[%get3A_264] {strides = array<i32>} : memref<1024xi32, #tpu.memory_space<vmem>>, vector<16xi32>,
            %get3A_266 = arith.index_cast %multiple_of3A_263 : i32 to index
            %get3A_267 = tpu.vector_load %arg18[%get3A_266] {strides = array<i32>} : memref<1024xf32, #tpu.memory_space<vmem>>, vector<16xf32>,
            %gather3A = tpu.vector_load_idx %arg12[%get3A_265] : memref<1024xf32, #tpu.memory_space<vmem>>[vector<16xi32>], vector<16xf32>,
            %add3A_268 = arith.addf %get3A_267, %gather3A : vector<16xf32>
            %swap3A = arith.index_cast %multiple_of3A_263 : i32 to index
            %swap3A_269 = tpu.vector_load %arg18[%swap3A] {strides = array<i32>} : memref<1024xf32, #tpu.memory_space<vmem>>, vector<16xf32>,
            tpu.vector_store %arg18[%swap3A], %add3A_268 {strides = array<i32>} : memref<1024xf32, #tpu.memory_space<vmem>>, vector<16xf32>,
          }
          %scan3A_259 = arith.constant 64 : i32
        } else {
        }
      } else {
      }
      %jit3A_168 = arith.constant 2 : i32
      %eq3A_169 = arith.constant 0 : i32
      %eq3A_170 = arith.cmpi eq, %jit3A_168, %eq3A_169 : i32
      %jit3A_171 = arith.constant 1 : i32
      %select_n3A_172 = arith.select %eq3A_170, %jit3A_171, %jit3A_168 : i32
      %rem3A_173 = arith.remsi %while3A_92, %select_n3A_172 : i32
      %ne3A_174 = arith.constant 0 : i32
      %ne3A_175 = arith.cmpi ne, %rem3A_173, %ne3A_174 : i32
      %lt3A_176 = arith.constant 0 : i32
      %lt3A_177 = arith.cmpi slt, %rem3A_173, %lt3A_176 : i32
      %lt3A_178 = arith.constant 0 : i32
      %lt3A_179 = arith.cmpi slt, %select_n3A_172, %lt3A_178 : i32
      %ne3A_180 = arith.xori %lt3A_177, %lt3A_179 : i1
      %and3A_181 = arith.andi %ne3A_180, %ne3A_175 : i1
      %add3A_182 = arith.addi %rem3A_173, %select_n3A_172 : i32
      %select_n3A_183 = arith.select %and3A_181, %add3A_182, %rem3A_173 : i32
      %eq3A_184 = arith.constant 1 : i32
      %eq3A_185 = arith.cmpi eq, %select_n3A_183, %eq3A_184 : i32
      %convert_element_type3A_186 = arith.extui %eq3A_185 : i1 to i32
      %cond3A_187 = arith.constant 0 : i32
      %cond3A_188 = arith.cmpi ne, %convert_element_type3A_186, %cond3A_187 : i32
      scf.if %cond3A_188 {
        %mul3A_189 = arith.constant 16 : i32
        %mul3A_190 = arith.muli %add3A_95, %mul3A_189 : i32
        %multiple_of3A_191 = tpu.assume_multiple %mul3A_190, 8 : i32
        %get3A_192 = arith.index_cast %multiple_of3A_191 : i32 to index
        %get3A_193 = tpu.vector_load %arg7[%get3A_192] {strides = array<i32>} : memref<11264xi32, #tpu.memory_space<vmem>>, vector<16xi32>,
        %slice3A_194 = vector.extract_strided_slice %get3A_193 {offsets = [0], sizes = [1], strides = [1]} : vector<16xi32> to vector<1xi32>
        %squeeze3A_195 = vector.extract %slice3A_194[0] : i32 from vector<1xi32>
        %multiple_of3A_196 = tpu.assume_multiple %squeeze3A_195, 16 : i32
        %slice3A_197 = vector.extract_strided_slice %get3A_193 {offsets = [1], sizes = [1], strides = [1]} : vector<16xi32> to vector<1xi32>
        %squeeze3A_198 = vector.extract %slice3A_197[0] : i32 from vector<1xi32>
        %multiple_of3A_199 = tpu.assume_multiple %squeeze3A_198, 128 : i32
        %slice3A_200 = vector.extract_strided_slice %get3A_193 {offsets = [4], sizes = [1], strides = [1]} : vector<16xi32> to vector<1xi32>
        %squeeze3A_201 = vector.extract %slice3A_200[0] : i32 from vector<1xi32>
        %multiple_of3A_202 = tpu.assume_multiple %squeeze3A_201, 16 : i32
        %slice3A_203 = vector.extract_strided_slice %get3A_193 {offsets = [5], sizes = [1], strides = [1]} : vector<16xi32> to vector<1xi32>
        %squeeze3A_204 = vector.extract %slice3A_203[0] : i32 from vector<1xi32>
        %multiple_of3A_205 = tpu.assume_multiple %squeeze3A_204, 128 : i32
        %slice3A_206 = vector.extract_strided_slice %get3A_193 {offsets = [6], sizes = [1], strides = [1]} : vector<16xi32> to vector<1xi32>
        %squeeze3A_207 = vector.extract %slice3A_206[0] : i32 from vector<1xi32>
        %mul3A_208 = arith.constant 1024 : i32
        %mul3A_209 = arith.muli %squeeze3A_207, %mul3A_208 : i32
        %multiple_of3A_210 = tpu.assume_multiple %mul3A_209, 1024 : i32
        %slice3A_211 = vector.extract_strided_slice %get3A_193 {offsets = [7], sizes = [1], strides = [1]} : vector<16xi32> to vector<1xi32>
        %squeeze3A_212 = vector.extract %slice3A_211[0] : i32 from vector<1xi32>
        %mul3A_213 = arith.constant 1024 : i32
        %mul3A_214 = arith.muli %squeeze3A_212, %mul3A_213 : i32
        %multiple_of3A_215 = tpu.assume_multiple %mul3A_214, 1024 : i32
        %slice3A_216 = vector.extract_strided_slice %get3A_193 {offsets = [6], sizes = [1], strides = [1]} : vector<16xi32> to vector<1xi32>
        %squeeze3A_217 = vector.extract %slice3A_216[0] : i32 from vector<1xi32>
        %mul3A_218 = arith.constant 1024 : i32
        %mul3A_219 = arith.muli %squeeze3A_217, %mul3A_218 : i32
        %multiple_of3A_220 = tpu.assume_multiple %mul3A_219, 1024 : i32
        %slice3A_221 = vector.extract_strided_slice %get3A_193 {offsets = [3], sizes = [1], strides = [1]} : vector<16xi32> to vector<1xi32>
        %squeeze3A_222 = vector.extract %slice3A_221[0] : i32 from vector<1xi32>
        %eq3A_223 = arith.constant 0 : i32
        %eq3A_224 = arith.cmpi eq, %squeeze3A_222, %eq3A_223 : i32
        %convert_element_type3A_225 = arith.extui %eq3A_224 : i1 to i32
        %cond3A_226 = arith.constant 0 : i32
        %cond3A_227 = arith.cmpi ne, %convert_element_type3A_225, %cond3A_226 : i32
        scf.if %cond3A_227 {
          %dma_wait3A = tpu.memref_slice %arg5[%multiple_of3A_196, %multiple_of3A_199] : memref<832x26000xf32, #tpu.memory_space<hbm>> -> memref<16x1152xf32, #tpu.memory_space<hbm>>
          %dma_wait3A_254 = tpu.memref_slice %arg5[%multiple_of3A_196, %multiple_of3A_199] : memref<832x26000xf32, #tpu.memory_space<hbm>> -> memref<16x1152xf32, #tpu.memory_space<hbm>>
          tpu.wait_dma2 semaphore(%arg20 : memref<!tpu.dma_semaphore, #tpu.memory_space<semaphore_mem>>) src(%dma_wait3A_254 : memref<16x1152xf32, #tpu.memory_space<hbm>>) dst(%arg9 : memref<16x1152xf32, #tpu.memory_space<vmem>>)
          %dma_wait3A_255 = tpu.memref_slice %arg5[%multiple_of3A_202, %multiple_of3A_205] : memref<832x26000xf32, #tpu.memory_space<hbm>> -> memref<16x1152xf32, #tpu.memory_space<hbm>>
          %dma_wait3A_256 = tpu.memref_slice %arg5[%multiple_of3A_202, %multiple_of3A_205] : memref<832x26000xf32, #tpu.memory_space<hbm>> -> memref<16x1152xf32, #tpu.memory_space<hbm>>
          tpu.wait_dma2 semaphore(%arg20 : memref<!tpu.dma_semaphore, #tpu.memory_space<semaphore_mem>>) src(%dma_wait3A_256 : memref<16x1152xf32, #tpu.memory_space<hbm>>) dst(%arg11 : memref<16x1152xf32, #tpu.memory_space<vmem>>)
          %dma_wait3A_257 = tpu.memref_slice %arg3[%multiple_of3A_210] : memref<26624xi32, #tpu.memory_space<hbm>> -> memref<1024xi32, #tpu.memory_space<hbm>>
          %dma_wait3A_258 = tpu.memref_slice %arg3[%multiple_of3A_210] : memref<26624xi32, #tpu.memory_space<hbm>> -> memref<1024xi32, #tpu.memory_space<hbm>>
          tpu.wait_dma2 semaphore(%arg20 : memref<!tpu.dma_semaphore, #tpu.memory_space<semaphore_mem>>) src(%dma_wait3A_258 : memref<1024xi32, #tpu.memory_space<hbm>>) dst(%arg16 : memref<1024xi32, #tpu.memory_space<vmem>>)
          %dma_wait3A_259 = tpu.memref_slice %arg3[%multiple_of3A_215] : memref<26624xi32, #tpu.memory_space<hbm>> -> memref<1024xi32, #tpu.memory_space<hbm>>
          %dma_wait3A_260 = tpu.memref_slice %arg3[%multiple_of3A_215] : memref<26624xi32, #tpu.memory_space<hbm>> -> memref<1024xi32, #tpu.memory_space<hbm>>
          tpu.wait_dma2 semaphore(%arg20 : memref<!tpu.dma_semaphore, #tpu.memory_space<semaphore_mem>>) src(%dma_wait3A_260 : memref<1024xi32, #tpu.memory_space<hbm>>) dst(%arg17 : memref<1024xi32, #tpu.memory_space<vmem>>)
        } else {
        }
        %eq3A_228 = arith.constant 1 : i32
        %eq3A_229 = arith.cmpi eq, %squeeze3A_222, %eq3A_228 : i32
        %convert_element_type3A_230 = arith.extui %eq3A_229 : i1 to i32
        %cond3A_231 = arith.constant 0 : i32
        %cond3A_232 = arith.cmpi ne, %convert_element_type3A_230, %cond3A_231 : i32
        scf.if %cond3A_232 {
          %dma_wait3A = tpu.memref_slice %arg4[%multiple_of3A_220] : memref<26624xf32, #tpu.memory_space<hbm>> -> memref<1024xf32, #tpu.memory_space<hbm>>
          %dma_wait3A_254 = tpu.memref_slice %arg4[%multiple_of3A_220] : memref<26624xf32, #tpu.memory_space<hbm>> -> memref<1024xf32, #tpu.memory_space<hbm>>
          tpu.wait_dma2 semaphore(%arg20 : memref<!tpu.dma_semaphore, #tpu.memory_space<semaphore_mem>>) src(%dma_wait3A_254 : memref<1024xf32, #tpu.memory_space<hbm>>) dst(%arg13 : memref<1024xf32, #tpu.memory_space<vmem>>)
          %dma_wait3A_255 = tpu.memref_slice %arg3[%multiple_of3A_210] : memref<26624xi32, #tpu.memory_space<hbm>> -> memref<1024xi32, #tpu.memory_space<hbm>>
          %dma_wait3A_256 = tpu.memref_slice %arg3[%multiple_of3A_210] : memref<26624xi32, #tpu.memory_space<hbm>> -> memref<1024xi32, #tpu.memory_space<hbm>>
          tpu.wait_dma2 semaphore(%arg20 : memref<!tpu.dma_semaphore, #tpu.memory_space<semaphore_mem>>) src(%dma_wait3A_256 : memref<1024xi32, #tpu.memory_space<hbm>>) dst(%arg16 : memref<1024xi32, #tpu.memory_space<vmem>>)
        } else {
        }
        %mul3A_233 = arith.constant 16 : i32
        %mul3A_234 = arith.muli %add3A_95, %mul3A_233 : i32
        %multiple_of3A_235 = tpu.assume_multiple %mul3A_234, 8 : i32
        %get3A_236 = arith.index_cast %multiple_of3A_235 : i32 to index
        %get3A_237 = tpu.vector_load %arg7[%get3A_236] {strides = array<i32>} : memref<11264xi32, #tpu.memory_space<vmem>>, vector<16xi32>,
        %slice3A_238 = vector.extract_strided_slice %get3A_237 {offsets = [3], sizes = [1], strides = [1]} : vector<16xi32> to vector<1xi32>
        %squeeze3A_239 = vector.extract %slice3A_238[0] : i32 from vector<1xi32>
        %slice3A_240 = vector.extract_strided_slice %get3A_237 {offsets = [2], sizes = [1], strides = [1]} : vector<16xi32> to vector<1xi32>
        %squeeze3A_241 = vector.extract %slice3A_240[0] : i32 from vector<1xi32>
        %slice3A_242 = vector.extract_strided_slice %get3A_237 {offsets = [8], sizes = [1], strides = [1]} : vector<16xi32> to vector<1xi32>
        %squeeze3A_243 = vector.extract %slice3A_242[0] : i32 from vector<1xi32>
        %eq3A_244 = arith.constant 0 : i32
        %eq3A_245 = arith.cmpi eq, %squeeze3A_239, %eq3A_244 : i32
        %convert_element_type3A_246 = arith.extui %eq3A_245 : i1 to i32
        %cond3A_247 = arith.constant 0 : i32
        %cond3A_248 = arith.cmpi ne, %convert_element_type3A_246, %cond3A_247 : i32
        scf.if %cond3A_248 {
          %scan3A_254 = arith.constant 0 : i32
          %scan3A_255 = arith.constant 0 : i32
          %scan3A_256 = arith.constant 64 : i32
          %scan3A_257 = arith.addi %scan3A_255, %scan3A_256 : i32
          %scan3A_258 = arith.constant 1 : i32
          scf.for %scan3A_260 = %scan3A_255 to %scan3A_257 step %scan3A_258  : i32 {
            %mul3A_261 = arith.constant 16 : i32
            %mul3A_262 = arith.muli %scan3A_260, %mul3A_261 : i32
            %multiple_of3A_263 = tpu.assume_multiple %mul3A_262, 16 : i32
            %get3A_264 = arith.index_cast %multiple_of3A_263 : i32 to index
            %get3A_265 = tpu.vector_load %arg16[%get3A_264] {strides = array<i32>} : memref<1024xi32, #tpu.memory_space<vmem>>, vector<16xi32>,
            %add3A_266 = vector.broadcast %squeeze3A_241 : i32 to vector<16xi32>
            %add3A_267 = arith.addi %get3A_265, %add3A_266 : vector<16xi32>
            %mul3A_268 = arith.constant 16 : i32
            %mul3A_269 = arith.muli %scan3A_260, %mul3A_268 : i32
            %multiple_of3A_270 = tpu.assume_multiple %mul3A_269, 16 : i32
            %get3A_271 = arith.index_cast %multiple_of3A_270 : i32 to index
            %get3A_272 = tpu.vector_load %arg17[%get3A_271] {strides = array<i32>} : memref<1024xi32, #tpu.memory_space<vmem>>, vector<16xi32>,
            %add3A_273 = vector.broadcast %squeeze3A_243 : i32 to vector<16xi32>
            %add3A_274 = arith.addi %get3A_272, %add3A_273 : vector<16xi32>
            %mul3A_275 = arith.constant 16 : i32
            %mul3A_276 = arith.muli %scan3A_260, %mul3A_275 : i32
            %multiple_of3A_277 = tpu.assume_multiple %mul3A_276, 16 : i32
            %get3A_278 = arith.index_cast %multiple_of3A_277 : i32 to index
            %get3A_279 = tpu.vector_load %arg18[%get3A_278] {strides = array<i32>} : memref<1024xf32, #tpu.memory_space<vmem>>, vector<16xf32>,
            %gather3A = tpu.vector_load_idx %arg9[%broadcast_in_dim3A_8, %add3A_267] : memref<16x1152xf32, #tpu.memory_space<vmem>>[vector<16xi32>, vector<16xi32>], vector<16xf32>,
            %gather3A_280 = tpu.vector_load_idx %arg11[%broadcast_in_dim3A_8, %add3A_274] : memref<16x1152xf32, #tpu.memory_space<vmem>>[vector<16xi32>, vector<16xi32>], vector<16xf32>,
            %mul3A_281 = arith.mulf %gather3A, %gather3A_280 : vector<16xf32>
            %add3A_282 = arith.addf %get3A_279, %mul3A_281 : vector<16xf32>
            %gather3A_283 = tpu.vector_load_idx %arg9[%broadcast_in_dim3A_10, %add3A_267] : memref<16x1152xf32, #tpu.memory_space<vmem>>[vector<16xi32>, vector<16xi32>], vector<16xf32>,
            %gather3A_284 = tpu.vector_load_idx %arg11[%broadcast_in_dim3A_10, %add3A_274] : memref<16x1152xf32, #tpu.memory_space<vmem>>[vector<16xi32>, vector<16xi32>], vector<16xf32>,
            %mul3A_285 = arith.mulf %gather3A_283, %gather3A_284 : vector<16xf32>
            %add3A_286 = arith.addf %add3A_282, %mul3A_285 : vector<16xf32>
            %gather3A_287 = tpu.vector_load_idx %arg9[%broadcast_in_dim3A_12, %add3A_267] : memref<16x1152xf32, #tpu.memory_space<vmem>>[vector<16xi32>, vector<16xi32>], vector<16xf32>,
            %gather3A_288 = tpu.vector_load_idx %arg11[%broadcast_in_dim3A_12, %add3A_274] : memref<16x1152xf32, #tpu.memory_space<vmem>>[vector<16xi32>, vector<16xi32>], vector<16xf32>,
            %mul3A_289 = arith.mulf %gather3A_287, %gather3A_288 : vector<16xf32>
            %add3A_290 = arith.addf %add3A_286, %mul3A_289 : vector<16xf32>
            %gather3A_291 = tpu.vector_load_idx %arg9[%broadcast_in_dim3A_14, %add3A_267] : memref<16x1152xf32, #tpu.memory_space<vmem>>[vector<16xi32>, vector<16xi32>], vector<16xf32>,
            %gather3A_292 = tpu.vector_load_idx %arg11[%broadcast_in_dim3A_14, %add3A_274] : memref<16x1152xf32, #tpu.memory_space<vmem>>[vector<16xi32>, vector<16xi32>], vector<16xf32>,
            %mul3A_293 = arith.mulf %gather3A_291, %gather3A_292 : vector<16xf32>
            %add3A_294 = arith.addf %add3A_290, %mul3A_293 : vector<16xf32>
            %gather3A_295 = tpu.vector_load_idx %arg9[%broadcast_in_dim3A_16, %add3A_267] : memref<16x1152xf32, #tpu.memory_space<vmem>>[vector<16xi32>, vector<16xi32>], vector<16xf32>,
            %gather3A_296 = tpu.vector_load_idx %arg11[%broadcast_in_dim3A_16, %add3A_274] : memref<16x1152xf32, #tpu.memory_space<vmem>>[vector<16xi32>, vector<16xi32>], vector<16xf32>,
            %mul3A_297 = arith.mulf %gather3A_295, %gather3A_296 : vector<16xf32>
            %add3A_298 = arith.addf %add3A_294, %mul3A_297 : vector<16xf32>
            %gather3A_299 = tpu.vector_load_idx %arg9[%broadcast_in_dim3A_18, %add3A_267] : memref<16x1152xf32, #tpu.memory_space<vmem>>[vector<16xi32>, vector<16xi32>], vector<16xf32>,
            %gather3A_300 = tpu.vector_load_idx %arg11[%broadcast_in_dim3A_18, %add3A_274] : memref<16x1152xf32, #tpu.memory_space<vmem>>[vector<16xi32>, vector<16xi32>], vector<16xf32>,
            %mul3A_301 = arith.mulf %gather3A_299, %gather3A_300 : vector<16xf32>
            %add3A_302 = arith.addf %add3A_298, %mul3A_301 : vector<16xf32>
            %gather3A_303 = tpu.vector_load_idx %arg9[%broadcast_in_dim3A_20, %add3A_267] : memref<16x1152xf32, #tpu.memory_space<vmem>>[vector<16xi32>, vector<16xi32>], vector<16xf32>,
            %gather3A_304 = tpu.vector_load_idx %arg11[%broadcast_in_dim3A_20, %add3A_274] : memref<16x1152xf32, #tpu.memory_space<vmem>>[vector<16xi32>, vector<16xi32>], vector<16xf32>,
            %mul3A_305 = arith.mulf %gather3A_303, %gather3A_304 : vector<16xf32>
            %add3A_306 = arith.addf %add3A_302, %mul3A_305 : vector<16xf32>
            %gather3A_307 = tpu.vector_load_idx %arg9[%broadcast_in_dim3A_22, %add3A_267] : memref<16x1152xf32, #tpu.memory_space<vmem>>[vector<16xi32>, vector<16xi32>], vector<16xf32>,
            %gather3A_308 = tpu.vector_load_idx %arg11[%broadcast_in_dim3A_22, %add3A_274] : memref<16x1152xf32, #tpu.memory_space<vmem>>[vector<16xi32>, vector<16xi32>], vector<16xf32>,
            %mul3A_309 = arith.mulf %gather3A_307, %gather3A_308 : vector<16xf32>
            %add3A_310 = arith.addf %add3A_306, %mul3A_309 : vector<16xf32>
            %gather3A_311 = tpu.vector_load_idx %arg9[%broadcast_in_dim3A_24, %add3A_267] : memref<16x1152xf32, #tpu.memory_space<vmem>>[vector<16xi32>, vector<16xi32>], vector<16xf32>,
            %gather3A_312 = tpu.vector_load_idx %arg11[%broadcast_in_dim3A_24, %add3A_274] : memref<16x1152xf32, #tpu.memory_space<vmem>>[vector<16xi32>, vector<16xi32>], vector<16xf32>,
            %mul3A_313 = arith.mulf %gather3A_311, %gather3A_312 : vector<16xf32>
            %add3A_314 = arith.addf %add3A_310, %mul3A_313 : vector<16xf32>
            %gather3A_315 = tpu.vector_load_idx %arg9[%broadcast_in_dim3A_26, %add3A_267] : memref<16x1152xf32, #tpu.memory_space<vmem>>[vector<16xi32>, vector<16xi32>], vector<16xf32>,
            %gather3A_316 = tpu.vector_load_idx %arg11[%broadcast_in_dim3A_26, %add3A_274] : memref<16x1152xf32, #tpu.memory_space<vmem>>[vector<16xi32>, vector<16xi32>], vector<16xf32>,
            %mul3A_317 = arith.mulf %gather3A_315, %gather3A_316 : vector<16xf32>
            %add3A_318 = arith.addf %add3A_314, %mul3A_317 : vector<16xf32>
            %gather3A_319 = tpu.vector_load_idx %arg9[%broadcast_in_dim3A_28, %add3A_267] : memref<16x1152xf32, #tpu.memory_space<vmem>>[vector<16xi32>, vector<16xi32>], vector<16xf32>,
            %gather3A_320 = tpu.vector_load_idx %arg11[%broadcast_in_dim3A_28, %add3A_274] : memref<16x1152xf32, #tpu.memory_space<vmem>>[vector<16xi32>, vector<16xi32>], vector<16xf32>,
            %mul3A_321 = arith.mulf %gather3A_319, %gather3A_320 : vector<16xf32>
            %add3A_322 = arith.addf %add3A_318, %mul3A_321 : vector<16xf32>
            %gather3A_323 = tpu.vector_load_idx %arg9[%broadcast_in_dim3A_30, %add3A_267] : memref<16x1152xf32, #tpu.memory_space<vmem>>[vector<16xi32>, vector<16xi32>], vector<16xf32>,
            %gather3A_324 = tpu.vector_load_idx %arg11[%broadcast_in_dim3A_30, %add3A_274] : memref<16x1152xf32, #tpu.memory_space<vmem>>[vector<16xi32>, vector<16xi32>], vector<16xf32>,
            %mul3A_325 = arith.mulf %gather3A_323, %gather3A_324 : vector<16xf32>
            %add3A_326 = arith.addf %add3A_322, %mul3A_325 : vector<16xf32>
            %gather3A_327 = tpu.vector_load_idx %arg9[%broadcast_in_dim3A_32, %add3A_267] : memref<16x1152xf32, #tpu.memory_space<vmem>>[vector<16xi32>, vector<16xi32>], vector<16xf32>,
            %gather3A_328 = tpu.vector_load_idx %arg11[%broadcast_in_dim3A_32, %add3A_274] : memref<16x1152xf32, #tpu.memory_space<vmem>>[vector<16xi32>, vector<16xi32>], vector<16xf32>,
            %mul3A_329 = arith.mulf %gather3A_327, %gather3A_328 : vector<16xf32>
            %add3A_330 = arith.addf %add3A_326, %mul3A_329 : vector<16xf32>
            %gather3A_331 = tpu.vector_load_idx %arg9[%broadcast_in_dim3A_34, %add3A_267] : memref<16x1152xf32, #tpu.memory_space<vmem>>[vector<16xi32>, vector<16xi32>], vector<16xf32>,
            %gather3A_332 = tpu.vector_load_idx %arg11[%broadcast_in_dim3A_34, %add3A_274] : memref<16x1152xf32, #tpu.memory_space<vmem>>[vector<16xi32>, vector<16xi32>], vector<16xf32>,
            %mul3A_333 = arith.mulf %gather3A_331, %gather3A_332 : vector<16xf32>
            %add3A_334 = arith.addf %add3A_330, %mul3A_333 : vector<16xf32>
            %gather3A_335 = tpu.vector_load_idx %arg9[%broadcast_in_dim3A_36, %add3A_267] : memref<16x1152xf32, #tpu.memory_space<vmem>>[vector<16xi32>, vector<16xi32>], vector<16xf32>,
            %gather3A_336 = tpu.vector_load_idx %arg11[%broadcast_in_dim3A_36, %add3A_274] : memref<16x1152xf32, #tpu.memory_space<vmem>>[vector<16xi32>, vector<16xi32>], vector<16xf32>,
            %mul3A_337 = arith.mulf %gather3A_335, %gather3A_336 : vector<16xf32>
            %add3A_338 = arith.addf %add3A_334, %mul3A_337 : vector<16xf32>
            %gather3A_339 = tpu.vector_load_idx %arg9[%broadcast_in_dim3A_38, %add3A_267] : memref<16x1152xf32, #tpu.memory_space<vmem>>[vector<16xi32>, vector<16xi32>], vector<16xf32>,
            %gather3A_340 = tpu.vector_load_idx %arg11[%broadcast_in_dim3A_38, %add3A_274] : memref<16x1152xf32, #tpu.memory_space<vmem>>[vector<16xi32>, vector<16xi32>], vector<16xf32>,
            %mul3A_341 = arith.mulf %gather3A_339, %gather3A_340 : vector<16xf32>
            %add3A_342 = arith.addf %add3A_338, %mul3A_341 : vector<16xf32>
            %swap3A = arith.index_cast %multiple_of3A_277 : i32 to index
            %swap3A_343 = tpu.vector_load %arg18[%swap3A] {strides = array<i32>} : memref<1024xf32, #tpu.memory_space<vmem>>, vector<16xf32>,
            tpu.vector_store %arg18[%swap3A], %add3A_342 {strides = array<i32>} : memref<1024xf32, #tpu.memory_space<vmem>>, vector<16xf32>,
          }
          %scan3A_259 = arith.constant 64 : i32
        } else {
        }
        %eq3A_249 = arith.constant 1 : i32
        %eq3A_250 = arith.cmpi eq, %squeeze3A_239, %eq3A_249 : i32
        %convert_element_type3A_251 = arith.extui %eq3A_250 : i1 to i32
        %cond3A_252 = arith.constant 0 : i32
        %cond3A_253 = arith.cmpi ne, %convert_element_type3A_251, %cond3A_252 : i32
        scf.if %cond3A_253 {
          %scan3A_254 = arith.constant 0 : i32
          %scan3A_255 = arith.constant 0 : i32
          %scan3A_256 = arith.constant 64 : i32
          %scan3A_257 = arith.addi %scan3A_255, %scan3A_256 : i32
          %scan3A_258 = arith.constant 1 : i32
          scf.for %scan3A_260 = %scan3A_255 to %scan3A_257 step %scan3A_258  : i32 {
            %mul3A_261 = arith.constant 16 : i32
            %mul3A_262 = arith.muli %scan3A_260, %mul3A_261 : i32
            %multiple_of3A_263 = tpu.assume_multiple %mul3A_262, 16 : i32
            %get3A_264 = arith.index_cast %multiple_of3A_263 : i32 to index
            %get3A_265 = tpu.vector_load %arg16[%get3A_264] {strides = array<i32>} : memref<1024xi32, #tpu.memory_space<vmem>>, vector<16xi32>,
            %get3A_266 = arith.index_cast %multiple_of3A_263 : i32 to index
            %get3A_267 = tpu.vector_load %arg18[%get3A_266] {strides = array<i32>} : memref<1024xf32, #tpu.memory_space<vmem>>, vector<16xf32>,
            %gather3A = tpu.vector_load_idx %arg13[%get3A_265] : memref<1024xf32, #tpu.memory_space<vmem>>[vector<16xi32>], vector<16xf32>,
            %add3A_268 = arith.addf %get3A_267, %gather3A : vector<16xf32>
            %swap3A = arith.index_cast %multiple_of3A_263 : i32 to index
            %swap3A_269 = tpu.vector_load %arg18[%swap3A] {strides = array<i32>} : memref<1024xf32, #tpu.memory_space<vmem>>, vector<16xf32>,
            tpu.vector_store %arg18[%swap3A], %add3A_268 {strides = array<i32>} : memref<1024xf32, #tpu.memory_space<vmem>>, vector<16xf32>,
          }
          %scan3A_259 = arith.constant 64 : i32
        } else {
        }
      } else {
      }
    }
    %mul3A_89 = arith.constant 1024 : i32
    %mul3A_90 = arith.muli %add3A, %mul3A_89 : i32
    %multiple_of3A_91 = tpu.assume_multiple %mul3A_90, 1024 : i32
    "tpu.region"() ({
      %run_scoped3A = tpu.sem_alloc : memref<!tpu.dma_semaphore, #tpu.memory_space<semaphore_mem>>
      %dma_start3A = tpu.memref_slice %arg6[%multiple_of3A_91] : memref<32768xf32, #tpu.memory_space<hbm>> -> memref<1024xf32, #tpu.memory_space<hbm>>
      %dma_start3A_92 = tpu.memref_slice %arg6[%multiple_of3A_91] : memref<32768xf32, #tpu.memory_space<hbm>> -> memref<1024xf32, #tpu.memory_space<hbm>>
      tpu.enqueue_dma source(%arg18 : memref<1024xf32, #tpu.memory_space<vmem>>) target(%dma_start3A_92 : memref<1024xf32, #tpu.memory_space<hbm>>) target_semaphore(%run_scoped3A : memref<!tpu.dma_semaphore, #tpu.memory_space<semaphore_mem>>)
      %dma_wait3A = tpu.memref_slice %arg6[%multiple_of3A_91] : memref<32768xf32, #tpu.memory_space<hbm>> -> memref<1024xf32, #tpu.memory_space<hbm>>
      %dma_wait3A_93 = tpu.memref_slice %arg6[%multiple_of3A_91] : memref<32768xf32, #tpu.memory_space<hbm>> -> memref<1024xf32, #tpu.memory_space<hbm>>
      tpu.wait_dma2 semaphore(%run_scoped3A : memref<!tpu.dma_semaphore, #tpu.memory_space<semaphore_mem>>) src(%arg18 : memref<1024xf32, #tpu.memory_space<vmem>>) dst(%dma_wait3A_93 : memref<1024xf32, #tpu.memory_space<hbm>>)
      tpu.yield
    }) : () -> ()
    return
  }
}

#map = affine_map<(d0, d1) -> (0)>
#map1 = affine_map<(d0, d1) -> (0, 0, 0)>
module attributes {stable_mosaic.version = 14 : i64} {
  func.func @_combine_body(%arg0: i32, %arg1: i32, %arg2: memref<32768xf32, #tpu.memory_space<hbm>>, %arg3: memref<16xf32, #tpu.memory_space<hbm>>, %arg4: memref<32x2x16xf32, #tpu.memory_space<hbm>>, %arg5: memref<32768xf32, #tpu.memory_space<vmem>>, %arg6: memref<16xf32, #tpu.memory_space<vmem>>, %arg7: memref<1x2x16xf32, #tpu.memory_space<vmem>>) attributes {dimension_semantics = [#tpu.dimension_semantics<core_parallel>, #tpu.dimension_semantics<subcore_parallel>], iteration_bounds = array<i64: 2, 16>, scalar_prefetch = 0 : i64, scratch_operands = 3 : i64, tpu.core_type = #tpu.core_type<sc_vector_subcore>, window_params = [{transform_indices = #map}, {transform_indices = #map}, {transform_indices = #map1}]} {
    %mul3A = arith.constant 2 : i32
    %mul3A_0 = arith.muli %arg1, %mul3A : i32
    %add3A = arith.addi %mul3A_0, %arg0 : i32
    "tpu.region"() ({
      %run_scoped3A = tpu.sem_alloc : memref<!tpu.dma_semaphore, #tpu.memory_space<semaphore_mem>>
      tpu.enqueue_dma source(%arg2 : memref<32768xf32, #tpu.memory_space<hbm>>) target(%arg5 : memref<32768xf32, #tpu.memory_space<vmem>>) target_semaphore(%run_scoped3A : memref<!tpu.dma_semaphore, #tpu.memory_space<semaphore_mem>>)
      tpu.wait_dma2 semaphore(%run_scoped3A : memref<!tpu.dma_semaphore, #tpu.memory_space<semaphore_mem>>) src(%arg2 : memref<32768xf32, #tpu.memory_space<hbm>>) dst(%arg5 : memref<32768xf32, #tpu.memory_space<vmem>>)
      tpu.yield
    }) : () -> ()
    "tpu.region"() ({
      %run_scoped3A = tpu.sem_alloc : memref<!tpu.dma_semaphore, #tpu.memory_space<semaphore_mem>>
      tpu.enqueue_dma source(%arg3 : memref<16xf32, #tpu.memory_space<hbm>>) target(%arg6 : memref<16xf32, #tpu.memory_space<vmem>>) target_semaphore(%run_scoped3A : memref<!tpu.dma_semaphore, #tpu.memory_space<semaphore_mem>>)
      tpu.wait_dma2 semaphore(%run_scoped3A : memref<!tpu.dma_semaphore, #tpu.memory_space<semaphore_mem>>) src(%arg3 : memref<16xf32, #tpu.memory_space<hbm>>) dst(%arg6 : memref<16xf32, #tpu.memory_space<vmem>>)
      tpu.yield
    }) : () -> ()
    %get3A = arith.constant 0 : index
    %get3A_1 = tpu.vector_load %arg6[%get3A] {strides = array<i32>} : memref<16xf32, #tpu.memory_space<vmem>>, vector<16xf32>,
    %mul3A_2 = arith.constant 2 : i32
    %mul3A_3 = arith.muli %mul3A_2, %add3A : i32
    %add3A_4 = arith.constant 0 : i32
    %add3A_5 = arith.addi %mul3A_3, %add3A_4 : i32
    %scan3A = arith.constant 0 : i32
    %scan3A_6 = arith.constant 32 : i32
    %scan3A_7 = arith.addi %scan3A, %scan3A_6 : i32
    %scan3A_8 = arith.constant 1 : i32
    %scan3A_9 = scf.for %scan3A_49 = %scan3A to %scan3A_7 step %scan3A_8 iter_args(%scan3A_50 = %get3A_1) -> (vector<16xf32>)  : i32 {
      %mul3A_51 = arith.constant 1024 : i32
      %mul3A_52 = arith.muli %scan3A_49, %mul3A_51 : i32
      %mul3A_53 = arith.constant 16 : i32
      %mul3A_54 = arith.muli %add3A_5, %mul3A_53 : i32
      %add3A_55 = arith.addi %mul3A_52, %mul3A_54 : i32
      %multiple_of3A = tpu.assume_multiple %add3A_55, 8 : i32
      %get3A_56 = arith.index_cast %multiple_of3A : i32 to index
      %get3A_57 = tpu.vector_load %arg5[%get3A_56] {strides = array<i32>} : memref<32768xf32, #tpu.memory_space<vmem>>, vector<16xf32>,
      %add3A_58 = arith.addf %scan3A_50, %get3A_57 : vector<16xf32>
      scf.yield %add3A_58 : vector<16xf32>
    }
    %scan3A_10 = arith.constant 32 : i32
    %neg3A = arith.constant 0.000000e+00 : f32
    %neg3A_11 = vector.broadcast %neg3A : f32 to vector<16xf32>
    %neg3A_12 = arith.subf %neg3A_11, %scan3A_9 : vector<16xf32>
    %exp3A = math.exp %neg3A_12 : vector<16xf32>
    %add3A_13 = arith.constant 1.000000e+00 : f32
    %add3A_14 = vector.broadcast %add3A_13 : f32 to vector<16xf32>
    %add3A_15 = arith.addf %add3A_14, %exp3A : vector<16xf32>
    %div3A = arith.constant 1.000000e+00 : f32
    %div3A_16 = vector.broadcast %div3A : f32 to vector<16xf32>
    %div3A_17 = arith.divf %div3A_16, %add3A_15 : vector<16xf32>
    %swap3A = arith.constant 0 : i32
    %swap3A_18 = arith.constant 0 : i32
    %swap3A_19 = arith.index_cast %swap3A : i32 to index
    %swap3A_20 = arith.index_cast %swap3A_18 : i32 to index
    %swap3A_21 = arith.constant 0 : index
    %swap3A_22 = tpu.vector_load %arg7[%swap3A_19, %swap3A_20, %swap3A_21] {strides = array<i32>} : memref<1x2x16xf32, #tpu.memory_space<vmem>>, vector<16xf32>,
    tpu.vector_store %arg7[%swap3A_19, %swap3A_20, %swap3A_21], %div3A_17 {strides = array<i32>} : memref<1x2x16xf32, #tpu.memory_space<vmem>>, vector<16xf32>,
    %mul3A_23 = arith.constant 2 : i32
    %mul3A_24 = arith.muli %mul3A_23, %add3A : i32
    %add3A_25 = arith.constant 1 : i32
    %add3A_26 = arith.addi %mul3A_24, %add3A_25 : i32
    %scan3A_27 = arith.constant 0 : i32
    %scan3A_28 = arith.constant 32 : i32
    %scan3A_29 = arith.addi %scan3A_27, %scan3A_28 : i32
    %scan3A_30 = arith.constant 1 : i32
    %scan3A_31 = scf.for %scan3A_49 = %scan3A_27 to %scan3A_29 step %scan3A_30 iter_args(%scan3A_50 = %get3A_1) -> (vector<16xf32>)  : i32 {
      %mul3A_51 = arith.constant 1024 : i32
      %mul3A_52 = arith.muli %scan3A_49, %mul3A_51 : i32
      %mul3A_53 = arith.constant 16 : i32
      %mul3A_54 = arith.muli %add3A_26, %mul3A_53 : i32
      %add3A_55 = arith.addi %mul3A_52, %mul3A_54 : i32
      %multiple_of3A = tpu.assume_multiple %add3A_55, 8 : i32
      %get3A_56 = arith.index_cast %multiple_of3A : i32 to index
      %get3A_57 = tpu.vector_load %arg5[%get3A_56] {strides = array<i32>} : memref<32768xf32, #tpu.memory_space<vmem>>, vector<16xf32>,
      %add3A_58 = arith.addf %scan3A_50, %get3A_57 : vector<16xf32>
      scf.yield %add3A_58 : vector<16xf32>
    }
    %scan3A_32 = arith.constant 32 : i32
    %neg3A_33 = arith.constant 0.000000e+00 : f32
    %neg3A_34 = vector.broadcast %neg3A_33 : f32 to vector<16xf32>
    %neg3A_35 = arith.subf %neg3A_34, %scan3A_31 : vector<16xf32>
    %exp3A_36 = math.exp %neg3A_35 : vector<16xf32>
    %add3A_37 = arith.constant 1.000000e+00 : f32
    %add3A_38 = vector.broadcast %add3A_37 : f32 to vector<16xf32>
    %add3A_39 = arith.addf %add3A_38, %exp3A_36 : vector<16xf32>
    %div3A_40 = arith.constant 1.000000e+00 : f32
    %div3A_41 = vector.broadcast %div3A_40 : f32 to vector<16xf32>
    %div3A_42 = arith.divf %div3A_41, %add3A_39 : vector<16xf32>
    %swap3A_43 = arith.constant 0 : i32
    %swap3A_44 = arith.constant 1 : i32
    %swap3A_45 = arith.index_cast %swap3A_43 : i32 to index
    %swap3A_46 = arith.index_cast %swap3A_44 : i32 to index
    %swap3A_47 = arith.constant 0 : index
    %swap3A_48 = tpu.vector_load %arg7[%swap3A_45, %swap3A_46, %swap3A_47] {strides = array<i32>} : memref<1x2x16xf32, #tpu.memory_space<vmem>>, vector<16xf32>,
    tpu.vector_store %arg7[%swap3A_45, %swap3A_46, %swap3A_47], %div3A_42 {strides = array<i32>} : memref<1x2x16xf32, #tpu.memory_space<vmem>>, vector<16xf32>,
    "tpu.region"() ({
      %run_scoped3A = tpu.sem_alloc : memref<!tpu.dma_semaphore, #tpu.memory_space<semaphore_mem>>
      %dma_start3A = arith.constant 0 : i32
      %dma_start3A_49 = arith.constant 0 : i32
      %dma_start3A_50 = tpu.memref_slice %arg4[%add3A, %dma_start3A, %dma_start3A_49] : memref<32x2x16xf32, #tpu.memory_space<hbm>> -> memref<1x2x16xf32, #tpu.memory_space<hbm>>
      %dma_start3A_51 = arith.constant 0 : i32
      %dma_start3A_52 = arith.constant 0 : i32
      %dma_start3A_53 = tpu.memref_slice %arg4[%add3A, %dma_start3A_51, %dma_start3A_52] : memref<32x2x16xf32, #tpu.memory_space<hbm>> -> memref<1x2x16xf32, #tpu.memory_space<hbm>>
      tpu.enqueue_dma source(%arg7 : memref<1x2x16xf32, #tpu.memory_space<vmem>>) target(%dma_start3A_53 : memref<1x2x16xf32, #tpu.memory_space<hbm>>) target_semaphore(%run_scoped3A : memref<!tpu.dma_semaphore, #tpu.memory_space<semaphore_mem>>)
      %dma_wait3A = arith.constant 0 : i32
      %dma_wait3A_54 = arith.constant 0 : i32
      %dma_wait3A_55 = tpu.memref_slice %arg4[%add3A, %dma_wait3A, %dma_wait3A_54] : memref<32x2x16xf32, #tpu.memory_space<hbm>> -> memref<1x2x16xf32, #tpu.memory_space<hbm>>
      %dma_wait3A_56 = arith.constant 0 : i32
      %dma_wait3A_57 = arith.constant 0 : i32
      %dma_wait3A_58 = tpu.memref_slice %arg4[%add3A, %dma_wait3A_56, %dma_wait3A_57] : memref<32x2x16xf32, #tpu.memory_space<hbm>> -> memref<1x2x16xf32, #tpu.memory_space<hbm>>
      tpu.wait_dma2 semaphore(%run_scoped3A : memref<!tpu.dma_semaphore, #tpu.memory_space<semaphore_mem>>) src(%arg7 : memref<1x2x16xf32, #tpu.memory_space<vmem>>) dst(%dma_wait3A_58 : memref<1x2x16xf32, #tpu.memory_space<hbm>>)
      tpu.yield
    }) : () -> ()
    return
  }
}

</mosaic_0001>

<sc_bundles>
// kernel: _ffm_sc.4.cloned.1.call-start
scs
__scs_entry_jumppad:
0x0: {  	(pc) =	sbr.rel $0x88, $3  }
0x1: {  	(tag) =	ssettag $0x0;
	lr =	simm.s32 $0x1  }
0x2: {  	[smem:$0x3F9C] =	sst lr;
	_ =	strace $0xD0000000  }
0x3: {  	_ = 	snop  }
0x4: {  	_ = 	snop  }
0x5: {  	_ = 	snop  }
0x6: {  	_ = 	snop  }
0x7: {  	_ = 	snop  }
__scs_overlays_trampoline_lowered:
0x8: {  	[smem:$0x3FAB] =	sst s0  }
0x9: {  	[smem:$0x3FAC] =	sst s1  }
0xa: {  	[smem:$0x3FAD] =	sst s2  }
0xb: {  	[smem:$0x3FAE] =	sst s3  }
0xc: {  	[smem:$0x3FAF] =	sst s4  }
0xd: {  	[smem:$0x3FB0] =	sst s5  }
0xe: {  	[smem:$0x3FB1] =	sst s6  }
0xf: {  	[smem:$0x3FB2] =	sst s7  }
0x10: {  	[smem:$0x3FB3] =	sst s8  }
0x11: {  	[smem:$0x3FB4] =	sst s9;
	s0 =	simm.s32 @!p0 $0x0  }
0x12: {  	s1 =	sld [smem:$0x3F9A];
	s0 =	simm.s32 @p0 $0x1  }
0x13: {  	[smem:$0x3FB5] =	sst s0;
	s0 =	simm.s32 @!p1 $0x0  }
0x14: {  	s2 =	sld [smem:$0x3F99];
	s0 =	simm.s32 @p1 $0x1  }
0x15: {  	[smem:$0x3FB6] =	sst s0;
	s0 =	simm.s32 @!p2 $0x0  }
0x16: {  	s3 =	sld [smem:$0x3FDB];
	s0 =	simm.s32 @p2 $0x1  }
0x17: {  	s4 =	simm.s32 $0x1BF5;
	[smem:$0x3FB8] =	sst s0  }
0x18: {  	s0 =	sld [smem:$0x3F9B];
	_ =	swait.ge [sflag:s4], $0x0  }
0x19: {  	s7 =	sld [smem:$0x3F9C]  }
0x1a: {  	s8 =	sadd.s32 $0xFFFFE003, lr  }
0x1b: {  	s9 =	sadd.s32 $0xFFFFFEF7, lr;
	s5 =	simm.s32 $0xFFFFFFFF;
	p2 =	slt.u32 s8, $0xFFFFF086  }
0x1c: {  	p1 =	slt.u32 s9, $0xF7A;
	s5 =	simm.s32 @!p2 $0x0  }
0x1d: {  	s5 =	simm.s32 @p1 $0x1;
	p0 =	seq.s32 s7, s2  }
0x1e: {  	s7 =	smul.u32 @!p0 $0xF7A, s2;
	p2 =	seq.s32 @!p0 s5, $0x0  }
0x1f: {  	s9 =	smul.u32 $0xF7A, s1;
	s8 =	simm.s32 @!p0 $0x1BF5;
	p2 =	por !p2, p0  }
0x20: {  	[sflag:s8] =	ssyncset.s32 @!p0 $0xFFFFF086;
	s6 =	sadd.s32 @!p0 s3, s7;
	s7 =	simm.s32 @!p0 $0x108  }
0x21: {  	s3 =	sadd.s32 s3, s9;
	s6 =	sadd.s32 @!p0 $0x88, s6;
	s7 =	simm.s32 @p2 $0x1082  }
0x22: {  	[simem:s7], [sflag:s8] =	dma.local @!p0 [hbm:s6], $0xF7A  }
0x23: {  	s9 =	sor.u32 $0xD0000000, s2;
	s6 =	simm.s32 $0x108;
	_ =	swait.ge @!p0 [sflag:s8], $0x0  }
0x24: {  	s3 =	sadd.s32 $0x88, s3;
	s6 =	simm.s32 @!p1 $0x1082;
	[sflag:s4] =	ssyncset.s32 $0xFFFFF086  }
0x25: {  	[simem:s6], [sflag:s4] =	dma.local [hbm:s3], $0xF7A  }
0x26: {  	[smem:$0x3F9C] =	sst s1;
	(tag) =	ssettag s2;
	_ =	strace s9  }
0x27: {  	s1 =	sld [smem:$0x3FAC]  }
0x28: {  	s2 =	sld [smem:$0x3FAD]  }
0x29: {  	s4 =	sld [smem:$0x3FAF]  }
0x2a: {  	p0 =	seq.s32 s5, $0x0;
	s5 =	sld [smem:$0x3FB0]  }
0x2b: {  	s6 =	sld [smem:$0x3FB1]  }
0x2c: {  	s7 =	sld [smem:$0x3FB2]  }
0x2d: {  	s3 =	simm.s32 $0x108;
	s8 =	sld [smem:$0x3FB3]  }
0x2e: {  	s3 =	simm.s32 @!p0 $0x1082;
	s9 =	sld [smem:$0x3FB4]  }
0x2f: {  	lr =	sadd.s32 s0, s3;
	s0 =	sld [smem:$0x3FAB]  }
0x30: {  	s3 =	sld [smem:$0x3FAE]  }
0x31: {  	[smem:$0x3FB7] =	sst s10  }
0x32: {  	s10 =	sld [smem:$0x3FB5];
	_ =	sdelay $0x3  }
0x33: {  	p0 =	seq.s32 s10, $0x1;
	s10 =	sld [smem:$0x3FB7];
	_ =	sdelay $0x3  }
0x34: {  	[smem:$0x3FB7] =	sst s10  }
0x35: {  	s10 =	sld [smem:$0x3FB6];
	_ =	sdelay $0x3  }
0x36: {  	p1 =	seq.s32 s10, $0x1;
	s10 =	sld [smem:$0x3FB7];
	_ =	sdelay $0x3  }
0x37: {  	[smem:$0x3FB7] =	sst s10  }
0x38: {  	s10 =	sld [smem:$0x3FB8]  }
0x39: {  	_ = 	snop;
	(pc) =	sbr.ind lr, $3  }
0x3a: {  	_ = 	snop  }
0x3b: {  	_ = 	snop  }
0x3c: {  	p2 =	seq.s32 s10, $0x1;
	s10 =	sld [smem:$0x3FB7]  }
0x3d: {  	_ =	shalt  }
0x3e: {  	_ =	shalt  }
0x3f: {  	_ =	shalt  }
0x40: {  	_ =	shalt  }
0x41: {  	_ =	shalt  }
0x42: {  	_ =	shalt  }
0x43: {  	_ =	shalt  }
0x44: {  	_ =	shalt  }
0x45: {  	_ =	shalt  }
0x46: {  	_ =	shalt  }
0x47: {  	_ =	shalt  }
0x48: {  	_ =	shalt  }
0x49: {  	_ =	shalt  }
0x4a: {  	_ =	shalt  }
0x4b: {  	_ =	shalt  }
0x4c: {  	_ =	shalt  }
0x4d: {  	_ =	shalt  }
0x4e: {  	_ =	shalt  }
0x4f: {  	_ =	shalt  }
0x50: {  	_ =	shalt  }
0x51: {  	_ =	shalt  }
0x52: {  	_ =	shalt  }
0x53: {  	_ =	shalt  }
0x54: {  	_ =	shalt  }
0x55: {  	_ =	shalt  }
0x56: {  	_ =	shalt  }
0x57: {  	_ =	shalt  }
0x58: {  	_ =	shalt  }
0x59: {  	_ =	shalt  }
0x5a: {  	_ =	shalt  }
0x5b: {  	_ =	shalt  }
0x5c: {  	_ =	shalt  }
0x5d: {  	_ =	shalt  }
0x5e: {  	_ =	shalt  }
0x5f: {  	_ =	shalt  }
0x60: {  	_ =	shalt  }
0x61: {  	_ =	shalt  }
0x62: {  	_ =	shalt  }
0x63: {  	_ =	shalt  }
0x64: {  	_ =	shalt  }
0x65: {  	_ =	shalt  }
0x66: {  	_ =	shalt  }
0x67: {  	_ =	shalt  }
0x68: {  	_ =	shalt  }
0x69: {  	_ =	shalt  }
0x6a: {  	_ =	shalt  }
0x6b: {  	_ =	shalt  }
0x6c: {  	_ =	shalt  }
0x6d: {  	_ =	shalt  }
0x6e: {  	_ =	shalt  }
0x6f: {  	_ =	shalt  }
0x70: {  	_ =	shalt  }
0x71: {  	_ =	shalt  }
0x72: {  	_ =	shalt  }
0x73: {  	_ =	shalt  }
0x74: {  	_ =	shalt  }
0x75: {  	_ =	shalt  }
0x76: {  	_ =	shalt  }
0x77: {  	_ =	shalt  }
0x78: {  	_ =	shalt  }
0x79: {  	_ =	shalt  }
0x7a: {  	_ =	shalt  }
0x7b: {  	_ =	shalt  }
0x7c: {  	_ =	shalt  }
0x7d: {  	_ =	shalt  }
0x7e: {  	_ =	shalt  }
0x7f: {  	_ =	shalt  }
0x80: {  	_ =	shalt  }
0x81: {  	_ =	shalt  }
0x82: {  	_ =	shalt  }
0x83: {  	_ =	shalt  }
0x84: {  	_ =	shalt  }
0x85: {  	_ =	shalt  }
0x86: {  	_ =	shalt  }
0x87: {  	_ =	shalt  }
.Lfunc_end0:
.L_simem_size_0:
called_computation_lowered:
.L_overlay_start_0:
0x88: {  	s2 =	sld [smem:$0x3FD9]  }
0x89: {  	s3 =	sld [smem:$0x3FFE];
	_ =	sdelay $0x1  }
0x8a: {  	s1 =	srdreg.scid  }
0x8b: {  	s0 =	sand.u32 $0x1, s1  }
0x8c: {  	s17 =	sshll.u32 s0, $0xA;
	s2 =	sadd.s32 s3, s2  }
0x8d: {  	s2 =	sadd.s32 s2, s17  }
0x8e: {  	[smem:$0x3FC3] =	sst s2  }
0x8f: {  	_ = 	snop  }
0x90: {  	s2 =	sld [smem:$0x3FC9]  }
0x91: {  	s18 =	sld [smem:$0x3FC8]  }
0x92: {  	s4 =	sld [smem:$0x3FC7]  }
0x93: {  	s5 =	sld [smem:$0x3FC5];
	(tm) =	ssettm $0x1  }
0x94: {  	s6 =	sld [smem:$0x3FFB];
	_ =	sdelay $0x3  }
0x95: {  	_ =	strace s6  }
0x96: {  	s6 =	sld [smem:$0x3FFC];
	_ =	sdelay $0x3  }
0x97: {  	_ =	strace s6  }
0x98: {  	s6 =	sld [smem:$0x3FFD];
	_ =	sdelay $0x3  }
0x99: {  	_ =	strace s6  }
0x9a: {  	_ =	strace $0x8FFFFFFF  }
0x9b: {  	s19 =	sld [smem:$0x3FDB];
	_ =	sdelay $0x1  }
0x9c: {  	s7 =	simm.s32 $_scs_section_size  }
0x9d: {  	s8 =	simm.s32 $_size__tile_overlayer_lowered;
	s9 =	simm.s32 $_tile_overlayer_lowered  }
0x9e: {  	s22 =	simm.s32 $0x1BFF;
	s21 =	sshll.u32 s9, $0x1;
	s6 =	sadd.s32 s7, s19  }
0x9f: {  	s10 =	simm.s32 $0x0;
	s20 =	sshll.u32 s8, $0x1;
	s8 =	sadd.s32 s21, s6  }
0xa0: {  	[timem:s10], [sflag:s22] =	dma.local [hbm:s8], s20  }
0xa1: {  	_ =	swait.ge [sflag:s22], s20  }
0xa2: {  	s7 =	ssub.s32 $0x0, s20;
	[sflag:s22] =	ssyncset.done $0x0  }
0xa3: {  	[sflag:s22] =	ssyncadd.s32 s7;
	_ =	sdelay $0x1  }
0xa4: {  	s23 =	simm.s32 $0x1B8B  }
0xa5: {  	_ =	swait.ge [sflag:s23], $0x1  }
0xa6: {  	[sflag:s23] =	ssyncset.done $0x0  }
0xa7: {  	s25 =	simm.s32 $0x1B8E;
	s24 =	sld [smem:$0x3FFE];
	[sflag:s23] =	ssyncadd.s32 $0xFFFFFFFF  }
0xa8: {  	s26 =	simm.s32 $execute0_lowered;
	[smem:$0x3FD2] =	sst s25  }
0xa9: {  	s8 =	sshll.u32 s26, $0x1;
	_ =	strace $0x80000046;
	[dreg:$0x1] =	wrdreg $0xFFFFFFFF  }
0xaa: {  	s28 =	simm.s32 $_size_execute0_lowered;
	s6 =	sadd.s32 s6, s8;
	[dreg:$0x0] =	wrdreg $0x0  }
0xab: {  	s8 =	sshll.u32 s28, $0x1;
	[dreg:$0x2] =	wrdreg s6  }
0xac: {  	[dreg:$0x3] =	wrdreg s8  }
0xad: {  	[dreg:$0x4] =	wrdreg $0xC0  }
0xae: {  	_ =	task [dreg:s10], $0x5FFFF  }
0xaf: {  	[dreg:$0x1] =	wrdreg $0xFFFFFFFF  }
0xb0: {  	[dreg:$0x0] =	wrdreg $0x60  }
0xb1: {  	[dreg:$0x2] =	wrdreg s2  }
0xb2: {  	[dreg:$0x3] =	wrdreg s18  }
0xb3: {  	[dreg:$0x4] =	wrdreg s4  }
0xb4: {  	[dreg:$0x5] =	wrdreg s5  }
0xb5: {  	[dreg:$0x6] =	wrdreg s24  }
0xb6: {  	[dreg:$0x7] =	wrdreg $0x9  }
0xb7: {  	_ =	task.clear_ibuf [dreg:s10], $0x8FFFF;
	_ =	strace $0x90000046  }
0xb8: {  	s29 =	simm.s32 $0x9;
	_ =	strace $0x80000048  }
0xb9: {  	_ =	swait.ge [sflag:s29], $0x1  }
0xba: {  	[sflag:s29] =	ssyncadd.s32 $0xFFFFFFFF  }
0xbb: {  	_ =	strace $0x90000048  }
0xbc: {  	_ =	sfence  }
0xbd: {  	s30 =	sld [smem:$0x0];
	_ =	sdelay $0x2  }
0xbe: {  	s31 =	sshll.u32 s1, $0xD;
	s1 =	sshrl.u32 s1, $0x2  }
0xbf: {  	s3 =	sand.u32 $0x4000, s31;
	s1 =	sadd.s32 s1, s30  }
0xc0: {  	s0 =	sor.u32 s3, s0;
	s1 =	sshll.u32 s1, $0x11  }
0xc1: {  	s0 =	sor.u32 s1, s0  }
0xc2: {  	s0 =	sadd.s32 $0x8F2B, s0  }
0xc3: {  	[sflag:s0] =	ssyncadd.remote.s32 $0x1  }
0xc4: {  	_ =	sfence.sel $0xFFFF  }
0xc5: {  	[dreg:$0x0] =	wrdreg $0xFFFFFFFF;
	(pc) =	sbr.abs _section_cstart, $3  }
0xc6: {  	[dreg:$0x1] =	wrdreg $0xFFFFFFFF  }
0xc7: {  	_ =	task.clear_ibuf [dreg:s10], $0x2FFFF;
	_ =	strace $0x9FFFFFFF  }
0xc8: {  	(tm) =	ssettm $0x7FFFFFFF  }
0xc9: {  	_ =	shalt  }
tec
execute0_lowered:
.L_overlay_start_1:
0x0: {  	(tag) =	ssettag $0x1  }
0x1: {  	s2 =	rddreg [dreg:$0x1]  }
0x2: {  	s3 =	rddreg [dreg:$0x2]  }
0x3: {  	s5 =	rddreg [dreg:$0x3];
	s0 =	srdreg.scid  }
0x4: {  	s8 =	stileid.u32;
	s1 =	rddreg [dreg:$0x4];
	s6 =	simm.s32 $0x0  }
0x5: {  	s11 =	simm.s32 $0x3;
	s13 =	simm.s32 $0x14C00;
	s14 =	simm.s32 $0x2400  }
0x6: {  	s15 =	simm.s32 $0x33000;
	s16 =	simm.s32 $0x2C00;
	s17 =	simm.s32 $0xBC00  }
0x7: {  	s18 =	simm.s32 $0x15400;
	s19 =	simm.s32 $0x15000;
	s20 =	simm.s32 $0x7400  }
0x8: {  	s21 =	simm.s32 $0x10400;
	s22 =	simm.s32 $0x15C00;
	s23 =	simm.s32 $0x2  }
0x9: {  	s25 =	simm.s32 $0x1;
	s26 =	simm.s32 $0x0;
	s0 =	sand.u32 $0x1, s0  }
0xa: {  	s4 =	sshll.u32 s8, $0x1;
	[smem:$0x7FF] =	sst s6;
	p0 =	slt.u32 s8, $0x2  }
.Ltmp0:
0xb: {  	s8 =	simm.s32 $0x16;
	s7 =	sor.u32 s0, s4;
	(pc) =	sbr.rel .LBB2_1-.Ltmp0, $4  }
0xc: {  	_ =	strace $0x80000047;
	s0 =	ssub.s32 $0x2, s0;
	s4 =	sshll.u32 s7, $0x7  }
0xd: {  	s8 =	simm.s32 @!p0 $0x15;
	s30 =	sshrl.u32 s0, $0x1;
	s1 =	sadd.s32 s4, s1  }
0xe: {  	s31 =	sshll.u32 s7, $0x6;
	s0 =	ssub.s32 s0, s30;
	s1 =	sadd.s32 $0x800, s1  }
0xf: {  	v0 =	vimm.f32 $0.0e+00;
	s12 =	sshrl.u32 s31, $0x2;
	s10 =	smax.u32 s0, $0x1;
	[dreg:$0x6] =	wrdreg s1  }
.LBB2_40:
0x10: {  	s26 =	sadd.s32 $0x1, s26  }
0x11: {  	p0 =	sne.s32 s26, s10  }
.Ltmp1:
0x12: {  	s0 =	rddreg [dreg:$0x6];
	s1 =	simm.s32 $0x16400;
	(pc) =	sbr.rel @!p0 .LBB2_41-.Ltmp1, $4  }
0x13: {  	[hbm4b:s0+s6] =	stream.linear.scatter [tilespmem:s1], [sflag:$0x3], $0x400, $0x38;
	[tilespmem:$0x16800] =	vst v63  }
0x14: {  	_ =	swait.ge [sflag:s11], $0x400  }
0x15: {  	[sflag:s11] =	ssyncset.done $0x0  }
0x16: {  	[sflag:s11] =	ssyncadd.s32 $0xFFFFFC00  }
.LBB2_1:
0x17: {  	s0 =	rddreg [dreg:$0x0]  }
0x18: {  	[tilespmem:s6], [sflag:$0x3] =	stream.linear.gather [hbm4b:s0+s6], $0x2C00, $0x38;
	[tilespmem:$0x16800] =	vst v63  }
0x19: {  	_ =	swait.ge [sflag:s11], $0x2C00  }
0x1a: {  	[sflag:s11] =	ssyncset.done $0x0  }
0x1b: {  	s1 =	simm.s32 $0x0;
	s0 =	simm.s32 $0x40;
	[sflag:s11] =	ssyncadd.s32 $0xFFFFD400  }
.LBB2_2:
0x1c: {  	p0 =	sne.s32 s0, $0xFC0;
	[tilespmem:s1+$0x16400] =	vst v0;
	s1 =	smov.u32 s0;
	s0 =	sadd.s32 $0x40, s0  }
.Ltmp2:
0x1d: {  	(pc) =	sbr.rel @p0 .LBB2_2-.Ltmp2, $2  }
0x1e: {  	_ =	sdelay $0x2  }
0x1f: {  	s1 =	sshra.s32 s1, $0x2  }
0x20: {  	[tilespmem:s1+$0x16400] =	vst v0  }
0x21: {  	v1 =	vld [tilespmem:s12+$0x0];
	_ =	sdelay $0x4  }
0x22: {  	(v2sf) =	vpush v1, $0x0  }
0x23: {  	(v2sf) =	vpush v1, $0x4  }
0x24: {  	(v2sf) =	vpush v1, $0x6  }
0x25: {  	(v2sf) =	vpush v1, $0x3;
	_ =	sdelay $0xb  }
0x26: {  	s28 =	spop (v2sf)  }
0x27: {  	s4 =	spop (v2sf)  }
0x28: {  	s31 =	spop (v2sf)  }
0x29: {  	s0 =	spop (v2sf)  }
0x2a: {  	p0 =	seq.s32 s0, $0x1  }
.Ltmp3:
0x2b: {  	_ = 	snop;
	(pc) =	sbr.rel @p0 .LBB2_6-.Ltmp3, $2  }
0x2c: {  	_ =	sdelay $0x2  }
0x2d: {  	s1 =	sshll.u32 s31, $0xA  }
0x2e: {  	p0 =	sne.s32 s0, $0x0  }
.Ltmp4:
0x2f: {  	_ = 	snop;
	(pc) =	sbr.rel @p0 .LBB2_8-.Ltmp4, $1  }
0x30: {  	_ =	sdelay $0x3  }
0x31: {  	(v2sf) =	vpush v1, $0x7;
	v1 =	vshll.u32 v1, $0x3  }
0x32: {  	(v2sf) =	vpush v1, $0x1;
	_ =	sdelay $0x3  }
0x33: {  	(v2sf) =	vpush v1, $0x5;
	_ =	sdelay $0x9  }
0x34: {  	s24 =	sshrl.u32 s28, $0x3;
	s0 =	spop (v2sf)  }
0x35: {  	s24 =	smul.u32 $0x33000, s24;
	s30 =	spop (v2sf)  }
0x36: {  	s28 =	sand.u32 $0x7FFFFC00, s30  }
0x37: {  	s24 =	sadd.s32 s28, s24  }
0x38: {  	s4 =	sshrl.u32 s4, $0x3;
	s24 =	sshrl.u32 s24, $0x3  }
0x39: {  	s4 =	smul.u32 $0x33000, s4;
	s31 =	spop (v2sf);
	s24 =	sadd.s32 s5, s24  }
0x3a: {  	[tilespmem:s16], [sflag:$0x1] =	stream.strided.gather [hbm4b:s24+s14], $0x4800, s15, s14, $0x38;
	[tilespmem:$0x16800] =	vst v63  }
0x3b: {  	s24 =	sand.u32 $0x7FFFFC00, s31  }
0x3c: {  	s4 =	sadd.s32 s24, s4  }
0x3d: {  	s4 =	sshrl.u32 s4, $0x3  }
.Ltmp5:
0x3e: {  	s1 =	sshrl.u32 s1, $0x3;
	s4 =	sadd.s32 s5, s4;
	(pc) =	sbr.rel .LBB2_7-.Ltmp5, $4  }
0x3f: {  	[tilespmem:s17], [sflag:$0x1] =	stream.strided.gather [hbm4b:s4+s14], $0x4800, s15, s14, $0x38;
	[tilespmem:$0x16800] =	vst v63  }
0x40: {  	s1 =	sadd.s32 s2, s1;
	s0 =	sshll.u32 s0, $0x7  }
0x41: {  	[tilespmem:s18], [sflag:$0x1] =	stream.linear.gather [hbm4b:s1+s6], $0x400, $0x38;
	[tilespmem:$0x16800] =	vst v63  }
0x42: {  	s0 =	sand.u32 $0x1FFFFF80, s0;
	s1 =	simm.s32 $0x15800  }
.LBB2_6:
0x43: {  	s0 =	sshrl.u32 s1, $0x3  }
0x44: {  	s1 =	sadd.s32 s3, s0  }
0x45: {  	[tilespmem:s13], [sflag:$0x1] =	stream.linear.gather [hbm4b:s1+s6], $0x400, $0x38;
	[tilespmem:$0x16800] =	vst v63  }
0x46: {  	s1 =	simm.s32 $0x15400  }
.LBB2_7:
0x47: {  	s0 =	sadd.s32 s2, s0  }
0x48: {  	[tilespmem:s1], [sflag:$0x1] =	stream.linear.gather [hbm4b:s0+s6], $0x400, $0x38;
	[tilespmem:$0x16800] =	vst v63  }
.LBB2_8:
.Ltmp6:
0x49: {  	(pc) =	sbr.rel .LBB2_9-.Ltmp6, $2  }
0x4a: {  	_ =	sdelay $0x2  }
0x4b: {  	s28 =	simm.s32 $0x0  }
.LBB2_39:
0x4c: {  	p0 =	sne.s32 s28, s8  }
.Ltmp7:
0x4d: {  	_ = 	snop;
	(pc) =	sbr.rel @!p0 .LBB2_40-.Ltmp7, $1  }
0x4e: {  	_ =	sdelay $0x3  }
.LBB2_9:
0x4f: {  	s0 =	smov.u32 s28  }
0x50: {  	s1 =	sshll.u32 s28, $0x5;
	s28 =	sadd.s32 $0x1, s28;
	s29 =	sand.u32 $0x1, s0  }
0x51: {  	p1 =	sge.u32 s28, s8;
	p0 =	seq.s32 s29, $0x1  }
0x52: {  	p2 =	por p1, !p0  }
.Ltmp8:
0x53: {  	_ = 	snop;
	(pc) =	sbr.rel @p2 .LBB2_15-.Ltmp8, $4  }
0x54: {  	s1 =	sor.u32 s7, s1  }
0x55: {  	s31 =	sadd.s32 $0x20, s1  }
0x56: {  	s0 =	sshll.u32 s31, $0x6  }
0x57: {  	s4 =	sshra.s32 s0, $0x2  }
0x58: {  	v1 =	vld [tilespmem:s4+$0x0];
	_ =	sdelay $0x4  }
0x59: {  	(v2sf) =	vpush v1, $0x0  }
0x5a: {  	(v2sf) =	vpush v1, $0x4  }
0x5b: {  	(v2sf) =	vpush v1, $0x6  }
0x5c: {  	(v2sf) =	vpush v1, $0x3;
	_ =	sdelay $0xb  }
0x5d: {  	s0 =	spop (v2sf)  }
0x5e: {  	s31 =	spop (v2sf)  }
0x5f: {  	s30 =	spop (v2sf)  }
0x60: {  	s24 =	spop (v2sf)  }
0x61: {  	p2 =	seq.s32 s24, $0x1  }
.Ltmp9:
0x62: {  	_ = 	snop;
	(pc) =	sbr.rel @p2 .LBB2_13-.Ltmp9, $2  }
0x63: {  	_ =	sdelay $0x2  }
0x64: {  	s30 =	sshll.u32 s30, $0xA  }
0x65: {  	p2 =	sne.s32 s24, $0x0  }
.Ltmp10:
0x66: {  	_ = 	snop;
	(pc) =	sbr.rel @p2 .LBB2_15-.Ltmp10, $1  }
0x67: {  	_ =	sdelay $0x3  }
0x68: {  	(v2sf) =	vpush v1, $0x7;
	v1 =	vshll.u32 v1, $0x3  }
0x69: {  	(v2sf) =	vpush v1, $0x1;
	_ =	sdelay $0x5  }
0x6a: {  	(v2sf) =	vpush v1, $0x5;
	_ =	sdelay $0x7  }
0x6b: {  	s0 =	sshrl.u32 s0, $0x3;
	s24 =	spop (v2sf)  }
0x6c: {  	s0 =	smul.u32 $0x33000, s0;
	s9 =	spop (v2sf)  }
0x6d: {  	s9 =	sand.u32 $0x7FFFFC00, s9  }
0x6e: {  	s0 =	sadd.s32 s9, s0  }
0x6f: {  	s0 =	sshrl.u32 s0, $0x3  }
0x70: {  	s9 =	sshrl.u32 s31, $0x3;
	s0 =	sadd.s32 s5, s0  }
0x71: {  	[tilespmem:s16], [sflag:$0x1] =	stream.strided.gather [hbm4b:s0+s14], $0x4800, s15, s14, $0x38;
	[tilespmem:$0x16800] =	vst v63  }
0x72: {  	s31 =	spop (v2sf);
	s0 =	smul.u32 $0x33000, s9  }
0x73: {  	s9 =	sand.u32 $0x7FFFFC00, s31  }
0x74: {  	s0 =	sadd.s32 s9, s0  }
0x75: {  	s0 =	sshrl.u32 s0, $0x3  }
.Ltmp11:
0x76: {  	s30 =	sshrl.u32 s30, $0x3;
	s0 =	sadd.s32 s5, s0;
	(pc) =	sbr.rel .LBB2_14-.Ltmp11, $4  }
0x77: {  	[tilespmem:s17], [sflag:$0x1] =	stream.strided.gather [hbm4b:s0+s14], $0x4800, s15, s14, $0x38;
	[tilespmem:$0x16800] =	vst v63  }
0x78: {  	s31 =	sshll.u32 s24, $0x7;
	s0 =	sadd.s32 s2, s30  }
0x79: {  	[tilespmem:s18], [sflag:$0x1] =	stream.linear.gather [hbm4b:s0+s6], $0x400, $0x38;
	[tilespmem:$0x16800] =	vst v63  }
0x7a: {  	s24 =	simm.s32 $0x15800;
	s0 =	sand.u32 $0x1FFFFF80, s31  }
.LBB2_13:
0x7b: {  	s0 =	sshrl.u32 s30, $0x3  }
0x7c: {  	s24 =	simm.s32 $0x15400;
	s9 =	sadd.s32 s3, s0  }
0x7d: {  	[tilespmem:s13], [sflag:$0x1] =	stream.linear.gather [hbm4b:s9+s6], $0x400, $0x38;
	[tilespmem:$0x16800] =	vst v63  }
.LBB2_14:
0x7e: {  	s0 =	sadd.s32 s2, s0  }
0x7f: {  	[tilespmem:s24], [sflag:$0x1] =	stream.linear.gather [hbm4b:s0+s6], $0x400, $0x38;
	[tilespmem:$0x16800] =	vst v63  }
.LBB2_15:
0x80: {  	s0 =	sand.u32 $0x1, s28  }
0x81: {  	p2 =	seq.s32 s0, $0x1  }
0x82: {  	p1 =	por p1, !p2  }
.Ltmp12:
0x83: {  	_ = 	snop;
	(pc) =	sbr.rel @p1 .LBB2_21-.Ltmp12, $1  }
0x84: {  	_ =	sdelay $0x3  }
0x85: {  	v1 =	vld [tilespmem:s4+$0x0];
	_ =	sdelay $0x4  }
0x86: {  	(v2sf) =	vpush v1, $0x0  }
0x87: {  	(v2sf) =	vpush v1, $0x4  }
0x88: {  	(v2sf) =	vpush v1, $0x6  }
0x89: {  	(v2sf) =	vpush v1, $0x3;
	_ =	sdelay $0xb  }
0x8a: {  	s0 =	spop (v2sf)  }
0x8b: {  	s30 =	spop (v2sf)  }
0x8c: {  	s31 =	spop (v2sf)  }
0x8d: {  	s24 =	spop (v2sf)  }
0x8e: {  	p1 =	seq.s32 s24, $0x1  }
.Ltmp13:
0x8f: {  	_ = 	snop;
	(pc) =	sbr.rel @p1 .LBB2_19-.Ltmp13, $2  }
0x90: {  	_ =	sdelay $0x2  }
0x91: {  	s4 =	sshll.u32 s31, $0xA  }
0x92: {  	p1 =	sne.s32 s24, $0x0  }
.Ltmp14:
0x93: {  	_ = 	snop;
	(pc) =	sbr.rel @p1 .LBB2_21-.Ltmp14, $1  }
0x94: {  	_ =	sdelay $0x3  }
0x95: {  	(v2sf) =	vpush v1, $0x7;
	v1 =	vshll.u32 v1, $0x3  }
0x96: {  	(v2sf) =	vpush v1, $0x1;
	_ =	sdelay $0x5  }
0x97: {  	(v2sf) =	vpush v1, $0x5;
	_ =	sdelay $0x7  }
0x98: {  	s0 =	sshrl.u32 s0, $0x3;
	s9 =	spop (v2sf)  }
0x99: {  	s0 =	smul.u32 $0x33000, s0;
	s24 =	spop (v2sf)  }
0x9a: {  	s24 =	sand.u32 $0x7FFFFC00, s24  }
0x9b: {  	s0 =	sadd.s32 s24, s0  }
0x9c: {  	s0 =	sshrl.u32 s0, $0x3  }
0x9d: {  	s30 =	sshrl.u32 s30, $0x3;
	s0 =	sadd.s32 s5, s0  }
0x9e: {  	[tilespmem:s20], [sflag:$0x2] =	stream.strided.gather [hbm4b:s0+s14], $0x4800, s15, s14, $0x38;
	[tilespmem:$0x16800] =	vst v63  }
0x9f: {  	s31 =	spop (v2sf);
	s0 =	smul.u32 $0x33000, s30  }
0xa0: {  	s24 =	sand.u32 $0x7FFFFC00, s31  }
0xa1: {  	s0 =	sadd.s32 s24, s0  }
0xa2: {  	s0 =	sshrl.u32 s0, $0x3  }
.Ltmp15:
0xa3: {  	s30 =	sshrl.u32 s4, $0x3;
	s0 =	sadd.s32 s5, s0;
	(pc) =	sbr.rel .LBB2_20-.Ltmp15, $4  }
0xa4: {  	[tilespmem:s21], [sflag:$0x2] =	stream.strided.gather [hbm4b:s0+s14], $0x4800, s15, s14, $0x38;
	[tilespmem:$0x16800] =	vst v63  }
0xa5: {  	s31 =	sshll.u32 s9, $0x7;
	s0 =	sadd.s32 s2, s30  }
0xa6: {  	[tilespmem:s22], [sflag:$0x2] =	stream.linear.gather [hbm4b:s0+s6], $0x400, $0x38;
	[tilespmem:$0x16800] =	vst v63  }
0xa7: {  	s4 =	simm.s32 $0x16000;
	s0 =	sand.u32 $0x1FFFFF80, s31  }
.LBB2_19:
0xa8: {  	s0 =	sshrl.u32 s4, $0x3  }
0xa9: {  	s4 =	sadd.s32 s3, s0  }
0xaa: {  	[tilespmem:s19], [sflag:$0x2] =	stream.linear.gather [hbm4b:s4+s6], $0x400, $0x38;
	[tilespmem:$0x16800] =	vst v63  }
0xab: {  	s4 =	simm.s32 $0x15C00  }
.LBB2_20:
0xac: {  	s0 =	sadd.s32 s2, s0  }
0xad: {  	[tilespmem:s4], [sflag:$0x2] =	stream.linear.gather [hbm4b:s0+s6], $0x400, $0x38;
	[tilespmem:$0x16800] =	vst v63  }
.LBB2_21:
.Ltmp16:
0xae: {  	(pc) =	sbr.rel @p0 .LBB2_31-.Ltmp16, $2  }
0xaf: {  	_ =	sdelay $0x2  }
0xb0: {  	s30 =	sshll.u32 s1, $0x6  }
0xb1: {  	s0 =	sshra.s32 s30, $0x2  }
0xb2: {  	v1 =	vld [tilespmem:s0+$0x0];
	_ =	sdelay $0x4  }
0xb3: {  	(v2sf) =	vpush v1, $0x3;
	_ =	sdelay $0xe  }
0xb4: {  	s0 =	spop (v2sf)  }
0xb5: {  	p0 =	seq.s32 s0, $0x0  }
.Ltmp17:
0xb6: {  	_ = 	snop;
	(pc) =	sbr.rel @p0 .LBB2_27-.Ltmp17, $1  }
0xb7: {  	_ =	sdelay $0x3  }
0xb8: {  	p0 =	sne.s32 s0, $0x1  }
.Ltmp18:
0xb9: {  	_ = 	snop;
	(pc) =	sbr.rel @p0 .LBB2_30-.Ltmp18, $1  }
0xba: {  	_ =	sdelay $0x3  }
0xbb: {  	_ =	swait.ge [sflag:s25], $0x400  }
0xbc: {  	[sflag:s25] =	ssyncset.done $0x0  }
0xbd: {  	[sflag:s25] =	ssyncadd.s32 $0xFFFFFC00  }
0xbe: {  	_ =	swait.ge [sflag:s25], $0x400  }
0xbf: {  	[sflag:s25] =	ssyncset.done $0x0  }
0xc0: {  	s4 =	simm.s32 $0x0;
	[sflag:s25] =	ssyncadd.s32 $0xFFFFFC00  }
0xc1: {  	v2 =	vld [tilespmem:s4+$0x15400];
	_ =	sdelay $0x5  }
0xc2: {  	s1 =	simm.s32 $0x10  }
0xc3: {  	v1 =	vld [tilespmem:s1+$0x15400]  }
0xc4: {  	s31 =	simm.s32 $0x80;
	v2 =	vld.idx.msk [tilespmem:v2+s13+$0x0], $0xffff  }
.LBB2_25:
0xc5: {  	p0 =	sne.s32 s31, $0xFC0;
	v3 =	vld [tilespmem:s4+$0x16400];
	_ =	sdelay $0x2  }
0xc6: {  	v4 =	vmov v1  }
.Ltmp19:
0xc7: {  	(pc) =	sbr.rel @p0 .LBB2_25-.Ltmp19, $4  }
0xc8: {  	v2 =	vadd.f32 v2, v3  }
0xc9: {  	s0 =	sshra.s32 s31, $0x2  }
0xca: {  	v1 =	vld [tilespmem:s0+$0x15400];
	[tilespmem:s4+$0x16400] =	vst v2;
	s4 =	smov.u32 s1;
	s1 =	smov.u32 s0  }
0xcb: {  	s31 =	sadd.s32 $0x40, s31;
	v2 =	vld.idx.msk [tilespmem:v4+s13+$0x0], $0xffff  }
0xcc: {  	v3 =	vld [tilespmem:s4+$0x16400];
	_ =	sdelay $0x4  }
0xcd: {  	v2 =	vadd.f32 v2, v3;
	_ =	sdelay $0x1  }
0xce: {  	[tilespmem:s4+$0x16400] =	vst v2  }
0xcf: {  	v1 =	vld.idx.msk [tilespmem:v1+s13+$0x0], $0xffff  }
0xd0: {  	v2 =	vld [tilespmem:s1+$0x16400];
	_ =	sdelay $0x2  }
.Ltmp20:
0xd1: {  	_ = 	snop;
	(pc) =	sbr.rel .LBB2_30-.Ltmp20, $3  }
0xd2: {  	_ = 	snop  }
0xd3: {  	v1 =	vadd.f32 v1, v2;
	_ =	sdelay $0x1  }
0xd4: {  	[tilespmem:s1+$0x16400] =	vst v1  }
.LBB2_27:
0xd5: {  	_ =	swait.ge [sflag:s25], $0x4800  }
0xd6: {  	[sflag:s25] =	ssyncset.done $0x0  }
0xd7: {  	[sflag:s25] =	ssyncadd.s32 $0xFFFFB800  }
0xd8: {  	_ =	swait.ge [sflag:s25], $0x4800  }
0xd9: {  	[sflag:s25] =	ssyncset.done $0x0  }
0xda: {  	[sflag:s25] =	ssyncadd.s32 $0xFFFFB800  }
0xdb: {  	_ =	swait.ge [sflag:s25], $0x400  }
0xdc: {  	[sflag:s25] =	ssyncset.done $0x0  }
0xdd: {  	[sflag:s25] =	ssyncadd.s32 $0xFFFFFC00  }
0xde: {  	_ =	swait.ge [sflag:s25], $0x400  }
0xdf: {  	[sflag:s25] =	ssyncset.done $0x0  }
0xe0: {  	s4 =	simm.s32 $0x0;
	[sflag:s25] =	ssyncadd.s32 $0xFFFFFC00  }
0xe1: {  	v3 =	vld [tilespmem:s4+$0x15400];
	_ =	sdelay $0x1  }
0xe2: {  	v4 =	vld [tilespmem:s4+$0x15800]  }
0xe3: {  	v2 =	vbroadcast v1, $0x2;
	_ =	sdelay $0x1  }
0xe4: {  	v1 =	vbroadcast v1, $0x8;
	v3 =	vadd.s32 v2, v3  }
0xe5: {  	v5 =	vshll.u32 v3, $0x3  }
0xe6: {  	v4 =	vadd.s32 v1, v4;
	v3 =	vand.u32 $0x7F, v3;
	v5 =	vand.u32 $0xFFFFFC00, v5  }
0xe7: {  	v6 =	vor.u32 v3, v5;
	v3 =	vshll.u32 v4, $0x3  }
0xe8: {  	v4 =	vand.u32 $0x7F, v4;
	v5 =	vor.u32 $0x100, v6;
	v3 =	vand.u32 $0xFFFFFC00, v3  }
0xe9: {  	s31 =	simm.s32 $0x10;
	v16 =	vld [tilespmem:s4+$0x16400];
	v12 =	vor.u32 v4, v3  }
0xea: {  	v7 =	vor.u32 $0x80, v6;
	v4 =	vld [tilespmem:s31+$0x15400]  }
0xeb: {  	v3 =	vld [tilespmem:s31+$0x15800];
	v8 =	vor.u32 $0x80, v12  }
0xec: {  	v13 =	vor.u32 $0x180, v6;
	v9 =	vld.idx.msk [tilespmem:v6+s16+$0x0], $0xffff  }
0xed: {  	v10 =	vor.u32 $0x100, v12;
	v5 =	vld.idx.msk [tilespmem:v5+s16+$0x0], $0xffff  }
0xee: {  	v57 =	vadd.s32 $0x2580, v6;
	v11 =	vld.idx.msk [tilespmem:v12+s17+$0x0], $0xffff  }
0xef: {  	v14 =	vor.u32 $0x180, v12;
	v7 =	vld.idx.msk [tilespmem:v7+s16+$0x0], $0xffff  }
0xf0: {  	v15 =	vor.u32 $0x200, v6;
	v8 =	vld.idx.msk [tilespmem:v8+s17+$0x0], $0xffff  }
0xf1: {  	v17 =	vor.u32 $0x200, v12;
	v13 =	vld.idx.msk [tilespmem:v13+s16+$0x0], $0xffff  }
0xf2: {  	v19 =	vor.u32 $0x280, v12;
	v10 =	vld.idx.msk [tilespmem:v10+s17+$0x0], $0xffff  }
0xf3: {  	v18 =	vor.u32 $0x280, v6;
	v61 =	vld.idx.msk [tilespmem:v57+s16+$0x0], $0xffff;
	v9 =	vmul.f32 v11, v9  }
0xf4: {  	v20 =	vor.u32 $0x300, v6;
	v14 =	vld.idx.msk [tilespmem:v14+s17+$0x0], $0xffff  }
0xf5: {  	v11 =	vld.idx.msk [tilespmem:v15+s16+$0x0], $0xffff;
	v15 =	vor.u32 $0x300, v12;
	v7 =	vmul.f32 v8, v7;
	v9 =	vadd.f32 v9, v16  }
0xf6: {  	v51 =	vor.u32 $0x380, v12;
	v17 =	vld.idx.msk [tilespmem:v17+s17+$0x0], $0xffff  }
0xf7: {  	v21 =	vor.u32 $0x380, v6;
	v52 =	vld.idx.msk [tilespmem:v19+s17+$0x0], $0xffff;
	v5 =	vmul.f32 v10, v5;
	v7 =	vadd.f32 v7, v9  }
0xf8: {  	v8 =	vld.idx.msk [tilespmem:v18+s16+$0x0], $0xffff;
	v10 =	vadd.s32 $0x2400, v12  }
0xf9: {  	v53 =	vadd.s32 $0x2400, v6;
	v9 =	vld.idx.msk [tilespmem:v20+s16+$0x0], $0xffff;
	v5 =	vadd.f32 v5, v7;
	v7 =	vmul.f32 v14, v13  }
0xfa: {  	v54 =	vadd.s32 $0x2480, v6;
	v15 =	vld.idx.msk [tilespmem:v15+s17+$0x0], $0xffff  }
0xfb: {  	v16 =	vld.idx.msk [tilespmem:v51+s17+$0x0], $0xffff;
	v14 =	vadd.s32 $0x2480, v12;
	v5 =	vadd.f32 v7, v5;
	v7 =	vmul.f32 v17, v11  }
0xfc: {  	v55 =	vadd.s32 $0x2500, v6;
	v56 =	vadd.s32 $0x2500, v12;
	v13 =	vld.idx.msk [tilespmem:v21+s16+$0x0], $0xffff  }
0xfd: {  	v59 =	vadd.s32 $0x2600, v6;
	v10 =	vld.idx.msk [tilespmem:v10+s17+$0x0], $0xffff;
	v5 =	vadd.f32 v7, v5;
	v7 =	vmul.f32 v52, v8  }
0xfe: {  	v60 =	vadd.s32 $0x2680, v6;
	v62 =	vadd.s32 $0x2700, v6;
	v6 =	vadd.s32 $0x2780, v6;
	v11 =	vld.idx.msk [tilespmem:v53+s16+$0x0], $0xffff  }
0xff: {  	v58 =	vadd.s32 $0x2580, v12;
	v8 =	vld.idx.msk [tilespmem:v54+s16+$0x0], $0xffff;
	v5 =	vadd.f32 v7, v5;
	v7 =	vmul.f32 v15, v9  }
0x100: {  	v14 =	vld.idx.msk [tilespmem:v14+s17+$0x0], $0xffff  }
0x101: {  	v17 =	vld.idx.msk [tilespmem:v56+s17+$0x0], $0xffff;
	v9 =	vadd.s32 $0x2600, v12;
	v5 =	vadd.f32 v7, v5;
	v7 =	vmul.f32 v16, v13  }
0x102: {  	v15 =	vld.idx.msk [tilespmem:v55+s16+$0x0], $0xffff;
	v13 =	vadd.s32 $0x2680, v12  }
0x103: {  	v6 =	vld.idx.msk [tilespmem:v6+s16+$0x0], $0xffff;
	v10 =	vmul.f32 v10, v11;
	v7 =	vadd.f32 v7, v5  }
0x104: {  	v18 =	vld.idx.msk [tilespmem:v58+s17+$0x0], $0xffff  }
0x105: {  	v63 =	vadd.s32 $0x2700, v12;
	v5 =	vld.idx.msk [tilespmem:v59+s16+$0x0], $0xffff;
	v7 =	vadd.f32 v10, v7;
	v10 =	vmul.f32 v14, v8  }
0x106: {  	v12 =	vadd.s32 $0x2780, v12;
	v9 =	vld.idx.msk [tilespmem:v9+s17+$0x0], $0xffff  }
0x107: {  	v14 =	vmul.f32 v17, v15;
	v11 =	vld.idx.msk [tilespmem:v13+s17+$0x0], $0xffff;
	v13 =	vadd.f32 v10, v7  }
0x108: {  	v8 =	vld.idx.msk [tilespmem:v60+s16+$0x0], $0xffff  }
0x109: {  	v7 =	vld.idx.msk [tilespmem:v62+s16+$0x0], $0xffff;
	v13 =	vadd.f32 v14, v13;
	v14 =	vmul.f32 v18, v61  }
0x10a: {  	s1 =	simm.s32 $0x80;
	v10 =	vld.idx.msk [tilespmem:v63+s17+$0x0], $0xffff  }
.LBB2_28:
0x10b: {  	p0 =	seq.s32 s1, $0xFC0;
	v13 =	vadd.f32 v14, v13;
	v5 =	vmul.f32 v9, v5;
	v9 =	vld.idx.msk [tilespmem:v12+s17+$0x0], $0xffff;
	_ =	sdelay $0x1  }
0x10c: {  	v4 =	vadd.s32 v2, v4;
	v8 =	vmul.f32 v11, v8;
	v5 =	vadd.f32 v5, v13  }
0x10d: {  	v3 =	vadd.s32 v1, v3;
	v11 =	vand.u32 $0x7F, v4;
	v4 =	vshll.u32 v4, $0x3  }
0x10e: {  	v4 =	vand.u32 $0xFFFFFC00, v4;
	v7 =	vmul.f32 v10, v7;
	v5 =	vadd.f32 v8, v5  }
0x10f: {  	v8 =	vor.u32 v11, v4;
	v4 =	vshll.u32 v3, $0x3  }
0x110: {  	v10 =	vor.u32 $0x100, v8;
	v6 =	vmul.f32 v9, v6;
	v5 =	vadd.f32 v7, v5  }
0x111: {  	v3 =	vand.u32 $0x7F, v3;
	v4 =	vand.u32 $0xFFFFFC00, v4  }
0x112: {  	s0 =	sshra.s32 s1, $0x2;
	v7 =	vor.u32 v3, v4;
	v5 =	vadd.f32 v6, v5  }
0x113: {  	v6 =	vor.u32 $0x80, v8;
	v4 =	vld [tilespmem:s0+$0x15400]  }
0x114: {  	v9 =	vor.u32 $0x80, v7;
	v3 =	vld [tilespmem:s0+$0x15800];
	[tilespmem:s4+$0x16400] =	vst v5;
	s4 =	smov.u32 s31;
	s31 =	smov.u32 s0  }
0x115: {  	v5 =	vld.idx.msk [tilespmem:v10+s16+$0x0], $0xffff  }
0x116: {  	v11 =	vor.u32 $0x100, v7;
	v10 =	vld.idx.msk [tilespmem:v8+s16+$0x0], $0xffff  }
0x117: {  	v13 =	vor.u32 $0x180, v8;
	v12 =	vld.idx.msk [tilespmem:v7+s17+$0x0], $0xffff  }
0x118: {  	v14 =	vor.u32 $0x180, v7;
	v6 =	vld.idx.msk [tilespmem:v6+s16+$0x0], $0xffff  }
0x119: {  	v15 =	vor.u32 $0x200, v8;
	v9 =	vld.idx.msk [tilespmem:v9+s17+$0x0], $0xffff  }
0x11a: {  	v17 =	vor.u32 $0x200, v7;
	v16 =	vld [tilespmem:s4+$0x16400]  }
0x11b: {  	v18 =	vor.u32 $0x280, v8;
	v11 =	vld.idx.msk [tilespmem:v11+s17+$0x0], $0xffff  }
0x11c: {  	v19 =	vor.u32 $0x280, v7;
	v13 =	vld.idx.msk [tilespmem:v13+s16+$0x0], $0xffff  }
0x11d: {  	v10 =	vmul.f32 v12, v10;
	v12 =	vld.idx.msk [tilespmem:v14+s17+$0x0], $0xffff;
	v14 =	vor.u32 $0x300, v8  }
0x11e: {  	v20 =	vor.u32 $0x300, v7;
	v15 =	vld.idx.msk [tilespmem:v15+s16+$0x0], $0xffff  }
0x11f: {  	v6 =	vmul.f32 v9, v6;
	v10 =	vadd.f32 v10, v16;
	v9 =	vld.idx.msk [tilespmem:v17+s17+$0x0], $0xffff;
	v16 =	vor.u32 $0x380, v8  }
0x120: {  	v17 =	vld.idx.msk [tilespmem:v18+s16+$0x0], $0xffff;
	v18 =	vor.u32 $0x380, v7  }
0x121: {  	v5 =	vmul.f32 v11, v5;
	v11 =	vadd.s32 $0x2400, v8;
	v6 =	vadd.f32 v6, v10;
	v10 =	vld.idx.msk [tilespmem:v19+s17+$0x0], $0xffff  }
0x122: {  	v19 =	vadd.s32 $0x2400, v7;
	v14 =	vld.idx.msk [tilespmem:v14+s16+$0x0], $0xffff  }
0x123: {  	v5 =	vadd.f32 v5, v6;
	v6 =	vmul.f32 v12, v13;
	v12 =	vld.idx.msk [tilespmem:v20+s17+$0x0], $0xffff;
	v13 =	vadd.s32 $0x2480, v8  }
0x124: {  	v20 =	vadd.s32 $0x2480, v7;
	v16 =	vld.idx.msk [tilespmem:v16+s16+$0x0], $0xffff  }
0x125: {  	v5 =	vadd.f32 v6, v5;
	v6 =	vmul.f32 v9, v15;
	v9 =	vld.idx.msk [tilespmem:v18+s17+$0x0], $0xffff;
	v15 =	vadd.s32 $0x2500, v8  }
0x126: {  	v18 =	vadd.s32 $0x2500, v7;
	v11 =	vld.idx.msk [tilespmem:v11+s16+$0x0], $0xffff  }
0x127: {  	v5 =	vadd.f32 v6, v5;
	v6 =	vmul.f32 v10, v17;
	v10 =	vld.idx.msk [tilespmem:v19+s17+$0x0], $0xffff;
	v17 =	vadd.s32 $0x2580, v8  }
0x128: {  	v19 =	vadd.s32 $0x2580, v7;
	v13 =	vld.idx.msk [tilespmem:v13+s16+$0x0], $0xffff  }
0x129: {  	v5 =	vadd.f32 v6, v5;
	v6 =	vmul.f32 v12, v14;
	v12 =	vld.idx.msk [tilespmem:v20+s17+$0x0], $0xffff;
	v14 =	vadd.s32 $0x2600, v8  }
0x12a: {  	v20 =	vadd.s32 $0x2600, v7;
	v15 =	vld.idx.msk [tilespmem:v15+s16+$0x0], $0xffff  }
0x12b: {  	v5 =	vadd.f32 v6, v5;
	v6 =	vmul.f32 v9, v16;
	v16 =	vld.idx.msk [tilespmem:v18+s17+$0x0], $0xffff;
	v18 =	vadd.s32 $0x2680, v8  }
0x12c: {  	v21 =	vadd.s32 $0x2680, v7;
	v17 =	vld.idx.msk [tilespmem:v17+s16+$0x0], $0xffff  }
0x12d: {  	v9 =	vmul.f32 v10, v11;
	v6 =	vadd.f32 v6, v5;
	v10 =	vld.idx.msk [tilespmem:v19+s17+$0x0], $0xffff;
	v19 =	vadd.s32 $0x2700, v8  }
0x12e: {  	v22 =	vadd.s32 $0x2700, v7;
	v5 =	vld.idx.msk [tilespmem:v14+s16+$0x0], $0xffff  }
0x12f: {  	v11 =	vmul.f32 v12, v13;
	v6 =	vadd.f32 v9, v6;
	v9 =	vld.idx.msk [tilespmem:v20+s17+$0x0], $0xffff;
	v20 =	vadd.s32 $0x2780, v8  }
.Ltmp21:
0x130: {  	v12 =	vadd.s32 $0x2780, v7;
	v8 =	vld.idx.msk [tilespmem:v18+s16+$0x0], $0xffff;
	(pc) =	sbr.rel @!p0 .LBB2_28-.Ltmp21, $4  }
0x131: {  	v13 =	vmul.f32 v16, v15;
	v6 =	vadd.f32 v11, v6;
	v11 =	vld.idx.msk [tilespmem:v21+s17+$0x0], $0xffff  }
0x132: {  	v7 =	vld.idx.msk [tilespmem:v19+s16+$0x0], $0xffff  }
0x133: {  	v14 =	vmul.f32 v10, v17;
	v13 =	vadd.f32 v13, v6;
	v10 =	vld.idx.msk [tilespmem:v22+s17+$0x0], $0xffff  }
0x134: {  	s1 =	sadd.s32 $0x40, s1;
	v6 =	vld.idx.msk [tilespmem:v20+s16+$0x0], $0xffff  }
0x135: {  	_ =	sdelay $0x2  }
0x136: {  	v13 =	vadd.f32 v14, v13;
	v5 =	vmul.f32 v9, v5  }
0x137: {  	v51 =	vld.idx.msk [tilespmem:v12+s17+$0x0], $0xffff  }
0x138: {  	v2 =	vadd.s32 v2, v4;
	v8 =	vmul.f32 v11, v8;
	v5 =	vadd.f32 v5, v13  }
0x139: {  	v1 =	vadd.s32 v1, v3;
	v4 =	vshll.u32 v2, $0x3;
	v2 =	vand.u32 $0x7F, v2  }
0x13a: {  	v3 =	vand.u32 $0xFFFFFC00, v4;
	v7 =	vmul.f32 v10, v7;
	v5 =	vadd.f32 v8, v5  }
0x13b: {  	v2 =	vor.u32 v2, v3;
	v3 =	vshll.u32 v1, $0x3;
	v1 =	vand.u32 $0x7F, v1  }
0x13c: {  	v3 =	vand.u32 $0xFFFFFC00, v3;
	v53 =	vmul.f32 v51, v6;
	v52 =	vadd.f32 v7, v5  }
0x13d: {  	v1 =	vor.u32 v1, v3  }
0x13e: {  	v54 =	vor.u32 $0x80, v2;
	v3 =	vadd.f32 v53, v52  }
0x13f: {  	v55 =	vor.u32 $0x80, v1  }
0x140: {  	[tilespmem:s4+$0x16400] =	vst v3  }
0x141: {  	v57 =	vor.u32 $0x100, v1;
	v56 =	vld.idx.msk [tilespmem:v2+s16+$0x0], $0xffff  }
0x142: {  	v3 =	vor.u32 $0x100, v2;
	v58 =	vld.idx.msk [tilespmem:v1+s17+$0x0], $0xffff  }
0x143: {  	v59 =	vor.u32 $0x180, v2;
	v4 =	vld.idx.msk [tilespmem:v54+s16+$0x0], $0xffff  }
0x144: {  	v60 =	vor.u32 $0x180, v1;
	v5 =	vld.idx.msk [tilespmem:v55+s17+$0x0], $0xffff  }
0x145: {  	v61 =	vor.u32 $0x200, v2;
	v62 =	vld [tilespmem:s31+$0x16400]  }
0x146: {  	v63 =	vor.u32 $0x200, v1;
	v7 =	vld.idx.msk [tilespmem:v57+s17+$0x0], $0xffff  }
0x147: {  	v20 =	vor.u32 $0x280, v2;
	v3 =	vld.idx.msk [tilespmem:v3+s16+$0x0], $0xffff  }
0x148: {  	v15 =	vor.u32 $0x280, v1;
	v9 =	vld.idx.msk [tilespmem:v59+s16+$0x0], $0xffff;
	v6 =	vmul.f32 v58, v56  }
0x149: {  	v22 =	vor.u32 $0x300, v2;
	v21 =	vld.idx.msk [tilespmem:v60+s17+$0x0], $0xffff  }
0x14a: {  	v16 =	vor.u32 $0x300, v1;
	v11 =	vld.idx.msk [tilespmem:v61+s16+$0x0], $0xffff;
	v4 =	vmul.f32 v5, v4;
	v6 =	vadd.f32 v6, v62  }
0x14b: {  	v24 =	vor.u32 $0x380, v2;
	v23 =	vld.idx.msk [tilespmem:v63+s17+$0x0], $0xffff  }
0x14c: {  	v26 =	vor.u32 $0x380, v1;
	v25 =	vld.idx.msk [tilespmem:v20+s16+$0x0], $0xffff;
	v4 =	vadd.f32 v4, v6;
	v3 =	vmul.f32 v7, v3  }
0x14d: {  	v29 =	vadd.s32 $0x2400, v1;
	v27 =	vld.idx.msk [tilespmem:v15+s17+$0x0], $0xffff  }
0x14e: {  	v28 =	vadd.s32 $0x2400, v2;
	v10 =	vld.idx.msk [tilespmem:v22+s16+$0x0], $0xffff;
	v30 =	vmul.f32 v21, v9;
	v3 =	vadd.f32 v3, v4  }
0x14f: {  	v33 =	vadd.s32 $0x2480, v1;
	v31 =	vld.idx.msk [tilespmem:v16+s17+$0x0], $0xffff  }
0x150: {  	v32 =	vadd.s32 $0x2480, v2;
	v12 =	vld.idx.msk [tilespmem:v24+s16+$0x0], $0xffff;
	v34 =	vmul.f32 v23, v11;
	v3 =	vadd.f32 v30, v3  }
0x151: {  	v37 =	vadd.s32 $0x2500, v1;
	v35 =	vld.idx.msk [tilespmem:v26+s17+$0x0], $0xffff  }
0x152: {  	v36 =	vadd.s32 $0x2500, v2;
	v39 =	vld.idx.msk [tilespmem:v29+s17+$0x0], $0xffff;
	v38 =	vmul.f32 v27, v25;
	v3 =	vadd.f32 v34, v3  }
0x153: {  	v40 =	vadd.s32 $0x2580, v2;
	v7 =	vld.idx.msk [tilespmem:v28+s16+$0x0], $0xffff  }
0x154: {  	v41 =	vadd.s32 $0x2580, v1;
	v43 =	vld.idx.msk [tilespmem:v33+s17+$0x0], $0xffff;
	v42 =	vmul.f32 v31, v10;
	v3 =	vadd.f32 v38, v3  }
0x155: {  	v45 =	vadd.s32 $0x2600, v1;
	v9 =	vld.idx.msk [tilespmem:v32+s16+$0x0], $0xffff  }
0x156: {  	v44 =	vadd.s32 $0x2600, v2;
	v47 =	vld.idx.msk [tilespmem:v37+s17+$0x0], $0xffff;
	v46 =	vmul.f32 v35, v12;
	v3 =	vadd.f32 v42, v3  }
0x157: {  	v48 =	vadd.s32 $0x2680, v2;
	v11 =	vld.idx.msk [tilespmem:v36+s16+$0x0], $0xffff  }
0x158: {  	v49 =	vadd.s32 $0x2680, v1;
	v13 =	vld.idx.msk [tilespmem:v40+s16+$0x0], $0xffff;
	v50 =	vmul.f32 v39, v7;
	v3 =	vadd.f32 v46, v3  }
0x159: {  	v53 =	vadd.s32 $0x2700, v1;
	v51 =	vld.idx.msk [tilespmem:v41+s17+$0x0], $0xffff  }
0x15a: {  	v52 =	vadd.s32 $0x2700, v2;
	v55 =	vld.idx.msk [tilespmem:v45+s17+$0x0], $0xffff;
	v54 =	vmul.f32 v43, v9;
	v3 =	vadd.f32 v50, v3  }
0x15b: {  	v2 =	vadd.s32 $0x2780, v2;
	v10 =	vld.idx.msk [tilespmem:v44+s16+$0x0], $0xffff  }
0x15c: {  	v1 =	vadd.s32 $0x2780, v1;
	v56 =	vld.idx.msk [tilespmem:v48+s16+$0x0], $0xffff;
	v57 =	vmul.f32 v47, v11;
	v3 =	vadd.f32 v54, v3  }
0x15d: {  	v58 =	vld.idx.msk [tilespmem:v49+s17+$0x0], $0xffff  }
0x15e: {  	v60 =	vld.idx.msk [tilespmem:v53+s17+$0x0], $0xffff;
	v59 =	vmul.f32 v51, v13;
	v3 =	vadd.f32 v57, v3  }
0x15f: {  	v7 =	vld.idx.msk [tilespmem:v52+s16+$0x0], $0xffff  }
0x160: {  	v2 =	vld.idx.msk [tilespmem:v2+s16+$0x0], $0xffff;
	v61 =	vmul.f32 v55, v10;
	v3 =	vadd.f32 v59, v3  }
0x161: {  	v1 =	vld.idx.msk [tilespmem:v1+s17+$0x0], $0xffff  }
0x162: {  	v62 =	vmul.f32 v58, v56;
	v3 =	vadd.f32 v61, v3;
	_ =	sdelay $0x1  }
0x163: {  	v63 =	vmul.f32 v60, v7;
	v3 =	vadd.f32 v62, v3;
	_ =	sdelay $0x1  }
0x164: {  	v1 =	vmul.f32 v1, v2;
	v3 =	vadd.f32 v63, v3;
	_ =	sdelay $0x1  }
0x165: {  	v1 =	vadd.f32 v1, v3;
	_ =	sdelay $0x1  }
0x166: {  	[tilespmem:s31+$0x16400] =	vst v1  }
.LBB2_30:
0x167: {  	p0 =	seq.s32 s29, $0x0  }
.Ltmp22:
0x168: {  	_ = 	snop;
	(pc) =	sbr.rel @p0 .LBB2_39-.Ltmp22, $1  }
0x169: {  	_ =	sdelay $0x3  }
.LBB2_31:
0x16a: {  	s0 =	sshra.s32 s30, $0x2  }
0x16b: {  	v1 =	vld [tilespmem:s0+$0x0];
	_ =	sdelay $0x4  }
0x16c: {  	(v2sf) =	vpush v1, $0x3;
	_ =	sdelay $0xe  }
0x16d: {  	s0 =	spop (v2sf)  }
0x16e: {  	p0 =	seq.s32 s0, $0x0  }
.Ltmp23:
0x16f: {  	_ = 	snop;
	(pc) =	sbr.rel @p0 .LBB2_36-.Ltmp23, $1  }
0x170: {  	_ =	sdelay $0x3  }
0x171: {  	p0 =	sne.s32 s0, $0x1  }
.Ltmp24:
0x172: {  	_ = 	snop;
	(pc) =	sbr.rel @p0 .LBB2_39-.Ltmp24, $1  }
0x173: {  	_ =	sdelay $0x3  }
0x174: {  	_ =	swait.ge [sflag:s23], $0x400  }
0x175: {  	[sflag:s23] =	ssyncset.done $0x0  }
0x176: {  	[sflag:s23] =	ssyncadd.s32 $0xFFFFFC00  }
0x177: {  	_ =	swait.ge [sflag:s23], $0x400  }
0x178: {  	[sflag:s23] =	ssyncset.done $0x0  }
0x179: {  	s4 =	simm.s32 $0x0;
	[sflag:s23] =	ssyncadd.s32 $0xFFFFFC00  }
0x17a: {  	v2 =	vld [tilespmem:s4+$0x15C00];
	_ =	sdelay $0x5  }
0x17b: {  	s1 =	simm.s32 $0x10  }
0x17c: {  	v1 =	vld [tilespmem:s1+$0x15C00]  }
0x17d: {  	s29 =	simm.s32 $0x80;
	v2 =	vld.idx.msk [tilespmem:v2+s19+$0x0], $0xffff  }
.LBB2_34:
0x17e: {  	p0 =	sne.s32 s29, $0xFC0;
	v3 =	vld [tilespmem:s4+$0x16400];
	_ =	sdelay $0x2  }
0x17f: {  	v4 =	vmov v1  }
.Ltmp25:
0x180: {  	(pc) =	sbr.rel @p0 .LBB2_34-.Ltmp25, $4  }
0x181: {  	v2 =	vadd.f32 v2, v3  }
0x182: {  	s0 =	sshra.s32 s29, $0x2  }
0x183: {  	v1 =	vld [tilespmem:s0+$0x15C00];
	[tilespmem:s4+$0x16400] =	vst v2;
	s4 =	smov.u32 s1;
	s1 =	smov.u32 s0  }
0x184: {  	s29 =	sadd.s32 $0x40, s29;
	v2 =	vld.idx.msk [tilespmem:v4+s19+$0x0], $0xffff  }
0x185: {  	v3 =	vld [tilespmem:s4+$0x16400];
	_ =	sdelay $0x4  }
0x186: {  	v2 =	vadd.f32 v2, v3;
	_ =	sdelay $0x1  }
0x187: {  	[tilespmem:s4+$0x16400] =	vst v2  }
0x188: {  	v1 =	vld.idx.msk [tilespmem:v1+s19+$0x0], $0xffff  }
0x189: {  	v2 =	vld [tilespmem:s1+$0x16400];
	_ =	sdelay $0x2  }
.Ltmp26:
0x18a: {  	_ = 	snop;
	(pc) =	sbr.rel .LBB2_39-.Ltmp26, $3  }
0x18b: {  	_ = 	snop  }
0x18c: {  	v1 =	vadd.f32 v1, v2;
	_ =	sdelay $0x1  }
0x18d: {  	[tilespmem:s1+$0x16400] =	vst v1  }
.LBB2_36:
0x18e: {  	_ =	swait.ge [sflag:s23], $0x4800  }
0x18f: {  	[sflag:s23] =	ssyncset.done $0x0  }
0x190: {  	[sflag:s23] =	ssyncadd.s32 $0xFFFFB800  }
0x191: {  	_ =	swait.ge [sflag:s23], $0x4800  }
0x192: {  	[sflag:s23] =	ssyncset.done $0x0  }
0x193: {  	[sflag:s23] =	ssyncadd.s32 $0xFFFFB800  }
0x194: {  	_ =	swait.ge [sflag:s23], $0x400  }
0x195: {  	[sflag:s23] =	ssyncset.done $0x0  }
0x196: {  	[sflag:s23] =	ssyncadd.s32 $0xFFFFFC00  }
0x197: {  	_ =	swait.ge [sflag:s23], $0x400  }
0x198: {  	[sflag:s23] =	ssyncset.done $0x0  }
0x199: {  	s4 =	simm.s32 $0x0;
	[sflag:s23] =	ssyncadd.s32 $0xFFFFFC00  }
0x19a: {  	v3 =	vld [tilespmem:s4+$0x15C00];
	_ =	sdelay $0x1  }
0x19b: {  	v4 =	vld [tilespmem:s4+$0x16000]  }
0x19c: {  	v2 =	vbroadcast v1, $0x2;
	_ =	sdelay $0x1  }
0x19d: {  	v1 =	vbroadcast v1, $0x8;
	v3 =	vadd.s32 v2, v3  }
0x19e: {  	v5 =	vshll.u32 v3, $0x3  }
0x19f: {  	v4 =	vadd.s32 v1, v4;
	v3 =	vand.u32 $0x7F, v3;
	v5 =	vand.u32 $0xFFFFFC00, v5  }
0x1a0: {  	v6 =	vor.u32 v3, v5;
	v3 =	vshll.u32 v4, $0x3  }
0x1a1: {  	v4 =	vand.u32 $0x7F, v4;
	v5 =	vor.u32 $0x100, v6;
	v3 =	vand.u32 $0xFFFFFC00, v3  }
0x1a2: {  	s29 =	simm.s32 $0x10;
	v16 =	vld [tilespmem:s4+$0x16400];
	v12 =	vor.u32 v4, v3  }
0x1a3: {  	v7 =	vor.u32 $0x80, v6;
	v4 =	vld [tilespmem:s29+$0x15C00]  }
0x1a4: {  	v3 =	vld [tilespmem:s29+$0x16000];
	v8 =	vor.u32 $0x80, v12  }
0x1a5: {  	v13 =	vor.u32 $0x180, v6;
	v9 =	vld.idx.msk [tilespmem:v6+s20+$0x0], $0xffff  }
0x1a6: {  	v10 =	vor.u32 $0x100, v12;
	v5 =	vld.idx.msk [tilespmem:v5+s20+$0x0], $0xffff  }
0x1a7: {  	v57 =	vadd.s32 $0x2580, v6;
	v11 =	vld.idx.msk [tilespmem:v12+s21+$0x0], $0xffff  }
0x1a8: {  	v14 =	vor.u32 $0x180, v12;
	v7 =	vld.idx.msk [tilespmem:v7+s20+$0x0], $0xffff  }
0x1a9: {  	v15 =	vor.u32 $0x200, v6;
	v8 =	vld.idx.msk [tilespmem:v8+s21+$0x0], $0xffff  }
0x1aa: {  	v17 =	vor.u32 $0x200, v12;
	v13 =	vld.idx.msk [tilespmem:v13+s20+$0x0], $0xffff  }
0x1ab: {  	v19 =	vor.u32 $0x280, v12;
	v10 =	vld.idx.msk [tilespmem:v10+s21+$0x0], $0xffff  }
0x1ac: {  	v18 =	vor.u32 $0x280, v6;
	v61 =	vld.idx.msk [tilespmem:v57+s20+$0x0], $0xffff;
	v9 =	vmul.f32 v11, v9  }
0x1ad: {  	v20 =	vor.u32 $0x300, v6;
	v14 =	vld.idx.msk [tilespmem:v14+s21+$0x0], $0xffff  }
0x1ae: {  	v11 =	vld.idx.msk [tilespmem:v15+s20+$0x0], $0xffff;
	v15 =	vor.u32 $0x300, v12;
	v7 =	vmul.f32 v8, v7;
	v9 =	vadd.f32 v9, v16  }
0x1af: {  	v51 =	vor.u32 $0x380, v12;
	v17 =	vld.idx.msk [tilespmem:v17+s21+$0x0], $0xffff  }
0x1b0: {  	v21 =	vor.u32 $0x380, v6;
	v52 =	vld.idx.msk [tilespmem:v19+s21+$0x0], $0xffff;
	v5 =	vmul.f32 v10, v5;
	v7 =	vadd.f32 v7, v9  }
0x1b1: {  	v8 =	vld.idx.msk [tilespmem:v18+s20+$0x0], $0xffff;
	v10 =	vadd.s32 $0x2400, v12  }
0x1b2: {  	v53 =	vadd.s32 $0x2400, v6;
	v9 =	vld.idx.msk [tilespmem:v20+s20+$0x0], $0xffff;
	v5 =	vadd.f32 v5, v7;
	v7 =	vmul.f32 v14, v13  }
0x1b3: {  	v54 =	vadd.s32 $0x2480, v6;
	v15 =	vld.idx.msk [tilespmem:v15+s21+$0x0], $0xffff  }
0x1b4: {  	v16 =	vld.idx.msk [tilespmem:v51+s21+$0x0], $0xffff;
	v14 =	vadd.s32 $0x2480, v12;
	v5 =	vadd.f32 v7, v5;
	v7 =	vmul.f32 v17, v11  }
0x1b5: {  	v55 =	vadd.s32 $0x2500, v6;
	v56 =	vadd.s32 $0x2500, v12;
	v13 =	vld.idx.msk [tilespmem:v21+s20+$0x0], $0xffff  }
0x1b6: {  	v59 =	vadd.s32 $0x2600, v6;
	v10 =	vld.idx.msk [tilespmem:v10+s21+$0x0], $0xffff;
	v5 =	vadd.f32 v7, v5;
	v7 =	vmul.f32 v52, v8  }
0x1b7: {  	v60 =	vadd.s32 $0x2680, v6;
	v62 =	vadd.s32 $0x2700, v6;
	v6 =	vadd.s32 $0x2780, v6;
	v11 =	vld.idx.msk [tilespmem:v53+s20+$0x0], $0xffff  }
0x1b8: {  	v58 =	vadd.s32 $0x2580, v12;
	v8 =	vld.idx.msk [tilespmem:v54+s20+$0x0], $0xffff;
	v5 =	vadd.f32 v7, v5;
	v7 =	vmul.f32 v15, v9  }
0x1b9: {  	v14 =	vld.idx.msk [tilespmem:v14+s21+$0x0], $0xffff  }
0x1ba: {  	v17 =	vld.idx.msk [tilespmem:v56+s21+$0x0], $0xffff;
	v9 =	vadd.s32 $0x2600, v12;
	v5 =	vadd.f32 v7, v5;
	v7 =	vmul.f32 v16, v13  }
0x1bb: {  	v15 =	vld.idx.msk [tilespmem:v55+s20+$0x0], $0xffff;
	v13 =	vadd.s32 $0x2680, v12  }
0x1bc: {  	v6 =	vld.idx.msk [tilespmem:v6+s20+$0x0], $0xffff;
	v10 =	vmul.f32 v10, v11;
	v7 =	vadd.f32 v7, v5  }
0x1bd: {  	v18 =	vld.idx.msk [tilespmem:v58+s21+$0x0], $0xffff  }
0x1be: {  	v63 =	vadd.s32 $0x2700, v12;
	v5 =	vld.idx.msk [tilespmem:v59+s20+$0x0], $0xffff;
	v7 =	vadd.f32 v10, v7;
	v10 =	vmul.f32 v14, v8  }
0x1bf: {  	v12 =	vadd.s32 $0x2780, v12;
	v9 =	vld.idx.msk [tilespmem:v9+s21+$0x0], $0xffff  }
0x1c0: {  	v14 =	vmul.f32 v17, v15;
	v11 =	vld.idx.msk [tilespmem:v13+s21+$0x0], $0xffff;
	v13 =	vadd.f32 v10, v7  }
0x1c1: {  	v8 =	vld.idx.msk [tilespmem:v60+s20+$0x0], $0xffff  }
0x1c2: {  	v7 =	vld.idx.msk [tilespmem:v62+s20+$0x0], $0xffff;
	v13 =	vadd.f32 v14, v13;
	v14 =	vmul.f32 v18, v61  }
0x1c3: {  	s1 =	simm.s32 $0x80;
	v10 =	vld.idx.msk [tilespmem:v63+s21+$0x0], $0xffff  }
.LBB2_37:
0x1c4: {  	p0 =	seq.s32 s1, $0xFC0;
	v13 =	vadd.f32 v14, v13;
	v5 =	vmul.f32 v9, v5;
	v9 =	vld.idx.msk [tilespmem:v12+s21+$0x0], $0xffff;
	_ =	sdelay $0x1  }
0x1c5: {  	v4 =	vadd.s32 v2, v4;
	v8 =	vmul.f32 v11, v8;
	v5 =	vadd.f32 v5, v13  }
0x1c6: {  	v3 =	vadd.s32 v1, v3;
	v11 =	vand.u32 $0x7F, v4;
	v4 =	vshll.u32 v4, $0x3  }
0x1c7: {  	v4 =	vand.u32 $0xFFFFFC00, v4;
	v7 =	vmul.f32 v10, v7;
	v5 =	vadd.f32 v8, v5  }
0x1c8: {  	v8 =	vor.u32 v11, v4;
	v4 =	vshll.u32 v3, $0x3  }
0x1c9: {  	v10 =	vor.u32 $0x100, v8;
	v6 =	vmul.f32 v9, v6;
	v5 =	vadd.f32 v7, v5  }
0x1ca: {  	v3 =	vand.u32 $0x7F, v3;
	v4 =	vand.u32 $0xFFFFFC00, v4  }
0x1cb: {  	s0 =	sshra.s32 s1, $0x2;
	v7 =	vor.u32 v3, v4;
	v5 =	vadd.f32 v6, v5  }
0x1cc: {  	v6 =	vor.u32 $0x80, v8;
	v4 =	vld [tilespmem:s0+$0x15C00]  }
0x1cd: {  	v9 =	vor.u32 $0x80, v7;
	v3 =	vld [tilespmem:s0+$0x16000];
	[tilespmem:s4+$0x16400] =	vst v5;
	s4 =	smov.u32 s29;
	s29 =	smov.u32 s0  }
0x1ce: {  	v5 =	vld.idx.msk [tilespmem:v10+s20+$0x0], $0xffff  }
0x1cf: {  	v11 =	vor.u32 $0x100, v7;
	v10 =	vld.idx.msk [tilespmem:v8+s20+$0x0], $0xffff  }
0x1d0: {  	v13 =	vor.u32 $0x180, v8;
	v12 =	vld.idx.msk [tilespmem:v7+s21+$0x0], $0xffff  }
0x1d1: {  	v14 =	vor.u32 $0x180, v7;
	v6 =	vld.idx.msk [tilespmem:v6+s20+$0x0], $0xffff  }
0x1d2: {  	v15 =	vor.u32 $0x200, v8;
	v9 =	vld.idx.msk [tilespmem:v9+s21+$0x0], $0xffff  }
0x1d3: {  	v17 =	vor.u32 $0x200, v7;
	v16 =	vld [tilespmem:s4+$0x16400]  }
0x1d4: {  	v18 =	vor.u32 $0x280, v8;
	v11 =	vld.idx.msk [tilespmem:v11+s21+$0x0], $0xffff  }
0x1d5: {  	v19 =	vor.u32 $0x280, v7;
	v13 =	vld.idx.msk [tilespmem:v13+s20+$0x0], $0xffff  }
0x1d6: {  	v10 =	vmul.f32 v12, v10;
	v12 =	vld.idx.msk [tilespmem:v14+s21+$0x0], $0xffff;
	v14 =	vor.u32 $0x300, v8  }
0x1d7: {  	v20 =	vor.u32 $0x300, v7;
	v15 =	vld.idx.msk [tilespmem:v15+s20+$0x0], $0xffff  }
0x1d8: {  	v6 =	vmul.f32 v9, v6;
	v10 =	vadd.f32 v10, v16;
	v9 =	vld.idx.msk [tilespmem:v17+s21+$0x0], $0xffff;
	v16 =	vor.u32 $0x380, v8  }
0x1d9: {  	v17 =	vld.idx.msk [tilespmem:v18+s20+$0x0], $0xffff;
	v18 =	vor.u32 $0x380, v7  }
0x1da: {  	v5 =	vmul.f32 v11, v5;
	v11 =	vadd.s32 $0x2400, v8;
	v6 =	vadd.f32 v6, v10;
	v10 =	vld.idx.msk [tilespmem:v19+s21+$0x0], $0xffff  }
0x1db: {  	v19 =	vadd.s32 $0x2400, v7;
	v14 =	vld.idx.msk [tilespmem:v14+s20+$0x0], $0xffff  }
0x1dc: {  	v5 =	vadd.f32 v5, v6;
	v6 =	vmul.f32 v12, v13;
	v12 =	vld.idx.msk [tilespmem:v20+s21+$0x0], $0xffff;
	v13 =	vadd.s32 $0x2480, v8  }
0x1dd: {  	v20 =	vadd.s32 $0x2480, v7;
	v16 =	vld.idx.msk [tilespmem:v16+s20+$0x0], $0xffff  }
0x1de: {  	v5 =	vadd.f32 v6, v5;
	v6 =	vmul.f32 v9, v15;
	v9 =	vld.idx.msk [tilespmem:v18+s21+$0x0], $0xffff;
	v15 =	vadd.s32 $0x2500, v8  }
0x1df: {  	v18 =	vadd.s32 $0x2500, v7;
	v11 =	vld.idx.msk [tilespmem:v11+s20+$0x0], $0xffff  }
0x1e0: {  	v5 =	vadd.f32 v6, v5;
	v6 =	vmul.f32 v10, v17;
	v10 =	vld.idx.msk [tilespmem:v19+s21+$0x0], $0xffff;
	v17 =	vadd.s32 $0x2580, v8  }
0x1e1: {  	v19 =	vadd.s32 $0x2580, v7;
	v13 =	vld.idx.msk [tilespmem:v13+s20+$0x0], $0xffff  }
0x1e2: {  	v5 =	vadd.f32 v6, v5;
	v6 =	vmul.f32 v12, v14;
	v12 =	vld.idx.msk [tilespmem:v20+s21+$0x0], $0xffff;
	v14 =	vadd.s32 $0x2600, v8  }
0x1e3: {  	v20 =	vadd.s32 $0x2600, v7;
	v15 =	vld.idx.msk [tilespmem:v15+s20+$0x0], $0xffff  }
0x1e4: {  	v5 =	vadd.f32 v6, v5;
	v6 =	vmul.f32 v9, v16;
	v16 =	vld.idx.msk [tilespmem:v18+s21+$0x0], $0xffff;
	v18 =	vadd.s32 $0x2680, v8  }
0x1e5: {  	v21 =	vadd.s32 $0x2680, v7;
	v17 =	vld.idx.msk [tilespmem:v17+s20+$0x0], $0xffff  }
0x1e6: {  	v9 =	vmul.f32 v10, v11;
	v6 =	vadd.f32 v6, v5;
	v10 =	vld.idx.msk [tilespmem:v19+s21+$0x0], $0xffff;
	v19 =	vadd.s32 $0x2700, v8  }
0x1e7: {  	v22 =	vadd.s32 $0x2700, v7;
	v5 =	vld.idx.msk [tilespmem:v14+s20+$0x0], $0xffff  }
0x1e8: {  	v11 =	vmul.f32 v12, v13;
	v6 =	vadd.f32 v9, v6;
	v9 =	vld.idx.msk [tilespmem:v20+s21+$0x0], $0xffff;
	v20 =	vadd.s32 $0x2780, v8  }
.Ltmp27:
0x1e9: {  	v12 =	vadd.s32 $0x2780, v7;
	v8 =	vld.idx.msk [tilespmem:v18+s20+$0x0], $0xffff;
	(pc) =	sbr.rel @!p0 .LBB2_37-.Ltmp27, $4  }
0x1ea: {  	v13 =	vmul.f32 v16, v15;
	v6 =	vadd.f32 v11, v6;
	v11 =	vld.idx.msk [tilespmem:v21+s21+$0x0], $0xffff  }
0x1eb: {  	v7 =	vld.idx.msk [tilespmem:v19+s20+$0x0], $0xffff  }
0x1ec: {  	v14 =	vmul.f32 v10, v17;
	v13 =	vadd.f32 v13, v6;
	v10 =	vld.idx.msk [tilespmem:v22+s21+$0x0], $0xffff  }
0x1ed: {  	s1 =	sadd.s32 $0x40, s1;
	v6 =	vld.idx.msk [tilespmem:v20+s20+$0x0], $0xffff  }
0x1ee: {  	_ =	sdelay $0x2  }
0x1ef: {  	v13 =	vadd.f32 v14, v13;
	v5 =	vmul.f32 v9, v5  }
0x1f0: {  	v51 =	vld.idx.msk [tilespmem:v12+s21+$0x0], $0xffff  }
0x1f1: {  	v2 =	vadd.s32 v2, v4;
	v8 =	vmul.f32 v11, v8;
	v5 =	vadd.f32 v5, v13  }
0x1f2: {  	v1 =	vadd.s32 v1, v3;
	v4 =	vshll.u32 v2, $0x3;
	v2 =	vand.u32 $0x7F, v2  }
0x1f3: {  	v3 =	vand.u32 $0xFFFFFC00, v4;
	v7 =	vmul.f32 v10, v7;
	v5 =	vadd.f32 v8, v5  }
0x1f4: {  	v2 =	vor.u32 v2, v3;
	v3 =	vshll.u32 v1, $0x3;
	v1 =	vand.u32 $0x7F, v1  }
0x1f5: {  	v3 =	vand.u32 $0xFFFFFC00, v3;
	v53 =	vmul.f32 v51, v6;
	v52 =	vadd.f32 v7, v5  }
0x1f6: {  	v1 =	vor.u32 v1, v3  }
0x1f7: {  	v54 =	vor.u32 $0x80, v2;
	v3 =	vadd.f32 v53, v52  }
0x1f8: {  	v55 =	vor.u32 $0x80, v1  }
0x1f9: {  	[tilespmem:s4+$0x16400] =	vst v3  }
0x1fa: {  	v57 =	vor.u32 $0x100, v1;
	v56 =	vld.idx.msk [tilespmem:v2+s20+$0x0], $0xffff  }
0x1fb: {  	v3 =	vor.u32 $0x100, v2;
	v58 =	vld.idx.msk [tilespmem:v1+s21+$0x0], $0xffff  }
0x1fc: {  	v59 =	vor.u32 $0x180, v2;
	v4 =	vld.idx.msk [tilespmem:v54+s20+$0x0], $0xffff  }
0x1fd: {  	v60 =	vor.u32 $0x180, v1;
	v5 =	vld.idx.msk [tilespmem:v55+s21+$0x0], $0xffff  }
0x1fe: {  	v61 =	vor.u32 $0x200, v2;
	v62 =	vld [tilespmem:s29+$0x16400]  }
0x1ff: {  	v63 =	vor.u32 $0x200, v1;
	v7 =	vld.idx.msk [tilespmem:v57+s21+$0x0], $0xffff  }
0x200: {  	v20 =	vor.u32 $0x280, v2;
	v3 =	vld.idx.msk [tilespmem:v3+s20+$0x0], $0xffff  }
0x201: {  	v15 =	vor.u32 $0x280, v1;
	v9 =	vld.idx.msk [tilespmem:v59+s20+$0x0], $0xffff;
	v6 =	vmul.f32 v58, v56  }
0x202: {  	v22 =	vor.u32 $0x300, v2;
	v21 =	vld.idx.msk [tilespmem:v60+s21+$0x0], $0xffff  }
0x203: {  	v16 =	vor.u32 $0x300, v1;
	v11 =	vld.idx.msk [tilespmem:v61+s20+$0x0], $0xffff;
	v4 =	vmul.f32 v5, v4;
	v6 =	vadd.f32 v6, v62  }
0x204: {  	v24 =	vor.u32 $0x380, v2;
	v23 =	vld.idx.msk [tilespmem:v63+s21+$0x0], $0xffff  }
0x205: {  	v26 =	vor.u32 $0x380, v1;
	v25 =	vld.idx.msk [tilespmem:v20+s20+$0x0], $0xffff;
	v4 =	vadd.f32 v4, v6;
	v3 =	vmul.f32 v7, v3  }
0x206: {  	v29 =	vadd.s32 $0x2400, v1;
	v27 =	vld.idx.msk [tilespmem:v15+s21+$0x0], $0xffff  }
0x207: {  	v28 =	vadd.s32 $0x2400, v2;
	v10 =	vld.idx.msk [tilespmem:v22+s20+$0x0], $0xffff;
	v30 =	vmul.f32 v21, v9;
	v3 =	vadd.f32 v3, v4  }
0x208: {  	v33 =	vadd.s32 $0x2480, v1;
	v31 =	vld.idx.msk [tilespmem:v16+s21+$0x0], $0xffff  }
0x209: {  	v32 =	vadd.s32 $0x2480, v2;
	v12 =	vld.idx.msk [tilespmem:v24+s20+$0x0], $0xffff;
	v34 =	vmul.f32 v23, v11;
	v3 =	vadd.f32 v30, v3  }
0x20a: {  	v37 =	vadd.s32 $0x2500, v1;
	v35 =	vld.idx.msk [tilespmem:v26+s21+$0x0], $0xffff  }
0x20b: {  	v36 =	vadd.s32 $0x2500, v2;
	v39 =	vld.idx.msk [tilespmem:v29+s21+$0x0], $0xffff;
	v38 =	vmul.f32 v27, v25;
	v3 =	vadd.f32 v34, v3  }
0x20c: {  	v40 =	vadd.s32 $0x2580, v2;
	v7 =	vld.idx.msk [tilespmem:v28+s20+$0x0], $0xffff  }
0x20d: {  	v41 =	vadd.s32 $0x2580, v1;
	v43 =	vld.idx.msk [tilespmem:v33+s21+$0x0], $0xffff;
	v42 =	vmul.f32 v31, v10;
	v3 =	vadd.f32 v38, v3  }
0x20e: {  	v45 =	vadd.s32 $0x2600, v1;
	v9 =	vld.idx.msk [tilespmem:v32+s20+$0x0], $0xffff  }
0x20f: {  	v44 =	vadd.s32 $0x2600, v2;
	v47 =	vld.idx.msk [tilespmem:v37+s21+$0x0], $0xffff;
	v46 =	vmul.f32 v35, v12;
	v3 =	vadd.f32 v42, v3  }
0x210: {  	v48 =	vadd.s32 $0x2680, v2;
	v11 =	vld.idx.msk [tilespmem:v36+s20+$0x0], $0xffff  }
0x211: {  	v49 =	vadd.s32 $0x2680, v1;
	v13 =	vld.idx.msk [tilespmem:v40+s20+$0x0], $0xffff;
	v50 =	vmul.f32 v39, v7;
	v3 =	vadd.f32 v46, v3  }
0x212: {  	v53 =	vadd.s32 $0x2700, v1;
	v51 =	vld.idx.msk [tilespmem:v41+s21+$0x0], $0xffff  }
0x213: {  	v52 =	vadd.s32 $0x2700, v2;
	v55 =	vld.idx.msk [tilespmem:v45+s21+$0x0], $0xffff;
	v54 =	vmul.f32 v43, v9;
	v3 =	vadd.f32 v50, v3  }
0x214: {  	v2 =	vadd.s32 $0x2780, v2;
	v10 =	vld.idx.msk [tilespmem:v44+s20+$0x0], $0xffff  }
0x215: {  	v1 =	vadd.s32 $0x2780, v1;
	v56 =	vld.idx.msk [tilespmem:v48+s20+$0x0], $0xffff;
	v57 =	vmul.f32 v47, v11;
	v3 =	vadd.f32 v54, v3  }
0x216: {  	v58 =	vld.idx.msk [tilespmem:v49+s21+$0x0], $0xffff  }
0x217: {  	v60 =	vld.idx.msk [tilespmem:v53+s21+$0x0], $0xffff;
	v59 =	vmul.f32 v51, v13;
	v3 =	vadd.f32 v57, v3  }
0x218: {  	v7 =	vld.idx.msk [tilespmem:v52+s20+$0x0], $0xffff  }
0x219: {  	v2 =	vld.idx.msk [tilespmem:v2+s20+$0x0], $0xffff;
	v61 =	vmul.f32 v55, v10;
	v3 =	vadd.f32 v59, v3  }
0x21a: {  	v1 =	vld.idx.msk [tilespmem:v1+s21+$0x0], $0xffff  }
0x21b: {  	v62 =	vmul.f32 v58, v56;
	v3 =	vadd.f32 v61, v3;
	_ =	sdelay $0x1  }
0x21c: {  	v63 =	vmul.f32 v60, v7;
	v3 =	vadd.f32 v62, v3;
	_ =	sdelay $0x1  }
.Ltmp28:
0x21d: {  	v1 =	vmul.f32 v1, v2;
	v3 =	vadd.f32 v63, v3;
	(pc) =	sbr.rel .LBB2_39-.Ltmp28, $3  }
0x21e: {  	_ = 	snop  }
0x21f: {  	v1 =	vadd.f32 v1, v3;
	_ =	sdelay $0x1  }
0x220: {  	[tilespmem:s29+$0x16400] =	vst v1  }
.LBB2_41:
0x221: {  	_ =	sfence.sel $0x180000  }
0x222: {  	[bflag:$0x0] =	sbarrier.arrive $0xFFFF  }
0x223: {  	_ =	strace $0x90000047  }
0x224: {  	s0 =	stileid.u32;
	[bflag:$0x2] =	sbarrier.arrive $0xFFFF  }
0x225: {  	p0 =	sne.s32 s0, $0x0;
	s0 =	rddreg [dreg:$0x5]  }
0x226: {  	s0 =	sadd.s32 @!p0 $0x100000, s0  }
0x227: {  	[sflag:s0] =	ssyncadd.tile.s32 @!p0 $0x1;
	_ =	shalt  }
.Lfunc_end2:
_tile_overlayer_lowered:
.L_overlay_start_2:
0x228: {  	(tag) =	ssettag $0x2  }
0x229: {  	s0 =	rddreg [dreg:$0x0];
	s2 =	stileid.u32  }
0x22a: {  	s1 =	rddreg [dreg:$0x1];
	p0 =	sne.s32 s2, $0x0  }
0x22b: {  	s3 =	rddreg [dreg:$0x2];
	[bflag:$0x3] =	sbarrier.arrive $0xFFFF;
	s2 =	simm.s32 @!p0 $0x1C03  }
0x22c: {  	[timem:s3], [sflag:s2] =	dma.local @!p0 [hbm:s0], s1  }
0x22d: {  	s0 =	simm.s32 @!p0 $0x3  }
0x22e: {  	_ =	swait.ge @!p0 [sflag:s0], s1  }
0x22f: {  	s1 =	ssub.s32 @!p0 $0x0, s1;
	[sflag:s0] =	ssyncset.done @!p0 $0x0  }
0x230: {  	[sflag:s0] =	ssyncadd.s32 @!p0 s1  }
0x231: {  	[bflag:$0x3] =	sbarrier.arrive $0xFFFF  }
0x232: {  	_ =	shalt  }

// kernel: _ffm_sc.7.cloned.1.call-start
scs
__scs_entry_jumppad:
0x0: {  	(pc) =	sbr.rel $0x88, $3  }
0x1: {  	(tag) =	ssettag $0x0;
	lr =	simm.s32 $0x1  }
0x2: {  	[smem:$0x3F9C] =	sst lr;
	_ =	strace $0xD0000000  }
0x3: {  	_ = 	snop  }
0x4: {  	_ = 	snop  }
0x5: {  	_ = 	snop  }
0x6: {  	_ = 	snop  }
0x7: {  	_ = 	snop  }
__scs_overlays_trampoline_lowered:
0x8: {  	[smem:$0x3FAB] =	sst s0  }
0x9: {  	[smem:$0x3FAC] =	sst s1  }
0xa: {  	[smem:$0x3FAD] =	sst s2  }
0xb: {  	[smem:$0x3FAE] =	sst s3  }
0xc: {  	[smem:$0x3FAF] =	sst s4  }
0xd: {  	[smem:$0x3FB0] =	sst s5  }
0xe: {  	[smem:$0x3FB1] =	sst s6  }
0xf: {  	[smem:$0x3FB2] =	sst s7  }
0x10: {  	[smem:$0x3FB3] =	sst s8  }
0x11: {  	[smem:$0x3FB4] =	sst s9;
	s0 =	simm.s32 @!p0 $0x0  }
0x12: {  	s1 =	sld [smem:$0x3F9A];
	s0 =	simm.s32 @p0 $0x1  }
0x13: {  	[smem:$0x3FB5] =	sst s0;
	s0 =	simm.s32 @!p1 $0x0  }
0x14: {  	s2 =	sld [smem:$0x3F99];
	s0 =	simm.s32 @p1 $0x1  }
0x15: {  	[smem:$0x3FB6] =	sst s0;
	s0 =	simm.s32 @!p2 $0x0  }
0x16: {  	s3 =	sld [smem:$0x3FDB];
	s0 =	simm.s32 @p2 $0x1  }
0x17: {  	s4 =	simm.s32 $0x1BF5;
	[smem:$0x3FB8] =	sst s0  }
0x18: {  	s0 =	sld [smem:$0x3F9B];
	_ =	swait.ge [sflag:s4], $0x0  }
0x19: {  	s7 =	sld [smem:$0x3F9C]  }
0x1a: {  	s8 =	sadd.s32 $0xFFFFE003, lr  }
0x1b: {  	s9 =	sadd.s32 $0xFFFFFEF7, lr;
	s5 =	simm.s32 $0xFFFFFFFF;
	p2 =	slt.u32 s8, $0xFFFFF086  }
0x1c: {  	p1 =	slt.u32 s9, $0xF7A;
	s5 =	simm.s32 @!p2 $0x0  }
0x1d: {  	s5 =	simm.s32 @p1 $0x1;
	p0 =	seq.s32 s7, s2  }
0x1e: {  	s7 =	smul.u32 @!p0 $0xF7A, s2;
	p2 =	seq.s32 @!p0 s5, $0x0  }
0x1f: {  	s9 =	smul.u32 $0xF7A, s1;
	s8 =	simm.s32 @!p0 $0x1BF5;
	p2 =	por !p2, p0  }
0x20: {  	[sflag:s8] =	ssyncset.s32 @!p0 $0xFFFFF086;
	s6 =	sadd.s32 @!p0 s3, s7;
	s7 =	simm.s32 @!p0 $0x108  }
0x21: {  	s3 =	sadd.s32 s3, s9;
	s6 =	sadd.s32 @!p0 $0x88, s6;
	s7 =	simm.s32 @p2 $0x1082  }
0x22: {  	[simem:s7], [sflag:s8] =	dma.local @!p0 [hbm:s6], $0xF7A  }
0x23: {  	s9 =	sor.u32 $0xD0000000, s2;
	s6 =	simm.s32 $0x108;
	_ =	swait.ge @!p0 [sflag:s8], $0x0  }
0x24: {  	s3 =	sadd.s32 $0x88, s3;
	s6 =	simm.s32 @!p1 $0x1082;
	[sflag:s4] =	ssyncset.s32 $0xFFFFF086  }
0x25: {  	[simem:s6], [sflag:s4] =	dma.local [hbm:s3], $0xF7A  }
0x26: {  	[smem:$0x3F9C] =	sst s1;
	(tag) =	ssettag s2;
	_ =	strace s9  }
0x27: {  	s1 =	sld [smem:$0x3FAC]  }
0x28: {  	s2 =	sld [smem:$0x3FAD]  }
0x29: {  	s4 =	sld [smem:$0x3FAF]  }
0x2a: {  	p0 =	seq.s32 s5, $0x0;
	s5 =	sld [smem:$0x3FB0]  }
0x2b: {  	s6 =	sld [smem:$0x3FB1]  }
0x2c: {  	s7 =	sld [smem:$0x3FB2]  }
0x2d: {  	s3 =	simm.s32 $0x108;
	s8 =	sld [smem:$0x3FB3]  }
0x2e: {  	s3 =	simm.s32 @!p0 $0x1082;
	s9 =	sld [smem:$0x3FB4]  }
0x2f: {  	lr =	sadd.s32 s0, s3;
	s0 =	sld [smem:$0x3FAB]  }
0x30: {  	s3 =	sld [smem:$0x3FAE]  }
0x31: {  	[smem:$0x3FB7] =	sst s10  }
0x32: {  	s10 =	sld [smem:$0x3FB5];
	_ =	sdelay $0x3  }
0x33: {  	p0 =	seq.s32 s10, $0x1;
	s10 =	sld [smem:$0x3FB7];
	_ =	sdelay $0x3  }
0x34: {  	[smem:$0x3FB7] =	sst s10  }
0x35: {  	s10 =	sld [smem:$0x3FB6];
	_ =	sdelay $0x3  }
0x36: {  	p1 =	seq.s32 s10, $0x1;
	s10 =	sld [smem:$0x3FB7];
	_ =	sdelay $0x3  }
0x37: {  	[smem:$0x3FB7] =	sst s10  }
0x38: {  	s10 =	sld [smem:$0x3FB8]  }
0x39: {  	_ = 	snop;
	(pc) =	sbr.ind lr, $3  }
0x3a: {  	_ = 	snop  }
0x3b: {  	_ = 	snop  }
0x3c: {  	p2 =	seq.s32 s10, $0x1;
	s10 =	sld [smem:$0x3FB7]  }
0x3d: {  	_ =	shalt  }
0x3e: {  	_ =	shalt  }
0x3f: {  	_ =	shalt  }
0x40: {  	_ =	shalt  }
0x41: {  	_ =	shalt  }
0x42: {  	_ =	shalt  }
0x43: {  	_ =	shalt  }
0x44: {  	_ =	shalt  }
0x45: {  	_ =	shalt  }
0x46: {  	_ =	shalt  }
0x47: {  	_ =	shalt  }
0x48: {  	_ =	shalt  }
0x49: {  	_ =	shalt  }
0x4a: {  	_ =	shalt  }
0x4b: {  	_ =	shalt  }
0x4c: {  	_ =	shalt  }
0x4d: {  	_ =	shalt  }
0x4e: {  	_ =	shalt  }
0x4f: {  	_ =	shalt  }
0x50: {  	_ =	shalt  }
0x51: {  	_ =	shalt  }
0x52: {  	_ =	shalt  }
0x53: {  	_ =	shalt  }
0x54: {  	_ =	shalt  }
0x55: {  	_ =	shalt  }
0x56: {  	_ =	shalt  }
0x57: {  	_ =	shalt  }
0x58: {  	_ =	shalt  }
0x59: {  	_ =	shalt  }
0x5a: {  	_ =	shalt  }
0x5b: {  	_ =	shalt  }
0x5c: {  	_ =	shalt  }
0x5d: {  	_ =	shalt  }
0x5e: {  	_ =	shalt  }
0x5f: {  	_ =	shalt  }
0x60: {  	_ =	shalt  }
0x61: {  	_ =	shalt  }
0x62: {  	_ =	shalt  }
0x63: {  	_ =	shalt  }
0x64: {  	_ =	shalt  }
0x65: {  	_ =	shalt  }
0x66: {  	_ =	shalt  }
0x67: {  	_ =	shalt  }
0x68: {  	_ =	shalt  }
0x69: {  	_ =	shalt  }
0x6a: {  	_ =	shalt  }
0x6b: {  	_ =	shalt  }
0x6c: {  	_ =	shalt  }
0x6d: {  	_ =	shalt  }
0x6e: {  	_ =	shalt  }
0x6f: {  	_ =	shalt  }
0x70: {  	_ =	shalt  }
0x71: {  	_ =	shalt  }
0x72: {  	_ =	shalt  }
0x73: {  	_ =	shalt  }
0x74: {  	_ =	shalt  }
0x75: {  	_ =	shalt  }
0x76: {  	_ =	shalt  }
0x77: {  	_ =	shalt  }
0x78: {  	_ =	shalt  }
0x79: {  	_ =	shalt  }
0x7a: {  	_ =	shalt  }
0x7b: {  	_ =	shalt  }
0x7c: {  	_ =	shalt  }
0x7d: {  	_ =	shalt  }
0x7e: {  	_ =	shalt  }
0x7f: {  	_ =	shalt  }
0x80: {  	_ =	shalt  }
0x81: {  	_ =	shalt  }
0x82: {  	_ =	shalt  }
0x83: {  	_ =	shalt  }
0x84: {  	_ =	shalt  }
0x85: {  	_ =	shalt  }
0x86: {  	_ =	shalt  }
0x87: {  	_ =	shalt  }
.Lfunc_end0:
.L_simem_size_0:
called_computation.1_lowered:
.L_overlay_start_0:
0x88: {  	s2 =	sld [smem:$0x3FD9]  }
0x89: {  	s3 =	sld [smem:$0x3FFE];
	_ =	sdelay $0x1  }
0x8a: {  	s1 =	srdreg.scid  }
0x8b: {  	s0 =	sand.u32 $0x1, s1  }
0x8c: {  	s17 =	sshll.u32 s0, $0xA;
	s2 =	sadd.s32 s3, s2  }
0x8d: {  	s2 =	sadd.s32 s2, s17  }
0x8e: {  	[smem:$0x3FC3] =	sst s2  }
0x8f: {  	_ = 	snop  }
0x90: {  	s2 =	sld [smem:$0x3FC6];
	(tm) =	ssettm $0x1  }
0x91: {  	s18 =	sld [smem:$0x3FFB];
	_ =	sdelay $0x3  }
0x92: {  	_ =	strace s18  }
0x93: {  	s3 =	sld [smem:$0x3FFC];
	_ =	sdelay $0x3  }
0x94: {  	_ =	strace s3  }
0x95: {  	s3 =	sld [smem:$0x3FFD];
	_ =	sdelay $0x3  }
0x96: {  	_ =	strace s3  }
0x97: {  	_ =	strace $0x8FFFFFFF  }
0x98: {  	s19 =	sld [smem:$0x3FDB];
	_ =	sdelay $0x1  }
0x99: {  	s4 =	simm.s32 $_scs_section_size  }
0x9a: {  	s5 =	simm.s32 $_size__tile_overlayer_lowered;
	s6 =	simm.s32 $_tile_overlayer_lowered  }
0x9b: {  	s22 =	simm.s32 $0x1BFF;
	s21 =	sshll.u32 s6, $0x1;
	s3 =	sadd.s32 s4, s19  }
0x9c: {  	s7 =	simm.s32 $0x0;
	s20 =	sshll.u32 s5, $0x1;
	s5 =	sadd.s32 s21, s3  }
0x9d: {  	[timem:s7], [sflag:s22] =	dma.local [hbm:s5], s20  }
0x9e: {  	_ =	swait.ge [sflag:s22], s20  }
0x9f: {  	s4 =	ssub.s32 $0x0, s20;
	[sflag:s22] =	ssyncset.done $0x0  }
0xa0: {  	[sflag:s22] =	ssyncadd.s32 s4;
	_ =	sdelay $0x1  }
0xa1: {  	s23 =	simm.s32 $0x1B8B  }
0xa2: {  	_ =	swait.ge [sflag:s23], $0x1  }
0xa3: {  	[sflag:s23] =	ssyncset.done $0x0  }
0xa4: {  	s25 =	simm.s32 $0x1B8E;
	s24 =	sld [smem:$0x3FFE];
	[sflag:s23] =	ssyncadd.s32 $0xFFFFFFFF  }
0xa5: {  	s26 =	simm.s32 $execute0_lowered;
	[smem:$0x3FD2] =	sst s25  }
0xa6: {  	s5 =	sshll.u32 s26, $0x1;
	_ =	strace $0x80000049;
	[dreg:$0x1] =	wrdreg $0xFFFFFFFF  }
0xa7: {  	s28 =	simm.s32 $_size_execute0_lowered;
	s3 =	sadd.s32 s3, s5;
	[dreg:$0x0] =	wrdreg $0x0  }
0xa8: {  	s5 =	sshll.u32 s28, $0x1;
	[dreg:$0x2] =	wrdreg s3  }
0xa9: {  	[dreg:$0x3] =	wrdreg s5  }
0xaa: {  	[dreg:$0x4] =	wrdreg $0xC0  }
0xab: {  	_ =	task [dreg:s7], $0x5FFFF  }
0xac: {  	[dreg:$0x1] =	wrdreg $0xFFFFFFFF  }
0xad: {  	[dreg:$0x0] =	wrdreg $0x60  }
0xae: {  	[dreg:$0x2] =	wrdreg s24  }
0xaf: {  	[dreg:$0x3] =	wrdreg s2  }
0xb0: {  	[dreg:$0x4] =	wrdreg $0x9  }
0xb1: {  	_ =	task.clear_ibuf [dreg:s7], $0x5FFFF;
	_ =	strace $0x90000049  }
0xb2: {  	s29 =	simm.s32 $0x9;
	_ =	strace $0x8000004B  }
0xb3: {  	_ =	swait.ge [sflag:s29], $0x1  }
0xb4: {  	[sflag:s29] =	ssyncadd.s32 $0xFFFFFFFF  }
0xb5: {  	_ =	strace $0x9000004B  }
0xb6: {  	_ =	sfence  }
0xb7: {  	s30 =	sld [smem:$0x0];
	_ =	sdelay $0x2  }
0xb8: {  	s31 =	sshll.u32 s1, $0xD;
	s1 =	sshrl.u32 s1, $0x2  }
0xb9: {  	s3 =	sand.u32 $0x4000, s31;
	s1 =	sadd.s32 s1, s30  }
0xba: {  	s0 =	sor.u32 s3, s0;
	s1 =	sshll.u32 s1, $0x11  }
0xbb: {  	s0 =	sor.u32 s1, s0  }
0xbc: {  	s0 =	sadd.s32 $0x8F2B, s0  }
0xbd: {  	[sflag:s0] =	ssyncadd.remote.s32 $0x1  }
0xbe: {  	_ =	sfence.sel $0xFFFF  }
0xbf: {  	[dreg:$0x0] =	wrdreg $0xFFFFFFFF;
	(pc) =	sbr.abs _section_cstart, $3  }
0xc0: {  	[dreg:$0x1] =	wrdreg $0xFFFFFFFF  }
0xc1: {  	_ =	task.clear_ibuf [dreg:s7], $0x2FFFF;
	_ =	strace $0x9FFFFFFF  }
0xc2: {  	(tm) =	ssettm $0x7FFFFFFF  }
0xc3: {  	_ =	shalt  }
tec
execute0_lowered:
.L_overlay_start_1:
0x0: {  	(tag) =	ssettag $0x1  }
0x1: {  	s8 =	rddreg [dreg:$0x0]  }
0x2: {  	s1 =	rddreg [dreg:$0x1]  }
0x3: {  	s0 =	rddreg [dreg:$0x2];
	s2 =	simm.s32 $0x0  }
0x4: {  	[smem:$0x7FF] =	sst s2  }
0x5: {  	s3 =	simm.s32 $0x1;
	s4 =	sadd.s32 $0x800, s8;
	_ =	strace $0x8000004A  }
0x6: {  	[tilespmem:s2], [sflag:$0x1] =	stream.linear.gather [hbm4b:s4+s2], $0x8000, $0x38;
	[tilespmem:$0x8180] =	vst v63  }
0x7: {  	_ =	swait.ge [sflag:s3], $0x8000  }
0x8: {  	[sflag:s3] =	ssyncset.done $0x0  }
0x9: {  	s6 =	simm.s32 $0x8000;
	[sflag:s3] =	ssyncadd.s32 $0xFFFF8000  }
0xa: {  	[tilespmem:s6], [sflag:$0x1] =	stream.linear.gather [hbm4b:s1+s2], $0x80, $0x38;
	[tilespmem:$0x8180] =	vst v63  }
0xb: {  	s7 =	srdreg.scid;
	_ =	swait.ge [sflag:s3], $0x80  }
0xc: {  	s5 =	stileid.u32;
	s9 =	sand.u32 $0x1, s7;
	[sflag:s3] =	ssyncset.done $0x0  }
0xd: {  	s30 =	sshll.u32 s5, $0x6;
	s10 =	sshll.u32 s9, $0x5;
	[sflag:s3] =	ssyncadd.s32 $0xFFFFFF80  }
0xe: {  	s7 =	sor.u32 s10, s30;
	v0 =	vld [tilespmem:$0x8000]  }
0xf: {  	v1 =	vld [tilespmem:s7+$0x0];
	_ =	sdelay $0x1  }
0x10: {  	v2 =	vld [tilespmem:s7+$0x400];
	_ =	sdelay $0x1  }
0x11: {  	v3 =	vld [tilespmem:s7+$0x800]  }
0x12: {  	v1 =	vadd.f32 v1, v0  }
0x13: {  	v4 =	vld [tilespmem:s7+$0xC00]  }
0x14: {  	v1 =	vadd.f32 v2, v1  }
0x15: {  	v61 =	vld [tilespmem:s7+$0x1000]  }
0x16: {  	v1 =	vadd.f32 v3, v1  }
0x17: {  	v62 =	vld [tilespmem:s7+$0x1400]  }
0x18: {  	v1 =	vadd.f32 v4, v1  }
0x19: {  	v63 =	vld [tilespmem:s7+$0x1800]  }
0x1a: {  	v1 =	vadd.f32 v61, v1  }
0x1b: {  	v8 =	vld [tilespmem:s7+$0x1C00]  }
0x1c: {  	v1 =	vadd.f32 v62, v1  }
0x1d: {  	v9 =	vld [tilespmem:s7+$0x2000]  }
0x1e: {  	v1 =	vadd.f32 v63, v1  }
0x1f: {  	v10 =	vld [tilespmem:s7+$0x2400]  }
0x20: {  	v1 =	vadd.f32 v8, v1  }
0x21: {  	v11 =	vld [tilespmem:s7+$0x2800]  }
0x22: {  	v1 =	vadd.f32 v9, v1  }
0x23: {  	v12 =	vld [tilespmem:s7+$0x2C00]  }
0x24: {  	v1 =	vadd.f32 v10, v1  }
0x25: {  	v13 =	vld [tilespmem:s7+$0x3000]  }
0x26: {  	v1 =	vadd.f32 v11, v1  }
0x27: {  	v14 =	vld [tilespmem:s7+$0x3400]  }
0x28: {  	v1 =	vadd.f32 v12, v1  }
0x29: {  	v15 =	vld [tilespmem:s7+$0x3800]  }
0x2a: {  	v1 =	vadd.f32 v13, v1  }
0x2b: {  	v16 =	vld [tilespmem:s7+$0x3C00]  }
0x2c: {  	v1 =	vadd.f32 v14, v1  }
0x2d: {  	v17 =	vld [tilespmem:s7+$0x4000]  }
0x2e: {  	v1 =	vadd.f32 v15, v1  }
0x2f: {  	v18 =	vld [tilespmem:s7+$0x4400]  }
0x30: {  	v1 =	vadd.f32 v16, v1  }
0x31: {  	v19 =	vld [tilespmem:s7+$0x4800]  }
0x32: {  	v1 =	vadd.f32 v17, v1  }
0x33: {  	v20 =	vld [tilespmem:s7+$0x4C00]  }
0x34: {  	v1 =	vadd.f32 v18, v1  }
0x35: {  	v21 =	vld [tilespmem:s7+$0x5000]  }
0x36: {  	v1 =	vadd.f32 v19, v1  }
0x37: {  	v22 =	vld [tilespmem:s7+$0x5400]  }
0x38: {  	v1 =	vadd.f32 v20, v1  }
0x39: {  	v23 =	vld [tilespmem:s7+$0x5800]  }
0x3a: {  	v1 =	vadd.f32 v21, v1  }
0x3b: {  	v24 =	vld [tilespmem:s7+$0x5C00]  }
0x3c: {  	v1 =	vadd.f32 v22, v1  }
0x3d: {  	v25 =	vld [tilespmem:s7+$0x6000]  }
0x3e: {  	v1 =	vadd.f32 v23, v1  }
0x3f: {  	v26 =	vld [tilespmem:s7+$0x6400]  }
0x40: {  	v1 =	vadd.f32 v24, v1  }
0x41: {  	v27 =	vld [tilespmem:s7+$0x6800]  }
0x42: {  	v1 =	vadd.f32 v25, v1  }
0x43: {  	v28 =	vld [tilespmem:s7+$0x6C00]  }
0x44: {  	v1 =	vadd.f32 v26, v1  }
0x45: {  	v29 =	vld [tilespmem:s7+$0x7000]  }
0x46: {  	v1 =	vadd.f32 v27, v1  }
0x47: {  	v30 =	vld [tilespmem:s7+$0x7400]  }
0x48: {  	v1 =	vadd.f32 v28, v1  }
0x49: {  	v31 =	vld [tilespmem:s7+$0x7800]  }
0x4a: {  	v1 =	vadd.f32 v29, v1  }
0x4b: {  	v32 =	vld [tilespmem:s7+$0x7C00]  }
0x4c: {  	v1 =	vadd.f32 v30, v1;
	_ =	sdelay $0x1  }
0x4d: {  	v1 =	vadd.f32 v31, v1;
	_ =	sdelay $0x1  }
0x4e: {  	v1 =	vadd.f32 v32, v1;
	_ =	sdelay $0x1  }
0x4f: {  	v1 =	vsub.f32 $0.0e+00, v1;
	_ =	sdelay $0x1  }
0x50: {  	v1 =	vmul.f32 $1.442695020e+00, v1;
	_ =	sdelay $0x1  }
0x51: {  	(erf) = vpow2.f32 v1;
	_ =	sdelay $0x8  }
0x52: {  	v1 =	vpop (erf)  }
0x53: {  	v1 =	vadd.f32 $1.000000000e+00, v1;
	_ =	sdelay $0x1  }
0x54: {  	(erf) = vrcp.f32 v1;
	_ =	sdelay $0x8  }
0x55: {  	v1 =	vpop (erf)  }
0x56: {  	[tilespmem:$0x8080] =	vst v1  }
0x57: {  	v1 =	vld [tilespmem:s7+$0x10];
	_ =	sdelay $0x1  }
0x58: {  	v33 =	vld [tilespmem:s7+$0x410];
	_ =	sdelay $0x1  }
0x59: {  	v34 =	vld [tilespmem:s7+$0x810]  }
0x5a: {  	v0 =	vadd.f32 v1, v0  }
0x5b: {  	v35 =	vld [tilespmem:s7+$0xC10]  }
0x5c: {  	v0 =	vadd.f32 v33, v0  }
0x5d: {  	v36 =	vld [tilespmem:s7+$0x1010]  }
0x5e: {  	v0 =	vadd.f32 v34, v0  }
0x5f: {  	v37 =	vld [tilespmem:s7+$0x1410]  }
0x60: {  	v0 =	vadd.f32 v35, v0  }
0x61: {  	v38 =	vld [tilespmem:s7+$0x1810]  }
0x62: {  	v0 =	vadd.f32 v36, v0  }
0x63: {  	v39 =	vld [tilespmem:s7+$0x1C10]  }
0x64: {  	v0 =	vadd.f32 v37, v0  }
0x65: {  	v40 =	vld [tilespmem:s7+$0x2010]  }
0x66: {  	v0 =	vadd.f32 v38, v0  }
0x67: {  	v41 =	vld [tilespmem:s7+$0x2410]  }
0x68: {  	v0 =	vadd.f32 v39, v0  }
0x69: {  	v42 =	vld [tilespmem:s7+$0x2810]  }
0x6a: {  	v0 =	vadd.f32 v40, v0  }
0x6b: {  	v43 =	vld [tilespmem:s7+$0x2C10]  }
0x6c: {  	v0 =	vadd.f32 v41, v0  }
0x6d: {  	v44 =	vld [tilespmem:s7+$0x3010]  }
0x6e: {  	v0 =	vadd.f32 v42, v0  }
0x6f: {  	v45 =	vld [tilespmem:s7+$0x3410]  }
0x70: {  	v0 =	vadd.f32 v43, v0  }
0x71: {  	v46 =	vld [tilespmem:s7+$0x3810]  }
0x72: {  	v0 =	vadd.f32 v44, v0  }
0x73: {  	v47 =	vld [tilespmem:s7+$0x3C10]  }
0x74: {  	v0 =	vadd.f32 v45, v0  }
0x75: {  	v48 =	vld [tilespmem:s7+$0x4010]  }
0x76: {  	v0 =	vadd.f32 v46, v0  }
0x77: {  	v49 =	vld [tilespmem:s7+$0x4410]  }
0x78: {  	v0 =	vadd.f32 v47, v0  }
0x79: {  	v50 =	vld [tilespmem:s7+$0x4810]  }
0x7a: {  	v0 =	vadd.f32 v48, v0  }
0x7b: {  	v51 =	vld [tilespmem:s7+$0x4C10]  }
0x7c: {  	v0 =	vadd.f32 v49, v0  }
0x7d: {  	v52 =	vld [tilespmem:s7+$0x5010]  }
0x7e: {  	v0 =	vadd.f32 v50, v0  }
0x7f: {  	v53 =	vld [tilespmem:s7+$0x5410]  }
0x80: {  	v0 =	vadd.f32 v51, v0  }
0x81: {  	v54 =	vld [tilespmem:s7+$0x5810]  }
0x82: {  	v0 =	vadd.f32 v52, v0  }
0x83: {  	v55 =	vld [tilespmem:s7+$0x5C10]  }
0x84: {  	v0 =	vadd.f32 v53, v0  }
0x85: {  	v56 =	vld [tilespmem:s7+$0x6010]  }
0x86: {  	v0 =	vadd.f32 v54, v0  }
0x87: {  	v57 =	vld [tilespmem:s7+$0x6410]  }
0x88: {  	v0 =	vadd.f32 v55, v0  }
0x89: {  	v58 =	vld [tilespmem:s7+$0x6810]  }
0x8a: {  	v0 =	vadd.f32 v56, v0  }
0x8b: {  	v59 =	vld [tilespmem:s7+$0x6C10]  }
0x8c: {  	v0 =	vadd.f32 v57, v0  }
0x8d: {  	v60 =	vld [tilespmem:s7+$0x7010]  }
0x8e: {  	v0 =	vadd.f32 v58, v0  }
0x8f: {  	v61 =	vld [tilespmem:s7+$0x7410]  }
0x90: {  	v0 =	vadd.f32 v59, v0  }
0x91: {  	v62 =	vld [tilespmem:s7+$0x7810]  }
0x92: {  	v0 =	vadd.f32 v60, v0  }
0x93: {  	v63 =	vld [tilespmem:s7+$0x7C10]  }
0x94: {  	v0 =	vadd.f32 v61, v0;
	_ =	sdelay $0x1  }
0x95: {  	v0 =	vadd.f32 v62, v0;
	_ =	sdelay $0x1  }
0x96: {  	v0 =	vadd.f32 v63, v0;
	_ =	sdelay $0x1  }
0x97: {  	v0 =	vsub.f32 $0.0e+00, v0;
	_ =	sdelay $0x1  }
0x98: {  	v0 =	vmul.f32 $1.442695020e+00, v0;
	_ =	sdelay $0x1  }
0x99: {  	(erf) = vpow2.f32 v0;
	_ =	sdelay $0x8  }
0x9a: {  	v0 =	vpop (erf)  }
0x9b: {  	v0 =	vadd.f32 $1.000000000e+00, v0;
	_ =	sdelay $0x1  }
0x9c: {  	(erf) = vrcp.f32 v0;
	_ =	sdelay $0x2  }
0x9d: {  	s9 =	ssub.s32 $0x2, s9  }
0x9e: {  	s31 =	sshrl.u32 s9, $0x1  }
0x9f: {  	s9 =	ssub.s32 s9, s31  }
0xa0: {  	s10 =	smax.u32 s9, $0x1  }
0xa1: {  	p0 =	sne.s32 s10, $0x1  }
.Ltmp0:
0xa2: {  	_ = 	snop;
	(pc) =	sbr.rel @!p0 .LBB2_2-.Ltmp0, $4  }
0xa3: {  	s8 =	sadd.s32 s7, s8;
	v0 =	vpop (erf)  }
0xa4: {  	s8 =	sadd.s32 $0x1800, s8;
	s9 =	simm.s32 $0x8080;
	[tilespmem:$0x8100] =	vst v0  }
0xa5: {  	[hbm4b:s8+s2] =	stream.linear.scatter [tilespmem:s9], [sflag:$0x1], $0x100, $0x38;
	[tilespmem:$0x8180] =	vst v63  }
0xa6: {  	s10 =	sadd.s32 $0xFFFFFFFF, s10;
	_ =	swait.ge [sflag:s3], $0x100  }
.LBB2_1:
0xa7: {  	p0 =	sne.s32 s10, $0x1;
	s10 =	sadd.s32 $0xFFFFFFFF, s10;
	[sflag:s3] =	ssyncset.done $0x0  }
0xa8: {  	[sflag:s3] =	ssyncadd.s32 $0xFFFFFF00  }
0xa9: {  	[tilespmem:s2], [sflag:$0x1] =	stream.linear.gather [hbm4b:s4+s2], $0x8000, $0x38;
	[tilespmem:$0x8180] =	vst v63  }
0xaa: {  	_ =	swait.ge [sflag:s3], $0x8000  }
0xab: {  	[sflag:s3] =	ssyncset.done $0x0  }
0xac: {  	[sflag:s3] =	ssyncadd.s32 $0xFFFF8000  }
0xad: {  	[tilespmem:s6], [sflag:$0x1] =	stream.linear.gather [hbm4b:s1+s2], $0x80, $0x38;
	[tilespmem:$0x8180] =	vst v63  }
0xae: {  	_ =	swait.ge [sflag:s3], $0x80  }
0xaf: {  	[sflag:s3] =	ssyncset.done $0x0  }
0xb0: {  	[sflag:s3] =	ssyncadd.s32 $0xFFFFFF80  }
0xb1: {  	v0 =	vld [tilespmem:$0x8000]  }
0xb2: {  	v1 =	vld [tilespmem:s7+$0x0]  }
0xb3: {  	v2 =	vld [tilespmem:s7+$0x400];
	_ =	sdelay $0x1  }
0xb4: {  	v3 =	vld [tilespmem:s7+$0x800];
	_ =	sdelay $0x1  }
0xb5: {  	v1 =	vadd.f32 v1, v0;
	v4 =	vld [tilespmem:s7+$0xC00];
	_ =	sdelay $0x1  }
0xb6: {  	v1 =	vadd.f32 v2, v1;
	v2 =	vld [tilespmem:s7+$0x1000];
	_ =	sdelay $0x1  }
0xb7: {  	v1 =	vadd.f32 v3, v1;
	v3 =	vld [tilespmem:s7+$0x1400];
	_ =	sdelay $0x1  }
0xb8: {  	v1 =	vadd.f32 v4, v1;
	v4 =	vld [tilespmem:s7+$0x1800];
	_ =	sdelay $0x1  }
0xb9: {  	v1 =	vadd.f32 v2, v1;
	v2 =	vld [tilespmem:s7+$0x1C00];
	_ =	sdelay $0x1  }
0xba: {  	v1 =	vadd.f32 v3, v1;
	v3 =	vld [tilespmem:s7+$0x2000];
	_ =	sdelay $0x1  }
0xbb: {  	v1 =	vadd.f32 v4, v1;
	v4 =	vld [tilespmem:s7+$0x2400];
	_ =	sdelay $0x1  }
0xbc: {  	v1 =	vadd.f32 v2, v1;
	v2 =	vld [tilespmem:s7+$0x2800];
	_ =	sdelay $0x1  }
0xbd: {  	v1 =	vadd.f32 v3, v1;
	v3 =	vld [tilespmem:s7+$0x2C00];
	_ =	sdelay $0x1  }
0xbe: {  	v1 =	vadd.f32 v4, v1;
	v4 =	vld [tilespmem:s7+$0x3000];
	_ =	sdelay $0x1  }
0xbf: {  	v1 =	vadd.f32 v2, v1;
	v2 =	vld [tilespmem:s7+$0x3400];
	_ =	sdelay $0x1  }
0xc0: {  	v1 =	vadd.f32 v3, v1;
	v3 =	vld [tilespmem:s7+$0x3800];
	_ =	sdelay $0x1  }
0xc1: {  	v1 =	vadd.f32 v4, v1;
	v4 =	vld [tilespmem:s7+$0x3C00];
	_ =	sdelay $0x1  }
0xc2: {  	v1 =	vadd.f32 v2, v1;
	v2 =	vld [tilespmem:s7+$0x4000];
	_ =	sdelay $0x1  }
0xc3: {  	v1 =	vadd.f32 v3, v1;
	v3 =	vld [tilespmem:s7+$0x4400];
	_ =	sdelay $0x1  }
0xc4: {  	v1 =	vadd.f32 v4, v1;
	v4 =	vld [tilespmem:s7+$0x4800];
	_ =	sdelay $0x1  }
0xc5: {  	v1 =	vadd.f32 v2, v1;
	v2 =	vld [tilespmem:s7+$0x4C00];
	_ =	sdelay $0x1  }
0xc6: {  	v1 =	vadd.f32 v3, v1;
	v3 =	vld [tilespmem:s7+$0x5000];
	_ =	sdelay $0x1  }
0xc7: {  	v1 =	vadd.f32 v4, v1;
	v4 =	vld [tilespmem:s7+$0x5400];
	_ =	sdelay $0x1  }
0xc8: {  	v1 =	vadd.f32 v2, v1;
	v2 =	vld [tilespmem:s7+$0x5800];
	_ =	sdelay $0x1  }
0xc9: {  	v1 =	vadd.f32 v3, v1;
	v3 =	vld [tilespmem:s7+$0x5C00];
	_ =	sdelay $0x1  }
0xca: {  	v1 =	vadd.f32 v4, v1;
	v4 =	vld [tilespmem:s7+$0x6000];
	_ =	sdelay $0x1  }
0xcb: {  	v1 =	vadd.f32 v2, v1;
	v2 =	vld [tilespmem:s7+$0x6400];
	_ =	sdelay $0x1  }
0xcc: {  	v1 =	vadd.f32 v3, v1;
	v3 =	vld [tilespmem:s7+$0x6800];
	_ =	sdelay $0x1  }
0xcd: {  	v1 =	vadd.f32 v4, v1;
	v4 =	vld [tilespmem:s7+$0x6C00];
	_ =	sdelay $0x1  }
0xce: {  	v1 =	vadd.f32 v2, v1;
	v2 =	vld [tilespmem:s7+$0x7000];
	_ =	sdelay $0x1  }
0xcf: {  	v1 =	vadd.f32 v3, v1;
	v3 =	vld [tilespmem:s7+$0x7400];
	_ =	sdelay $0x1  }
0xd0: {  	v1 =	vadd.f32 v4, v1;
	v4 =	vld [tilespmem:s7+$0x7800];
	_ =	sdelay $0x1  }
0xd1: {  	v1 =	vadd.f32 v2, v1;
	v2 =	vld [tilespmem:s7+$0x7C00];
	_ =	sdelay $0x1  }
0xd2: {  	v1 =	vadd.f32 v3, v1;
	_ =	sdelay $0x1  }
0xd3: {  	v1 =	vadd.f32 v4, v1;
	_ =	sdelay $0x1  }
0xd4: {  	v1 =	vadd.f32 v2, v1;
	_ =	sdelay $0x1  }
0xd5: {  	v1 =	vsub.f32 $0.0e+00, v1;
	_ =	sdelay $0x1  }
0xd6: {  	v1 =	vmul.f32 $1.442695020e+00, v1;
	_ =	sdelay $0x1  }
0xd7: {  	(erf) = vpow2.f32 v1;
	_ =	sdelay $0x8  }
0xd8: {  	v1 =	vpop (erf)  }
0xd9: {  	v1 =	vadd.f32 $1.000000000e+00, v1;
	_ =	sdelay $0x1  }
0xda: {  	(erf) = vrcp.f32 v1;
	_ =	sdelay $0x8  }
0xdb: {  	v1 =	vpop (erf)  }
0xdc: {  	[tilespmem:$0x8080] =	vst v1  }
0xdd: {  	v1 =	vld [tilespmem:s7+$0x10]  }
0xde: {  	v2 =	vld [tilespmem:s7+$0x410];
	_ =	sdelay $0x1  }
0xdf: {  	v3 =	vld [tilespmem:s7+$0x810];
	_ =	sdelay $0x1  }
0xe0: {  	v0 =	vadd.f32 v1, v0;
	v1 =	vld [tilespmem:s7+$0xC10];
	_ =	sdelay $0x1  }
0xe1: {  	v0 =	vadd.f32 v2, v0;
	v2 =	vld [tilespmem:s7+$0x1010];
	_ =	sdelay $0x1  }
0xe2: {  	v0 =	vadd.f32 v3, v0;
	v3 =	vld [tilespmem:s7+$0x1410];
	_ =	sdelay $0x1  }
0xe3: {  	v0 =	vadd.f32 v1, v0;
	v1 =	vld [tilespmem:s7+$0x1810];
	_ =	sdelay $0x1  }
0xe4: {  	v0 =	vadd.f32 v2, v0;
	v2 =	vld [tilespmem:s7+$0x1C10];
	_ =	sdelay $0x1  }
0xe5: {  	v0 =	vadd.f32 v3, v0;
	v3 =	vld [tilespmem:s7+$0x2010];
	_ =	sdelay $0x1  }
0xe6: {  	v0 =	vadd.f32 v1, v0;
	v1 =	vld [tilespmem:s7+$0x2410];
	_ =	sdelay $0x1  }
0xe7: {  	v0 =	vadd.f32 v2, v0;
	v2 =	vld [tilespmem:s7+$0x2810];
	_ =	sdelay $0x1  }
0xe8: {  	v0 =	vadd.f32 v3, v0;
	v3 =	vld [tilespmem:s7+$0x2C10];
	_ =	sdelay $0x1  }
0xe9: {  	v0 =	vadd.f32 v1, v0;
	v1 =	vld [tilespmem:s7+$0x3010];
	_ =	sdelay $0x1  }
0xea: {  	v0 =	vadd.f32 v2, v0;
	v2 =	vld [tilespmem:s7+$0x3410];
	_ =	sdelay $0x1  }
0xeb: {  	v0 =	vadd.f32 v3, v0;
	v3 =	vld [tilespmem:s7+$0x3810];
	_ =	sdelay $0x1  }
0xec: {  	v0 =	vadd.f32 v1, v0;
	v1 =	vld [tilespmem:s7+$0x3C10];
	_ =	sdelay $0x1  }
0xed: {  	v0 =	vadd.f32 v2, v0;
	v2 =	vld [tilespmem:s7+$0x4010];
	_ =	sdelay $0x1  }
0xee: {  	v0 =	vadd.f32 v3, v0;
	v3 =	vld [tilespmem:s7+$0x4410];
	_ =	sdelay $0x1  }
0xef: {  	v0 =	vadd.f32 v1, v0;
	v1 =	vld [tilespmem:s7+$0x4810];
	_ =	sdelay $0x1  }
0xf0: {  	v0 =	vadd.f32 v2, v0;
	v2 =	vld [tilespmem:s7+$0x4C10];
	_ =	sdelay $0x1  }
0xf1: {  	v0 =	vadd.f32 v3, v0;
	v3 =	vld [tilespmem:s7+$0x5010];
	_ =	sdelay $0x1  }
0xf2: {  	v0 =	vadd.f32 v1, v0;
	v1 =	vld [tilespmem:s7+$0x5410];
	_ =	sdelay $0x1  }
0xf3: {  	v0 =	vadd.f32 v2, v0;
	v2 =	vld [tilespmem:s7+$0x5810];
	_ =	sdelay $0x1  }
0xf4: {  	v0 =	vadd.f32 v3, v0;
	v3 =	vld [tilespmem:s7+$0x5C10];
	_ =	sdelay $0x1  }
0xf5: {  	v0 =	vadd.f32 v1, v0;
	v1 =	vld [tilespmem:s7+$0x6010];
	_ =	sdelay $0x1  }
0xf6: {  	v0 =	vadd.f32 v2, v0;
	v2 =	vld [tilespmem:s7+$0x6410];
	_ =	sdelay $0x1  }
0xf7: {  	v0 =	vadd.f32 v3, v0;
	v3 =	vld [tilespmem:s7+$0x6810];
	_ =	sdelay $0x1  }
0xf8: {  	v0 =	vadd.f32 v1, v0;
	v1 =	vld [tilespmem:s7+$0x6C10];
	_ =	sdelay $0x1  }
0xf9: {  	v0 =	vadd.f32 v2, v0;
	v2 =	vld [tilespmem:s7+$0x7010];
	_ =	sdelay $0x1  }
0xfa: {  	v0 =	vadd.f32 v3, v0;
	v3 =	vld [tilespmem:s7+$0x7410];
	_ =	sdelay $0x1  }
0xfb: {  	v0 =	vadd.f32 v1, v0;
	v1 =	vld [tilespmem:s7+$0x7810];
	_ =	sdelay $0x1  }
0xfc: {  	v0 =	vadd.f32 v2, v0;
	v2 =	vld [tilespmem:s7+$0x7C10];
	_ =	sdelay $0x1  }
0xfd: {  	v0 =	vadd.f32 v3, v0;
	_ =	sdelay $0x1  }
0xfe: {  	v0 =	vadd.f32 v1, v0;
	_ =	sdelay $0x1  }
0xff: {  	v0 =	vadd.f32 v2, v0;
	_ =	sdelay $0x1  }
0x100: {  	v0 =	vsub.f32 $0.0e+00, v0;
	_ =	sdelay $0x1  }
0x101: {  	v0 =	vmul.f32 $1.442695020e+00, v0;
	_ =	sdelay $0x1  }
0x102: {  	(erf) = vpow2.f32 v0;
	_ =	sdelay $0x8  }
0x103: {  	v0 =	vpop (erf)  }
0x104: {  	v0 =	vadd.f32 $1.000000000e+00, v0;
	_ =	sdelay $0x1  }
0x105: {  	(erf) = vrcp.f32 v0;
	_ =	sdelay $0x7  }
.Ltmp1:
0x106: {  	(pc) =	sbr.rel @p0 .LBB2_1-.Ltmp1, $4  }
0x107: {  	v0 =	vpop (erf)  }
0x108: {  	[tilespmem:$0x8100] =	vst v0  }
0x109: {  	[hbm4b:s8+s2] =	stream.linear.scatter [tilespmem:s9], [sflag:$0x1], $0x100, $0x38;
	[tilespmem:$0x8180] =	vst v63  }
0x10a: {  	_ =	swait.ge [sflag:s3], $0x100  }
.LBB2_2:
0x10b: {  	[sflag:s3] =	ssyncset.done $0x0  }
0x10c: {  	[sflag:s3] =	ssyncadd.s32 $0xFFFFFF00  }
0x10d: {  	_ =	sfence.sel $0x180000  }
0x10e: {  	[bflag:$0x0] =	sbarrier.arrive $0xFFFF  }
0x10f: {  	p0 =	sne.s32 s5, $0x0;
	_ =	strace $0x9000004A  }
0x110: {  	s0 =	sadd.s32 @!p0 $0x100000, s0;
	[bflag:$0x2] =	sbarrier.arrive $0xFFFF  }
0x111: {  	[sflag:s0] =	ssyncadd.tile.s32 @!p0 $0x1;
	_ =	shalt  }
.Lfunc_end2:
_tile_overlayer_lowered:
.L_overlay_start_2:
0x112: {  	(tag) =	ssettag $0x2  }
0x113: {  	s0 =	rddreg [dreg:$0x0];
	s2 =	stileid.u32  }
0x114: {  	s1 =	rddreg [dreg:$0x1];
	p0 =	sne.s32 s2, $0x0  }
0x115: {  	s3 =	rddreg [dreg:$0x2];
	[bflag:$0x3] =	sbarrier.arrive $0xFFFF;
	s2 =	simm.s32 @!p0 $0x1C01  }
0x116: {  	[timem:s3], [sflag:s2] =	dma.local @!p0 [hbm:s0], s1  }
0x117: {  	s0 =	simm.s32 @!p0 $0x1  }
0x118: {  	_ =	swait.ge @!p0 [sflag:s0], s1  }
0x119: {  	s1 =	ssub.s32 @!p0 $0x0, s1;
	[sflag:s0] =	ssyncset.done @!p0 $0x0  }
0x11a: {  	[sflag:s0] =	ssyncadd.s32 @!p0 s1  }
0x11b: {  	[bflag:$0x3] =	sbarrier.arrive $0xFFFF  }
0x11c: {  	_ =	shalt  }

</sc_bundles>
